<compile_context>
chip_gen: v7x
topology: tpu7x:2x2x1
jax: 0.10.2.dev20260603
libtpu: 0.0.44.dev20260713+nightly
codegen_flags: <defaults>
</compile_context>

<pallas_src>
import functools

import jax
import jax.numpy as jnp
from jax import lax
from jax.experimental import pallas as pl
from jax.experimental.pallas import tpu as pltpu
from jax.experimental.pallas import tpu_sc as plsc

NC = 2
NS = 16
NW = NC * NS
LANES = 16
SEQ_PER_BLK = 2
SLOTS = 4


def _build(B, L, E):
    assert B % NW == 0
    seqs_per_w = B // NW
    assert seqs_per_w % SEQ_PER_BLK == 0
    nblocks = seqs_per_w // SEQ_PER_BLK
    assert nblocks % SLOTS == 0
    nsteps = nblocks // SLOTS
    chunks = []
    off = 0
    while off < L:
        n = min(128, L - off)
        assert n % 8 == 0 and off % 8 == 0
        chunks.append((off, n))
        off += n

    mesh = plsc.VectorSubcoreMesh(
        core_axis_name="c", subcore_axis_name="s",
        num_cores=NC, num_subcores=NS)

    @functools.partial(
        pl.kernel,
        out_type=jax.ShapeDtypeStruct((B, L, 2 * E), jnp.float32),
        mesh=mesh,
        compiler_params=pltpu.CompilerParams(use_tc_tiling_on_sc=False),
        scratch_types=[
            pltpu.VMEM((SLOTS, SEQ_PER_BLK, L), jnp.int32),
            pltpu.VMEM((SLOTS, SEQ_PER_BLK, L, E), jnp.float32),
            pltpu.VMEM((L, E), jnp.float32),
            pltpu.SemaphoreType.DMA((SLOTS,)),
            pltpu.SemaphoreType.DMA((SLOTS,)),
            pltpu.SemaphoreType.DMA((SLOTS,)),
        ],
    )
    def emb_kernel(idx_hbm, tok_hbm, pos_hbm, out_hbm,
                   idx_v, rows_v, pos_v, isems, gsems, osems):
        wid = lax.axis_index("s") * NC + lax.axis_index("c")
        seq_base = wid * seqs_per_w

        pltpu.sync_copy(pos_hbm, pos_v)

        def idx_issue(j, t):
            pltpu.async_copy(
                idx_hbm.at[pl.ds(seq_base + j * SEQ_PER_BLK, SEQ_PER_BLK)],
                idx_v.at[t], isems.at[t])

        def idx_wait(t):
            pltpu.make_async_copy(idx_hbm.at[pl.ds(0, SEQ_PER_BLK)],
                                  idx_v.at[t], isems.at[t]).wait()

        def gather_issue(s):
            for q in range(SEQ_PER_BLK):
                for off, n in chunks:
                    pltpu.async_copy(
                        tok_hbm.at[idx_v.at[s, q, pl.ds(off, n)]],
                        rows_v.at[s, q, pl.ds(off, n)],
                        gsems.at[s])

        def gather_wait(s):
            pltpu.make_async_copy(out_hbm.at[pl.ds(0, SEQ_PER_BLK)],
                                  rows_v.at[s], gsems.at[s]).wait()

        def scatter_issue(j, s):
            pltpu.async_copy(
                rows_v.at[s],
                out_hbm.at[pl.ds(seq_base + j * SEQ_PER_BLK, SEQ_PER_BLK),
                           pl.ds(0, L), pl.ds(0, E)],
                osems.at[s])

        def scatter_wait(s):
            pltpu.make_async_copy(
                rows_v.at[s],
                out_hbm.at[pl.ds(0, SEQ_PER_BLK), pl.ds(0, L), pl.ds(0, E)],
                osems.at[s]).wait()

        def add_pos(s):
            def body(l, c):
                for k in range(E // LANES):
                    pv = pos_v[l, pl.ds(k * LANES, LANES)]
                    for q in range(SEQ_PER_BLK):
                        plsc.addupdate(
                            rows_v.at[s, q, l, pl.ds(k * LANES, LANES)], pv)
                return c
            lax.fori_loop(0, L, body, 0)

        pltpu.sync_copy(idx_hbm.at[pl.ds(seq_base, SEQ_PER_BLK)], idx_v.at[0])
        gather_issue(0)
        idx_issue(1, 1)

        def step_body(g, carry):
            for s in range(SLOTS):
                j = SLOTS * g + s

                def do_step():
                    idx_wait(s)
                    gather_issue(s)

                def do_osem_wait():
                    scatter_wait(s)

                def do_idx_issue():
                    idx_issue(j + 1, (s + 1) % SLOTS)

                def do_compute():
                    sp = (s - 1) % SLOTS
                    gather_wait(sp)
                    add_pos(sp)
                    scatter_issue(j - 1, sp)

                if s == 0:
                    pl.when(g > 0)(do_osem_wait)
                    pl.when(g > 0)(do_step)
                    pl.when(g > 0)(do_idx_issue)
                    pl.when(g > 0)(do_compute)
                else:
                    pl.when(g > 0)(do_osem_wait)
                    do_step()
                    if s == SLOTS - 1:
                        pl.when(g < nsteps - 1)(do_idx_issue)
                    else:
                        do_idx_issue()
                    do_compute()
            return carry

        lax.fori_loop(0, nsteps, step_body, 0)

        last = SLOTS - 1
        gather_wait(last)
        add_pos(last)
        scatter_issue(nblocks - 1, last)
        for s in range(SLOTS):
            scatter_wait(s)

    return emb_kernel


@jax.jit
def kernel(inputs, token_table, pos_table):
    B, L = inputs.shape
    E = token_table.shape[1]
    emb = _build(B, L, E)
    out_pad = emb(inputs.astype(jnp.int32), token_table, pos_table)
    return lax.slice(out_pad, (0, 0, 0), (B, L, E))

# --- scband reference (transcript-rebuilt; emitter-appended) ---
"""Pipeline reference for scband-positional-embedding-59863254172660 (READ-ONLY COPY).

The authoritative reference and input builder live on the scoring server;
editing this copy changes nothing except your own understanding.
"""

import jax, jax.numpy as jnp
import numpy as np

VOCAB = 1000000
SEQ_LEN = 200
EMBED = 64
BATCH = 4096

def setup_inputs(seed: int = 0) -> dict:
    key = jax.random.key(seed)
    k1, k2, k3 = jax.random.split(key, 3)
    inputs = jax.random.randint(k1, (BATCH, SEQ_LEN), 0, VOCAB, dtype=jnp.int64 if jax.config.jax_enable_x64 else jnp.int32)
    token_table = jax.random.normal(k2, (VOCAB, EMBED), dtype=jnp.float32) * 0.02
    pos_table = jax.random.normal(k3, (SEQ_LEN, EMBED), dtype=jnp.float32) * 0.02
    return {"inputs": inputs, "token_table": token_table, "pos_table": pos_table}

def reference(inputs, token_table, pos_table):
    # Faithful translation of PositionalEmbedding.call
    length = inputs.shape[-1]
    positions = jnp.arange(0, length)
    embedded_tokens = jnp.take(token_table, inputs, axis=0)          # [B, L, E]
    embedded_positions = jnp.take(pos_table, positions, axis=0)     # [L, E]
    return embedded_tokens + embedded_positions[None, :, :]

if __name__ == "__main__":
    import jax
    _d = setup_inputs()
    print(jax.jit(kernel)(*tuple(_d.values())))

</pallas_src>

<mosaic_0001>
#map = affine_map<(d0, d1) -> (0, 0)>
#map1 = affine_map<(d0, d1) -> (0, 0, 0)>
module attributes {stable_mosaic.version = 14 : i64} {
  func.func @emb_kernel(%arg0: i32, %arg1: i32, %arg2: memref<4096x200xi32, #tpu.memory_space<hbm>>, %arg3: memref<1000000x64xf32, #tpu.memory_space<hbm>>, %arg4: memref<200x64xf32, #tpu.memory_space<hbm>>, %arg5: memref<4096x200x128xf32, #tpu.memory_space<hbm>>, %arg6: memref<4x2x200xi32, #tpu.memory_space<vmem>>, %arg7: memref<4x2x200x64xf32, #tpu.memory_space<vmem>>, %arg8: memref<200x64xf32, #tpu.memory_space<vmem>>, %arg9: memref<4x!tpu.dma_semaphore, #tpu.memory_space<semaphore_mem>>, %arg10: memref<4x!tpu.dma_semaphore, #tpu.memory_space<semaphore_mem>>, %arg11: memref<4x!tpu.dma_semaphore, #tpu.memory_space<semaphore_mem>>) attributes {dimension_semantics = [#tpu.dimension_semantics<core_parallel>, #tpu.dimension_semantics<subcore_parallel>], iteration_bounds = array<i64: 2, 16>, scalar_prefetch = 0 : i64, scratch_operands = 6 : i64, tpu.core_type = #tpu.core_type<sc_vector_subcore>, window_params = [{transform_indices = #map}, {transform_indices = #map}, {transform_indices = #map}, {transform_indices = #map1}]} {
    %mul3A = arith.constant 2 : i32
    %mul3A_0 = arith.muli %arg1, %mul3A : i32
    %add3A = arith.addi %mul3A_0, %arg0 : i32
    %mul3A_1 = arith.constant 128 : i32
    %mul3A_2 = arith.muli %add3A, %mul3A_1 : i32
    "tpu.region"() ({
      %run_scoped3A_230 = tpu.sem_alloc : memref<!tpu.dma_semaphore, #tpu.memory_space<semaphore_mem>>
      tpu.enqueue_dma source(%arg4 : memref<200x64xf32, #tpu.memory_space<hbm>>) target(%arg8 : memref<200x64xf32, #tpu.memory_space<vmem>>) target_semaphore(%run_scoped3A_230 : memref<!tpu.dma_semaphore, #tpu.memory_space<semaphore_mem>>)
      tpu.wait_dma2 semaphore(%run_scoped3A_230 : memref<!tpu.dma_semaphore, #tpu.memory_space<semaphore_mem>>) src(%arg4 : memref<200x64xf32, #tpu.memory_space<hbm>>) dst(%arg8 : memref<200x64xf32, #tpu.memory_space<vmem>>)
      tpu.yield
    }) : () -> ()
    %run_scoped3A = arith.constant 0 : i32
    "tpu.region"() ({
      %run_scoped3A_230 = tpu.sem_alloc : memref<!tpu.dma_semaphore, #tpu.memory_space<semaphore_mem>>
      %dma_start3A_231 = arith.constant 0 : i32
      %dma_start3A_232 = arith.constant 0 : i32
      %dma_start3A_233 = tpu.memref_slice %arg6[%run_scoped3A, %dma_start3A_231, %dma_start3A_232] : memref<4x2x200xi32, #tpu.memory_space<vmem>> -> memref<1x2x200xi32, #tpu.memory_space<vmem>>
      %dma_start3A_234 = tpu.memref_squeeze %dma_start3A_233 : memref<1x2x200xi32, #tpu.memory_space<vmem>> -> memref<2x200xi32, #tpu.memory_space<vmem>>
      %dma_start3A_235 = arith.constant 0 : i32
      %dma_start3A_236 = tpu.memref_slice %arg2[%mul3A_2, %dma_start3A_235] : memref<4096x200xi32, #tpu.memory_space<hbm>> -> memref<2x200xi32, #tpu.memory_space<hbm>>
      %dma_start3A_237 = arith.constant 0 : i32
      %dma_start3A_238 = arith.constant 0 : i32
      %dma_start3A_239 = tpu.memref_slice %arg6[%run_scoped3A, %dma_start3A_237, %dma_start3A_238] : memref<4x2x200xi32, #tpu.memory_space<vmem>> -> memref<1x2x200xi32, #tpu.memory_space<vmem>>
      %dma_start3A_240 = tpu.memref_squeeze %dma_start3A_239 : memref<1x2x200xi32, #tpu.memory_space<vmem>> -> memref<2x200xi32, #tpu.memory_space<vmem>>
      %dma_start3A_241 = arith.constant 0 : i32
      %dma_start3A_242 = tpu.memref_slice %arg2[%mul3A_2, %dma_start3A_241] : memref<4096x200xi32, #tpu.memory_space<hbm>> -> memref<2x200xi32, #tpu.memory_space<hbm>>
      tpu.enqueue_dma source(%dma_start3A_242 : memref<2x200xi32, #tpu.memory_space<hbm>>) target(%dma_start3A_240 : memref<2x200xi32, #tpu.memory_space<vmem>>) target_semaphore(%run_scoped3A_230 : memref<!tpu.dma_semaphore, #tpu.memory_space<semaphore_mem>>)
      %dma_wait3A_243 = arith.constant 0 : i32
      %dma_wait3A_244 = arith.constant 0 : i32
      %dma_wait3A_245 = tpu.memref_slice %arg6[%run_scoped3A, %dma_wait3A_243, %dma_wait3A_244] : memref<4x2x200xi32, #tpu.memory_space<vmem>> -> memref<1x2x200xi32, #tpu.memory_space<vmem>>
      %dma_wait3A_246 = tpu.memref_squeeze %dma_wait3A_245 : memref<1x2x200xi32, #tpu.memory_space<vmem>> -> memref<2x200xi32, #tpu.memory_space<vmem>>
      %dma_wait3A_247 = arith.constant 0 : i32
      %dma_wait3A_248 = tpu.memref_slice %arg2[%mul3A_2, %dma_wait3A_247] : memref<4096x200xi32, #tpu.memory_space<hbm>> -> memref<2x200xi32, #tpu.memory_space<hbm>>
      %dma_wait3A_249 = arith.constant 0 : i32
      %dma_wait3A_250 = arith.constant 0 : i32
      %dma_wait3A_251 = tpu.memref_slice %arg6[%run_scoped3A, %dma_wait3A_249, %dma_wait3A_250] : memref<4x2x200xi32, #tpu.memory_space<vmem>> -> memref<1x2x200xi32, #tpu.memory_space<vmem>>
      %dma_wait3A_252 = tpu.memref_squeeze %dma_wait3A_251 : memref<1x2x200xi32, #tpu.memory_space<vmem>> -> memref<2x200xi32, #tpu.memory_space<vmem>>
      %dma_wait3A_253 = arith.constant 0 : i32
      %dma_wait3A_254 = tpu.memref_slice %arg2[%mul3A_2, %dma_wait3A_253] : memref<4096x200xi32, #tpu.memory_space<hbm>> -> memref<2x200xi32, #tpu.memory_space<hbm>>
      tpu.wait_dma2 semaphore(%run_scoped3A_230 : memref<!tpu.dma_semaphore, #tpu.memory_space<semaphore_mem>>) src(%dma_wait3A_254 : memref<2x200xi32, #tpu.memory_space<hbm>>) dst(%dma_wait3A_252 : memref<2x200xi32, #tpu.memory_space<vmem>>)
      tpu.yield
    }) : () -> ()
    %dma_start3A = arith.constant 0 : i32
    %dma_start3A_3 = arith.constant 0 : i32
    %dma_start3A_4 = arith.constant 0 : i32
    %dma_start3A_5 = arith.constant 0 : i32
    %dma_start3A_6 = arith.constant 0 : i32
    %dma_start3A_7 = arith.constant 0 : i32
    %dma_start3A_8 = arith.constant 0 : i32
    %dma_start3A_9 = tpu.memref_slice %arg7[%dma_start3A_4, %dma_start3A_5, %dma_start3A_7, %dma_start3A_8] : memref<4x2x200x64xf32, #tpu.memory_space<vmem>> -> memref<1x1x128x64xf32, #tpu.memory_space<vmem>>
    %dma_start3A_10 = tpu.memref_squeeze %dma_start3A_9 : memref<1x1x128x64xf32, #tpu.memory_space<vmem>> -> memref<128x64xf32, #tpu.memory_space<vmem>>
    %dma_start3A_11 = arith.constant 0 : i32
    %dma_start3A_12 = tpu.memref_slice %arg6[%dma_start3A, %dma_start3A_3, %dma_start3A_11] : memref<4x2x200xi32, #tpu.memory_space<vmem>> -> memref<1x1x128xi32, #tpu.memory_space<vmem>>
    %dma_start3A_13 = tpu.memref_squeeze %dma_start3A_12 : memref<1x1x128xi32, #tpu.memory_space<vmem>> -> memref<128xi32, #tpu.memory_space<vmem>>
    %dma_start3A_14 = arith.constant 0 : i32
    %dma_start3A_15 = arith.constant 0 : i32
    %dma_start3A_16 = tpu.memref_slice %arg3[%dma_start3A_14, %dma_start3A_15] : memref<1000000x64xf32, #tpu.memory_space<hbm>> -> memref<1000000x64xf32, #tpu.memory_space<hbm>>
    %dma_start3A_17 = tpu.memref_slice %arg10[%dma_start3A_6] : memref<4x!tpu.dma_semaphore, #tpu.memory_space<semaphore_mem>> -> memref<1x!tpu.dma_semaphore, #tpu.memory_space<semaphore_mem>>
    %dma_start3A_18 = tpu.memref_squeeze %dma_start3A_17 : memref<1x!tpu.dma_semaphore, #tpu.memory_space<semaphore_mem>> -> memref<!tpu.dma_semaphore, #tpu.memory_space<semaphore_mem>>
    tpu.enqueue_indirect_dma source(%dma_start3A_16 : memref<1000000x64xf32, #tpu.memory_space<hbm>>) target(%dma_start3A_10 : memref<128x64xf32, #tpu.memory_space<vmem>>) offsets(%dma_start3A_13 : memref<128xi32, #tpu.memory_space<vmem>>) semaphore(%dma_start3A_18 : memref<!tpu.dma_semaphore, #tpu.memory_space<semaphore_mem>>)
    %dma_start3A_19 = arith.constant 0 : i32
    %dma_start3A_20 = arith.constant 0 : i32
    %dma_start3A_21 = arith.constant 0 : i32
    %dma_start3A_22 = arith.constant 0 : i32
    %dma_start3A_23 = arith.constant 0 : i32
    %dma_start3A_24 = arith.constant 128 : i32
    %dma_start3A_25 = arith.constant 0 : i32
    %dma_start3A_26 = tpu.memref_slice %arg7[%dma_start3A_21, %dma_start3A_22, %dma_start3A_24, %dma_start3A_25] : memref<4x2x200x64xf32, #tpu.memory_space<vmem>> -> memref<1x1x72x64xf32, #tpu.memory_space<vmem>>
    %dma_start3A_27 = tpu.memref_squeeze %dma_start3A_26 : memref<1x1x72x64xf32, #tpu.memory_space<vmem>> -> memref<72x64xf32, #tpu.memory_space<vmem>>
    %dma_start3A_28 = arith.constant 128 : i32
    %dma_start3A_29 = tpu.memref_slice %arg6[%dma_start3A_19, %dma_start3A_20, %dma_start3A_28] : memref<4x2x200xi32, #tpu.memory_space<vmem>> -> memref<1x1x72xi32, #tpu.memory_space<vmem>>
    %dma_start3A_30 = tpu.memref_squeeze %dma_start3A_29 : memref<1x1x72xi32, #tpu.memory_space<vmem>> -> memref<72xi32, #tpu.memory_space<vmem>>
    %dma_start3A_31 = arith.constant 0 : i32
    %dma_start3A_32 = arith.constant 0 : i32
    %dma_start3A_33 = tpu.memref_slice %arg3[%dma_start3A_31, %dma_start3A_32] : memref<1000000x64xf32, #tpu.memory_space<hbm>> -> memref<1000000x64xf32, #tpu.memory_space<hbm>>
    %dma_start3A_34 = tpu.memref_slice %arg10[%dma_start3A_23] : memref<4x!tpu.dma_semaphore, #tpu.memory_space<semaphore_mem>> -> memref<1x!tpu.dma_semaphore, #tpu.memory_space<semaphore_mem>>
    %dma_start3A_35 = tpu.memref_squeeze %dma_start3A_34 : memref<1x!tpu.dma_semaphore, #tpu.memory_space<semaphore_mem>> -> memref<!tpu.dma_semaphore, #tpu.memory_space<semaphore_mem>>
    tpu.enqueue_indirect_dma source(%dma_start3A_33 : memref<1000000x64xf32, #tpu.memory_space<hbm>>) target(%dma_start3A_27 : memref<72x64xf32, #tpu.memory_space<vmem>>) offsets(%dma_start3A_30 : memref<72xi32, #tpu.memory_space<vmem>>) semaphore(%dma_start3A_35 : memref<!tpu.dma_semaphore, #tpu.memory_space<semaphore_mem>>)
    %dma_start3A_36 = arith.constant 0 : i32
    %dma_start3A_37 = arith.constant 1 : i32
    %dma_start3A_38 = arith.constant 0 : i32
    %dma_start3A_39 = arith.constant 1 : i32
    %dma_start3A_40 = arith.constant 0 : i32
    %dma_start3A_41 = arith.constant 0 : i32
    %dma_start3A_42 = arith.constant 0 : i32
    %dma_start3A_43 = tpu.memref_slice %arg7[%dma_start3A_38, %dma_start3A_39, %dma_start3A_41, %dma_start3A_42] : memref<4x2x200x64xf32, #tpu.memory_space<vmem>> -> memref<1x1x128x64xf32, #tpu.memory_space<vmem>>
    %dma_start3A_44 = tpu.memref_squeeze %dma_start3A_43 : memref<1x1x128x64xf32, #tpu.memory_space<vmem>> -> memref<128x64xf32, #tpu.memory_space<vmem>>
    %dma_start3A_45 = arith.constant 0 : i32
    %dma_start3A_46 = tpu.memref_slice %arg6[%dma_start3A_36, %dma_start3A_37, %dma_start3A_45] : memref<4x2x200xi32, #tpu.memory_space<vmem>> -> memref<1x1x128xi32, #tpu.memory_space<vmem>>
    %dma_start3A_47 = tpu.memref_squeeze %dma_start3A_46 : memref<1x1x128xi32, #tpu.memory_space<vmem>> -> memref<128xi32, #tpu.memory_space<vmem>>
    %dma_start3A_48 = arith.constant 0 : i32
    %dma_start3A_49 = arith.constant 0 : i32
    %dma_start3A_50 = tpu.memref_slice %arg3[%dma_start3A_48, %dma_start3A_49] : memref<1000000x64xf32, #tpu.memory_space<hbm>> -> memref<1000000x64xf32, #tpu.memory_space<hbm>>
    %dma_start3A_51 = tpu.memref_slice %arg10[%dma_start3A_40] : memref<4x!tpu.dma_semaphore, #tpu.memory_space<semaphore_mem>> -> memref<1x!tpu.dma_semaphore, #tpu.memory_space<semaphore_mem>>
    %dma_start3A_52 = tpu.memref_squeeze %dma_start3A_51 : memref<1x!tpu.dma_semaphore, #tpu.memory_space<semaphore_mem>> -> memref<!tpu.dma_semaphore, #tpu.memory_space<semaphore_mem>>
    tpu.enqueue_indirect_dma source(%dma_start3A_50 : memref<1000000x64xf32, #tpu.memory_space<hbm>>) target(%dma_start3A_44 : memref<128x64xf32, #tpu.memory_space<vmem>>) offsets(%dma_start3A_47 : memref<128xi32, #tpu.memory_space<vmem>>) semaphore(%dma_start3A_52 : memref<!tpu.dma_semaphore, #tpu.memory_space<semaphore_mem>>)
    %dma_start3A_53 = arith.constant 0 : i32
    %dma_start3A_54 = arith.constant 1 : i32
    %dma_start3A_55 = arith.constant 0 : i32
    %dma_start3A_56 = arith.constant 1 : i32
    %dma_start3A_57 = arith.constant 0 : i32
    %dma_start3A_58 = arith.constant 128 : i32
    %dma_start3A_59 = arith.constant 0 : i32
    %dma_start3A_60 = tpu.memref_slice %arg7[%dma_start3A_55, %dma_start3A_56, %dma_start3A_58, %dma_start3A_59] : memref<4x2x200x64xf32, #tpu.memory_space<vmem>> -> memref<1x1x72x64xf32, #tpu.memory_space<vmem>>
    %dma_start3A_61 = tpu.memref_squeeze %dma_start3A_60 : memref<1x1x72x64xf32, #tpu.memory_space<vmem>> -> memref<72x64xf32, #tpu.memory_space<vmem>>
    %dma_start3A_62 = arith.constant 128 : i32
    %dma_start3A_63 = tpu.memref_slice %arg6[%dma_start3A_53, %dma_start3A_54, %dma_start3A_62] : memref<4x2x200xi32, #tpu.memory_space<vmem>> -> memref<1x1x72xi32, #tpu.memory_space<vmem>>
    %dma_start3A_64 = tpu.memref_squeeze %dma_start3A_63 : memref<1x1x72xi32, #tpu.memory_space<vmem>> -> memref<72xi32, #tpu.memory_space<vmem>>
    %dma_start3A_65 = arith.constant 0 : i32
    %dma_start3A_66 = arith.constant 0 : i32
    %dma_start3A_67 = tpu.memref_slice %arg3[%dma_start3A_65, %dma_start3A_66] : memref<1000000x64xf32, #tpu.memory_space<hbm>> -> memref<1000000x64xf32, #tpu.memory_space<hbm>>
    %dma_start3A_68 = tpu.memref_slice %arg10[%dma_start3A_57] : memref<4x!tpu.dma_semaphore, #tpu.memory_space<semaphore_mem>> -> memref<1x!tpu.dma_semaphore, #tpu.memory_space<semaphore_mem>>
    %dma_start3A_69 = tpu.memref_squeeze %dma_start3A_68 : memref<1x!tpu.dma_semaphore, #tpu.memory_space<semaphore_mem>> -> memref<!tpu.dma_semaphore, #tpu.memory_space<semaphore_mem>>
    tpu.enqueue_indirect_dma source(%dma_start3A_67 : memref<1000000x64xf32, #tpu.memory_space<hbm>>) target(%dma_start3A_61 : memref<72x64xf32, #tpu.memory_space<vmem>>) offsets(%dma_start3A_64 : memref<72xi32, #tpu.memory_space<vmem>>) semaphore(%dma_start3A_69 : memref<!tpu.dma_semaphore, #tpu.memory_space<semaphore_mem>>)
    %add3A_70 = arith.constant 2 : i32
    %add3A_71 = arith.addi %mul3A_2, %add3A_70 : i32
    %dma_start3A_72 = arith.constant 1 : i32
    %dma_start3A_73 = arith.constant 1 : i32
    %dma_start3A_74 = arith.constant 0 : i32
    %dma_start3A_75 = arith.constant 0 : i32
    %dma_start3A_76 = tpu.memref_slice %arg6[%dma_start3A_72, %dma_start3A_74, %dma_start3A_75] : memref<4x2x200xi32, #tpu.memory_space<vmem>> -> memref<1x2x200xi32, #tpu.memory_space<vmem>>
    %dma_start3A_77 = tpu.memref_squeeze %dma_start3A_76 : memref<1x2x200xi32, #tpu.memory_space<vmem>> -> memref<2x200xi32, #tpu.memory_space<vmem>>
    %dma_start3A_78 = arith.constant 0 : i32
    %dma_start3A_79 = tpu.memref_slice %arg2[%add3A_71, %dma_start3A_78] : memref<4096x200xi32, #tpu.memory_space<hbm>> -> memref<2x200xi32, #tpu.memory_space<hbm>>
    %dma_start3A_80 = tpu.memref_slice %arg9[%dma_start3A_73] : memref<4x!tpu.dma_semaphore, #tpu.memory_space<semaphore_mem>> -> memref<1x!tpu.dma_semaphore, #tpu.memory_space<semaphore_mem>>
    %dma_start3A_81 = tpu.memref_squeeze %dma_start3A_80 : memref<1x!tpu.dma_semaphore, #tpu.memory_space<semaphore_mem>> -> memref<!tpu.dma_semaphore, #tpu.memory_space<semaphore_mem>>
    %dma_start3A_82 = arith.constant 0 : i32
    %dma_start3A_83 = arith.constant 0 : i32
    %dma_start3A_84 = tpu.memref_slice %arg6[%dma_start3A_72, %dma_start3A_82, %dma_start3A_83] : memref<4x2x200xi32, #tpu.memory_space<vmem>> -> memref<1x2x200xi32, #tpu.memory_space<vmem>>
    %dma_start3A_85 = tpu.memref_squeeze %dma_start3A_84 : memref<1x2x200xi32, #tpu.memory_space<vmem>> -> memref<2x200xi32, #tpu.memory_space<vmem>>
    %dma_start3A_86 = arith.constant 0 : i32
    %dma_start3A_87 = tpu.memref_slice %arg2[%add3A_71, %dma_start3A_86] : memref<4096x200xi32, #tpu.memory_space<hbm>> -> memref<2x200xi32, #tpu.memory_space<hbm>>
    tpu.enqueue_dma source(%dma_start3A_87 : memref<2x200xi32, #tpu.memory_space<hbm>>) target(%dma_start3A_85 : memref<2x200xi32, #tpu.memory_space<vmem>>) target_semaphore(%dma_start3A_81 : memref<!tpu.dma_semaphore, #tpu.memory_space<semaphore_mem>>)
    %scan3A = arith.constant 0 : i32
    %scan3A_88 = arith.constant 0 : i32
    %scan3A_89 = arith.constant 16 : i32
    %scan3A_90 = arith.addi %scan3A_88, %scan3A_89 : i32
    %scan3A_91 = arith.constant 1 : i32
    scf.for %scan3A_230 = %scan3A_88 to %scan3A_90 step %scan3A_91  : i32 {
      %mul3A_231 = arith.constant 4 : i32
      %mul3A_232 = arith.muli %mul3A_231, %scan3A_230 : i32
      %add3A_233 = arith.constant 0 : i32
      %add3A_234 = arith.addi %mul3A_232, %add3A_233 : i32
      %gt3A = arith.constant 0 : i32
      %gt3A_235 = arith.cmpi sgt, %scan3A_230, %gt3A : i32
      %convert_element_type3A = arith.extui %gt3A_235 : i1 to i32
      %cond3A = arith.constant 0 : i32
      %cond3A_236 = arith.cmpi ne, %convert_element_type3A, %cond3A : i32
      scf.if %cond3A_236 {
        %dma_wait3A_741 = arith.constant 0 : i32
        %dma_wait3A_742 = arith.constant 0 : i32
        %dma_wait3A_743 = arith.constant 0 : i32
        %dma_wait3A_744 = arith.constant 0 : i32
        %dma_wait3A_745 = arith.constant 0 : i32
        %dma_wait3A_746 = tpu.memref_slice %arg7[%dma_wait3A_741, %dma_wait3A_743, %dma_wait3A_744, %dma_wait3A_745] : memref<4x2x200x64xf32, #tpu.memory_space<vmem>> -> memref<1x2x200x64xf32, #tpu.memory_space<vmem>>
        %dma_wait3A_747 = tpu.memref_squeeze %dma_wait3A_746 : memref<1x2x200x64xf32, #tpu.memory_space<vmem>> -> memref<2x200x64xf32, #tpu.memory_space<vmem>>
        %dma_wait3A_748 = arith.constant 0 : i32
        %dma_wait3A_749 = arith.constant 0 : i32
        %dma_wait3A_750 = arith.constant 0 : i32
        %dma_wait3A_751 = tpu.memref_slice %arg5[%dma_wait3A_748, %dma_wait3A_749, %dma_wait3A_750] : memref<4096x200x128xf32, #tpu.memory_space<hbm>> -> memref<2x200x64xf32, #tpu.memory_space<hbm>>
        %dma_wait3A_752 = tpu.memref_slice %arg11[%dma_wait3A_742] : memref<4x!tpu.dma_semaphore, #tpu.memory_space<semaphore_mem>> -> memref<1x!tpu.dma_semaphore, #tpu.memory_space<semaphore_mem>>
        %dma_wait3A_753 = tpu.memref_squeeze %dma_wait3A_752 : memref<1x!tpu.dma_semaphore, #tpu.memory_space<semaphore_mem>> -> memref<!tpu.dma_semaphore, #tpu.memory_space<semaphore_mem>>
        %dma_wait3A_754 = arith.constant 0 : i32
        %dma_wait3A_755 = arith.constant 0 : i32
        %dma_wait3A_756 = arith.constant 0 : i32
        %dma_wait3A_757 = tpu.memref_slice %arg5[%dma_wait3A_754, %dma_wait3A_755, %dma_wait3A_756] : memref<4096x200x128xf32, #tpu.memory_space<hbm>> -> memref<2x200x64xf32, #tpu.memory_space<hbm>>
        %dma_wait3A_758 = arith.constant 0 : i32
        %dma_wait3A_759 = arith.constant 0 : i32
        %dma_wait3A_760 = arith.constant 0 : i32
        %dma_wait3A_761 = tpu.memref_slice %arg7[%dma_wait3A_741, %dma_wait3A_758, %dma_wait3A_759, %dma_wait3A_760] : memref<4x2x200x64xf32, #tpu.memory_space<vmem>> -> memref<1x2x200x64xf32, #tpu.memory_space<vmem>>
        %dma_wait3A_762 = tpu.memref_squeeze %dma_wait3A_761 : memref<1x2x200x64xf32, #tpu.memory_space<vmem>> -> memref<2x200x64xf32, #tpu.memory_space<vmem>>
        tpu.wait_dma2 semaphore(%dma_wait3A_753 : memref<!tpu.dma_semaphore, #tpu.memory_space<semaphore_mem>>) src(%dma_wait3A_762 : memref<2x200x64xf32, #tpu.memory_space<vmem>>) dst(%dma_wait3A_757 : memref<2x200x64xf32, #tpu.memory_space<hbm>>)
      } else {
      }
      %gt3A_237 = arith.constant 0 : i32
      %gt3A_238 = arith.cmpi sgt, %scan3A_230, %gt3A_237 : i32
      %convert_element_type3A_239 = arith.extui %gt3A_238 : i1 to i32
      %cond3A_240 = arith.constant 0 : i32
      %cond3A_241 = arith.cmpi ne, %convert_element_type3A_239, %cond3A_240 : i32
      scf.if %cond3A_241 {
        %dma_wait3A_741 = arith.constant 0 : i32
        %dma_wait3A_742 = arith.constant 0 : i32
        %dma_wait3A_743 = arith.constant 0 : i32
        %dma_wait3A_744 = arith.constant 0 : i32
        %dma_wait3A_745 = tpu.memref_slice %arg6[%dma_wait3A_741, %dma_wait3A_743, %dma_wait3A_744] : memref<4x2x200xi32, #tpu.memory_space<vmem>> -> memref<1x2x200xi32, #tpu.memory_space<vmem>>
        %dma_wait3A_746 = tpu.memref_squeeze %dma_wait3A_745 : memref<1x2x200xi32, #tpu.memory_space<vmem>> -> memref<2x200xi32, #tpu.memory_space<vmem>>
        %dma_wait3A_747 = arith.constant 0 : i32
        %dma_wait3A_748 = arith.constant 0 : i32
        %dma_wait3A_749 = tpu.memref_slice %arg2[%dma_wait3A_747, %dma_wait3A_748] : memref<4096x200xi32, #tpu.memory_space<hbm>> -> memref<2x200xi32, #tpu.memory_space<hbm>>
        %dma_wait3A_750 = tpu.memref_slice %arg9[%dma_wait3A_742] : memref<4x!tpu.dma_semaphore, #tpu.memory_space<semaphore_mem>> -> memref<1x!tpu.dma_semaphore, #tpu.memory_space<semaphore_mem>>
        %dma_wait3A_751 = tpu.memref_squeeze %dma_wait3A_750 : memref<1x!tpu.dma_semaphore, #tpu.memory_space<semaphore_mem>> -> memref<!tpu.dma_semaphore, #tpu.memory_space<semaphore_mem>>
        %dma_wait3A_752 = arith.constant 0 : i32
        %dma_wait3A_753 = arith.constant 0 : i32
        %dma_wait3A_754 = tpu.memref_slice %arg6[%dma_wait3A_741, %dma_wait3A_752, %dma_wait3A_753] : memref<4x2x200xi32, #tpu.memory_space<vmem>> -> memref<1x2x200xi32, #tpu.memory_space<vmem>>
        %dma_wait3A_755 = tpu.memref_squeeze %dma_wait3A_754 : memref<1x2x200xi32, #tpu.memory_space<vmem>> -> memref<2x200xi32, #tpu.memory_space<vmem>>
        %dma_wait3A_756 = arith.constant 0 : i32
        %dma_wait3A_757 = arith.constant 0 : i32
        %dma_wait3A_758 = tpu.memref_slice %arg2[%dma_wait3A_756, %dma_wait3A_757] : memref<4096x200xi32, #tpu.memory_space<hbm>> -> memref<2x200xi32, #tpu.memory_space<hbm>>
        tpu.wait_dma2 semaphore(%dma_wait3A_751 : memref<!tpu.dma_semaphore, #tpu.memory_space<semaphore_mem>>) src(%dma_wait3A_758 : memref<2x200xi32, #tpu.memory_space<hbm>>) dst(%dma_wait3A_755 : memref<2x200xi32, #tpu.memory_space<vmem>>)
        %dma_start3A_759 = arith.constant 0 : i32
        %dma_start3A_760 = arith.constant 0 : i32
        %dma_start3A_761 = arith.constant 0 : i32
        %dma_start3A_762 = arith.constant 0 : i32
        %dma_start3A_763 = arith.constant 0 : i32
        %dma_start3A_764 = arith.constant 0 : i32
        %dma_start3A_765 = arith.constant 0 : i32
        %dma_start3A_766 = tpu.memref_slice %arg7[%dma_start3A_761, %dma_start3A_762, %dma_start3A_764, %dma_start3A_765] : memref<4x2x200x64xf32, #tpu.memory_space<vmem>> -> memref<1x1x128x64xf32, #tpu.memory_space<vmem>>
        %dma_start3A_767 = tpu.memref_squeeze %dma_start3A_766 : memref<1x1x128x64xf32, #tpu.memory_space<vmem>> -> memref<128x64xf32, #tpu.memory_space<vmem>>
        %dma_start3A_768 = arith.constant 0 : i32
        %dma_start3A_769 = tpu.memref_slice %arg6[%dma_start3A_759, %dma_start3A_760, %dma_start3A_768] : memref<4x2x200xi32, #tpu.memory_space<vmem>> -> memref<1x1x128xi32, #tpu.memory_space<vmem>>
        %dma_start3A_770 = tpu.memref_squeeze %dma_start3A_769 : memref<1x1x128xi32, #tpu.memory_space<vmem>> -> memref<128xi32, #tpu.memory_space<vmem>>
        %dma_start3A_771 = arith.constant 0 : i32
        %dma_start3A_772 = arith.constant 0 : i32
        %dma_start3A_773 = tpu.memref_slice %arg3[%dma_start3A_771, %dma_start3A_772] : memref<1000000x64xf32, #tpu.memory_space<hbm>> -> memref<1000000x64xf32, #tpu.memory_space<hbm>>
        %dma_start3A_774 = tpu.memref_slice %arg10[%dma_start3A_763] : memref<4x!tpu.dma_semaphore, #tpu.memory_space<semaphore_mem>> -> memref<1x!tpu.dma_semaphore, #tpu.memory_space<semaphore_mem>>
        %dma_start3A_775 = tpu.memref_squeeze %dma_start3A_774 : memref<1x!tpu.dma_semaphore, #tpu.memory_space<semaphore_mem>> -> memref<!tpu.dma_semaphore, #tpu.memory_space<semaphore_mem>>
        tpu.enqueue_indirect_dma source(%dma_start3A_773 : memref<1000000x64xf32, #tpu.memory_space<hbm>>) target(%dma_start3A_767 : memref<128x64xf32, #tpu.memory_space<vmem>>) offsets(%dma_start3A_770 : memref<128xi32, #tpu.memory_space<vmem>>) semaphore(%dma_start3A_775 : memref<!tpu.dma_semaphore, #tpu.memory_space<semaphore_mem>>)
        %dma_start3A_776 = arith.constant 0 : i32
        %dma_start3A_777 = arith.constant 0 : i32
        %dma_start3A_778 = arith.constant 0 : i32
        %dma_start3A_779 = arith.constant 0 : i32
        %dma_start3A_780 = arith.constant 0 : i32
        %dma_start3A_781 = arith.constant 128 : i32
        %dma_start3A_782 = arith.constant 0 : i32
        %dma_start3A_783 = tpu.memref_slice %arg7[%dma_start3A_778, %dma_start3A_779, %dma_start3A_781, %dma_start3A_782] : memref<4x2x200x64xf32, #tpu.memory_space<vmem>> -> memref<1x1x72x64xf32, #tpu.memory_space<vmem>>
        %dma_start3A_784 = tpu.memref_squeeze %dma_start3A_783 : memref<1x1x72x64xf32, #tpu.memory_space<vmem>> -> memref<72x64xf32, #tpu.memory_space<vmem>>
        %dma_start3A_785 = arith.constant 128 : i32
        %dma_start3A_786 = tpu.memref_slice %arg6[%dma_start3A_776, %dma_start3A_777, %dma_start3A_785] : memref<4x2x200xi32, #tpu.memory_space<vmem>> -> memref<1x1x72xi32, #tpu.memory_space<vmem>>
        %dma_start3A_787 = tpu.memref_squeeze %dma_start3A_786 : memref<1x1x72xi32, #tpu.memory_space<vmem>> -> memref<72xi32, #tpu.memory_space<vmem>>
        %dma_start3A_788 = arith.constant 0 : i32
        %dma_start3A_789 = arith.constant 0 : i32
        %dma_start3A_790 = tpu.memref_slice %arg3[%dma_start3A_788, %dma_start3A_789] : memref<1000000x64xf32, #tpu.memory_space<hbm>> -> memref<1000000x64xf32, #tpu.memory_space<hbm>>
        %dma_start3A_791 = tpu.memref_slice %arg10[%dma_start3A_780] : memref<4x!tpu.dma_semaphore, #tpu.memory_space<semaphore_mem>> -> memref<1x!tpu.dma_semaphore, #tpu.memory_space<semaphore_mem>>
        %dma_start3A_792 = tpu.memref_squeeze %dma_start3A_791 : memref<1x!tpu.dma_semaphore, #tpu.memory_space<semaphore_mem>> -> memref<!tpu.dma_semaphore, #tpu.memory_space<semaphore_mem>>
        tpu.enqueue_indirect_dma source(%dma_start3A_790 : memref<1000000x64xf32, #tpu.memory_space<hbm>>) target(%dma_start3A_784 : memref<72x64xf32, #tpu.memory_space<vmem>>) offsets(%dma_start3A_787 : memref<72xi32, #tpu.memory_space<vmem>>) semaphore(%dma_start3A_792 : memref<!tpu.dma_semaphore, #tpu.memory_space<semaphore_mem>>)
        %dma_start3A_793 = arith.constant 0 : i32
        %dma_start3A_794 = arith.constant 1 : i32
        %dma_start3A_795 = arith.constant 0 : i32
        %dma_start3A_796 = arith.constant 1 : i32
        %dma_start3A_797 = arith.constant 0 : i32
        %dma_start3A_798 = arith.constant 0 : i32
        %dma_start3A_799 = arith.constant 0 : i32
        %dma_start3A_800 = tpu.memref_slice %arg7[%dma_start3A_795, %dma_start3A_796, %dma_start3A_798, %dma_start3A_799] : memref<4x2x200x64xf32, #tpu.memory_space<vmem>> -> memref<1x1x128x64xf32, #tpu.memory_space<vmem>>
        %dma_start3A_801 = tpu.memref_squeeze %dma_start3A_800 : memref<1x1x128x64xf32, #tpu.memory_space<vmem>> -> memref<128x64xf32, #tpu.memory_space<vmem>>
        %dma_start3A_802 = arith.constant 0 : i32
        %dma_start3A_803 = tpu.memref_slice %arg6[%dma_start3A_793, %dma_start3A_794, %dma_start3A_802] : memref<4x2x200xi32, #tpu.memory_space<vmem>> -> memref<1x1x128xi32, #tpu.memory_space<vmem>>
        %dma_start3A_804 = tpu.memref_squeeze %dma_start3A_803 : memref<1x1x128xi32, #tpu.memory_space<vmem>> -> memref<128xi32, #tpu.memory_space<vmem>>
        %dma_start3A_805 = arith.constant 0 : i32
        %dma_start3A_806 = arith.constant 0 : i32
        %dma_start3A_807 = tpu.memref_slice %arg3[%dma_start3A_805, %dma_start3A_806] : memref<1000000x64xf32, #tpu.memory_space<hbm>> -> memref<1000000x64xf32, #tpu.memory_space<hbm>>
        %dma_start3A_808 = tpu.memref_slice %arg10[%dma_start3A_797] : memref<4x!tpu.dma_semaphore, #tpu.memory_space<semaphore_mem>> -> memref<1x!tpu.dma_semaphore, #tpu.memory_space<semaphore_mem>>
        %dma_start3A_809 = tpu.memref_squeeze %dma_start3A_808 : memref<1x!tpu.dma_semaphore, #tpu.memory_space<semaphore_mem>> -> memref<!tpu.dma_semaphore, #tpu.memory_space<semaphore_mem>>
        tpu.enqueue_indirect_dma source(%dma_start3A_807 : memref<1000000x64xf32, #tpu.memory_space<hbm>>) target(%dma_start3A_801 : memref<128x64xf32, #tpu.memory_space<vmem>>) offsets(%dma_start3A_804 : memref<128xi32, #tpu.memory_space<vmem>>) semaphore(%dma_start3A_809 : memref<!tpu.dma_semaphore, #tpu.memory_space<semaphore_mem>>)
        %dma_start3A_810 = arith.constant 0 : i32
        %dma_start3A_811 = arith.constant 1 : i32
        %dma_start3A_812 = arith.constant 0 : i32
        %dma_start3A_813 = arith.constant 1 : i32
        %dma_start3A_814 = arith.constant 0 : i32
        %dma_start3A_815 = arith.constant 128 : i32
        %dma_start3A_816 = arith.constant 0 : i32
        %dma_start3A_817 = tpu.memref_slice %arg7[%dma_start3A_812, %dma_start3A_813, %dma_start3A_815, %dma_start3A_816] : memref<4x2x200x64xf32, #tpu.memory_space<vmem>> -> memref<1x1x72x64xf32, #tpu.memory_space<vmem>>
        %dma_start3A_818 = tpu.memref_squeeze %dma_start3A_817 : memref<1x1x72x64xf32, #tpu.memory_space<vmem>> -> memref<72x64xf32, #tpu.memory_space<vmem>>
        %dma_start3A_819 = arith.constant 128 : i32
        %dma_start3A_820 = tpu.memref_slice %arg6[%dma_start3A_810, %dma_start3A_811, %dma_start3A_819] : memref<4x2x200xi32, #tpu.memory_space<vmem>> -> memref<1x1x72xi32, #tpu.memory_space<vmem>>
        %dma_start3A_821 = tpu.memref_squeeze %dma_start3A_820 : memref<1x1x72xi32, #tpu.memory_space<vmem>> -> memref<72xi32, #tpu.memory_space<vmem>>
        %dma_start3A_822 = arith.constant 0 : i32
        %dma_start3A_823 = arith.constant 0 : i32
        %dma_start3A_824 = tpu.memref_slice %arg3[%dma_start3A_822, %dma_start3A_823] : memref<1000000x64xf32, #tpu.memory_space<hbm>> -> memref<1000000x64xf32, #tpu.memory_space<hbm>>
        %dma_start3A_825 = tpu.memref_slice %arg10[%dma_start3A_814] : memref<4x!tpu.dma_semaphore, #tpu.memory_space<semaphore_mem>> -> memref<1x!tpu.dma_semaphore, #tpu.memory_space<semaphore_mem>>
        %dma_start3A_826 = tpu.memref_squeeze %dma_start3A_825 : memref<1x!tpu.dma_semaphore, #tpu.memory_space<semaphore_mem>> -> memref<!tpu.dma_semaphore, #tpu.memory_space<semaphore_mem>>
        tpu.enqueue_indirect_dma source(%dma_start3A_824 : memref<1000000x64xf32, #tpu.memory_space<hbm>>) target(%dma_start3A_818 : memref<72x64xf32, #tpu.memory_space<vmem>>) offsets(%dma_start3A_821 : memref<72xi32, #tpu.memory_space<vmem>>) semaphore(%dma_start3A_826 : memref<!tpu.dma_semaphore, #tpu.memory_space<semaphore_mem>>)
      } else {
      }
      %gt3A_242 = arith.constant 0 : i32
      %gt3A_243 = arith.cmpi sgt, %scan3A_230, %gt3A_242 : i32
      %convert_element_type3A_244 = arith.extui %gt3A_243 : i1 to i32
      %cond3A_245 = arith.constant 0 : i32
      %cond3A_246 = arith.cmpi ne, %convert_element_type3A_244, %cond3A_245 : i32
      scf.if %cond3A_246 {
        %add3A_741 = arith.constant 1 : i32
        %add3A_742 = arith.addi %add3A_234, %add3A_741 : i32
        %mul3A_743 = arith.constant 2 : i32
        %mul3A_744 = arith.muli %add3A_742, %mul3A_743 : i32
        %add3A_745 = arith.addi %mul3A_2, %mul3A_744 : i32
        %dma_start3A_746 = arith.constant 1 : i32
        %dma_start3A_747 = arith.constant 1 : i32
        %dma_start3A_748 = arith.constant 0 : i32
        %dma_start3A_749 = arith.constant 0 : i32
        %dma_start3A_750 = tpu.memref_slice %arg6[%dma_start3A_746, %dma_start3A_748, %dma_start3A_749] : memref<4x2x200xi32, #tpu.memory_space<vmem>> -> memref<1x2x200xi32, #tpu.memory_space<vmem>>
        %dma_start3A_751 = tpu.memref_squeeze %dma_start3A_750 : memref<1x2x200xi32, #tpu.memory_space<vmem>> -> memref<2x200xi32, #tpu.memory_space<vmem>>
        %dma_start3A_752 = arith.constant 0 : i32
        %dma_start3A_753 = tpu.memref_slice %arg2[%add3A_745, %dma_start3A_752] : memref<4096x200xi32, #tpu.memory_space<hbm>> -> memref<2x200xi32, #tpu.memory_space<hbm>>
        %dma_start3A_754 = tpu.memref_slice %arg9[%dma_start3A_747] : memref<4x!tpu.dma_semaphore, #tpu.memory_space<semaphore_mem>> -> memref<1x!tpu.dma_semaphore, #tpu.memory_space<semaphore_mem>>
        %dma_start3A_755 = tpu.memref_squeeze %dma_start3A_754 : memref<1x!tpu.dma_semaphore, #tpu.memory_space<semaphore_mem>> -> memref<!tpu.dma_semaphore, #tpu.memory_space<semaphore_mem>>
        %dma_start3A_756 = arith.constant 0 : i32
        %dma_start3A_757 = arith.constant 0 : i32
        %dma_start3A_758 = tpu.memref_slice %arg6[%dma_start3A_746, %dma_start3A_756, %dma_start3A_757] : memref<4x2x200xi32, #tpu.memory_space<vmem>> -> memref<1x2x200xi32, #tpu.memory_space<vmem>>
        %dma_start3A_759 = tpu.memref_squeeze %dma_start3A_758 : memref<1x2x200xi32, #tpu.memory_space<vmem>> -> memref<2x200xi32, #tpu.memory_space<vmem>>
        %dma_start3A_760 = arith.constant 0 : i32
        %dma_start3A_761 = tpu.memref_slice %arg2[%add3A_745, %dma_start3A_760] : memref<4096x200xi32, #tpu.memory_space<hbm>> -> memref<2x200xi32, #tpu.memory_space<hbm>>
        tpu.enqueue_dma source(%dma_start3A_761 : memref<2x200xi32, #tpu.memory_space<hbm>>) target(%dma_start3A_759 : memref<2x200xi32, #tpu.memory_space<vmem>>) target_semaphore(%dma_start3A_755 : memref<!tpu.dma_semaphore, #tpu.memory_space<semaphore_mem>>)
      } else {
      }
      %gt3A_247 = arith.constant 0 : i32
      %gt3A_248 = arith.cmpi sgt, %scan3A_230, %gt3A_247 : i32
      %convert_element_type3A_249 = arith.extui %gt3A_248 : i1 to i32
      %cond3A_250 = arith.constant 0 : i32
      %cond3A_251 = arith.cmpi ne, %convert_element_type3A_249, %cond3A_250 : i32
      scf.if %cond3A_251 {
        %dma_wait3A_741 = arith.constant 3 : i32
        %dma_wait3A_742 = arith.constant 3 : i32
        %dma_wait3A_743 = arith.constant 0 : i32
        %dma_wait3A_744 = arith.constant 0 : i32
        %dma_wait3A_745 = arith.constant 0 : i32
        %dma_wait3A_746 = tpu.memref_slice %arg7[%dma_wait3A_741, %dma_wait3A_743, %dma_wait3A_744, %dma_wait3A_745] : memref<4x2x200x64xf32, #tpu.memory_space<vmem>> -> memref<1x2x200x64xf32, #tpu.memory_space<vmem>>
        %dma_wait3A_747 = tpu.memref_squeeze %dma_wait3A_746 : memref<1x2x200x64xf32, #tpu.memory_space<vmem>> -> memref<2x200x64xf32, #tpu.memory_space<vmem>>
        %dma_wait3A_748 = arith.constant 0 : i32
        %dma_wait3A_749 = arith.constant 0 : i32
        %dma_wait3A_750 = arith.constant 0 : i32
        %dma_wait3A_751 = tpu.memref_slice %arg5[%dma_wait3A_748, %dma_wait3A_749, %dma_wait3A_750] : memref<4096x200x128xf32, #tpu.memory_space<hbm>> -> memref<2x200x128xf32, #tpu.memory_space<hbm>>
        %dma_wait3A_752 = tpu.memref_slice %arg10[%dma_wait3A_742] : memref<4x!tpu.dma_semaphore, #tpu.memory_space<semaphore_mem>> -> memref<1x!tpu.dma_semaphore, #tpu.memory_space<semaphore_mem>>
        %dma_wait3A_753 = tpu.memref_squeeze %dma_wait3A_752 : memref<1x!tpu.dma_semaphore, #tpu.memory_space<semaphore_mem>> -> memref<!tpu.dma_semaphore, #tpu.memory_space<semaphore_mem>>
        %dma_wait3A_754 = arith.constant 0 : i32
        %dma_wait3A_755 = arith.constant 0 : i32
        %dma_wait3A_756 = arith.constant 0 : i32
        %dma_wait3A_757 = tpu.memref_slice %arg7[%dma_wait3A_741, %dma_wait3A_754, %dma_wait3A_755, %dma_wait3A_756] : memref<4x2x200x64xf32, #tpu.memory_space<vmem>> -> memref<1x2x200x64xf32, #tpu.memory_space<vmem>>
        %dma_wait3A_758 = tpu.memref_squeeze %dma_wait3A_757 : memref<1x2x200x64xf32, #tpu.memory_space<vmem>> -> memref<2x200x64xf32, #tpu.memory_space<vmem>>
        %dma_wait3A_759 = arith.constant 0 : i32
        %dma_wait3A_760 = arith.constant 0 : i32
        %dma_wait3A_761 = arith.constant 0 : i32
        %dma_wait3A_762 = tpu.memref_slice %arg5[%dma_wait3A_759, %dma_wait3A_760, %dma_wait3A_761] : memref<4096x200x128xf32, #tpu.memory_space<hbm>> -> memref<2x200x128xf32, #tpu.memory_space<hbm>>
        tpu.wait_dma2 semaphore(%dma_wait3A_753 : memref<!tpu.dma_semaphore, #tpu.memory_space<semaphore_mem>>) src(%dma_wait3A_762 : memref<2x200x128xf32, #tpu.memory_space<hbm>>) dst(%dma_wait3A_758 : memref<2x200x64xf32, #tpu.memory_space<vmem>>)
        %scan3A_763 = arith.constant 0 : i32
        %scan3A_764 = arith.constant 0 : i32
        %scan3A_765 = arith.constant 200 : i32
        %scan3A_766 = arith.addi %scan3A_764, %scan3A_765 : i32
        %scan3A_767 = arith.constant 1 : i32
        scf.for %scan3A_794 = %scan3A_764 to %scan3A_766 step %scan3A_767  : i32 {
          %get3A = arith.index_cast %scan3A_794 : i32 to index
          %get3A_795 = arith.constant 0 : index
          %get3A_796 = tpu.vector_load %arg8[%get3A, %get3A_795] {strides = array<i32>} : memref<200x64xf32, #tpu.memory_space<vmem>>, vector<1x16xf32>,
          %get3A_797 = vector.shape_cast %get3A_796 : vector<1x16xf32> to vector<16xf32>
          %swap3A = arith.constant 3 : i32
          %swap3A_798 = arith.constant 0 : i32
          %swap3A_799 = arith.index_cast %swap3A : i32 to index
          %swap3A_800 = arith.index_cast %swap3A_798 : i32 to index
          %swap3A_801 = arith.index_cast %scan3A_794 : i32 to index
          %swap3A_802 = arith.constant 0 : index
          %swap3A_803 = tpu.vector_load %arg7[%swap3A_799, %swap3A_800, %swap3A_801, %swap3A_802] {strides = array<i32>} : memref<4x2x200x64xf32, #tpu.memory_space<vmem>>, vector<1x1x1x16xf32>,
          %swap3A_804 = vector.shape_cast %swap3A_803 : vector<1x1x1x16xf32> to vector<16xf32>
          %swap3A_805 = vector.shape_cast %get3A_797 : vector<16xf32> to vector<1x1x1x16xf32>
          tpu.vector_store %arg7[%swap3A_799, %swap3A_800, %swap3A_801, %swap3A_802], %swap3A_805 {add = true, strides = array<i32>} : memref<4x2x200x64xf32, #tpu.memory_space<vmem>>, vector<1x1x1x16xf32>,
          %swap3A_806 = arith.constant 3 : i32
          %swap3A_807 = arith.constant 1 : i32
          %swap3A_808 = arith.index_cast %swap3A_806 : i32 to index
          %swap3A_809 = arith.index_cast %swap3A_807 : i32 to index
          %swap3A_810 = arith.index_cast %scan3A_794 : i32 to index
          %swap3A_811 = arith.constant 0 : index
          %swap3A_812 = tpu.vector_load %arg7[%swap3A_808, %swap3A_809, %swap3A_810, %swap3A_811] {strides = array<i32>} : memref<4x2x200x64xf32, #tpu.memory_space<vmem>>, vector<1x1x1x16xf32>,
          %swap3A_813 = vector.shape_cast %swap3A_812 : vector<1x1x1x16xf32> to vector<16xf32>
          %swap3A_814 = vector.shape_cast %get3A_797 : vector<16xf32> to vector<1x1x1x16xf32>
          tpu.vector_store %arg7[%swap3A_808, %swap3A_809, %swap3A_810, %swap3A_811], %swap3A_814 {add = true, strides = array<i32>} : memref<4x2x200x64xf32, #tpu.memory_space<vmem>>, vector<1x1x1x16xf32>,
          %get3A_815 = arith.index_cast %scan3A_794 : i32 to index
          %get3A_816 = arith.constant 16 : index
          %get3A_817 = tpu.vector_load %arg8[%get3A_815, %get3A_816] {strides = array<i32>} : memref<200x64xf32, #tpu.memory_space<vmem>>, vector<1x16xf32>,
          %get3A_818 = vector.shape_cast %get3A_817 : vector<1x16xf32> to vector<16xf32>
          %swap3A_819 = arith.constant 3 : i32
          %swap3A_820 = arith.constant 0 : i32
          %swap3A_821 = arith.index_cast %swap3A_819 : i32 to index
          %swap3A_822 = arith.index_cast %swap3A_820 : i32 to index
          %swap3A_823 = arith.index_cast %scan3A_794 : i32 to index
          %swap3A_824 = arith.constant 16 : index
          %swap3A_825 = tpu.vector_load %arg7[%swap3A_821, %swap3A_822, %swap3A_823, %swap3A_824] {strides = array<i32>} : memref<4x2x200x64xf32, #tpu.memory_space<vmem>>, vector<1x1x1x16xf32>,
          %swap3A_826 = vector.shape_cast %swap3A_825 : vector<1x1x1x16xf32> to vector<16xf32>
          %swap3A_827 = vector.shape_cast %get3A_818 : vector<16xf32> to vector<1x1x1x16xf32>
          tpu.vector_store %arg7[%swap3A_821, %swap3A_822, %swap3A_823, %swap3A_824], %swap3A_827 {add = true, strides = array<i32>} : memref<4x2x200x64xf32, #tpu.memory_space<vmem>>, vector<1x1x1x16xf32>,
          %swap3A_828 = arith.constant 3 : i32
          %swap3A_829 = arith.constant 1 : i32
          %swap3A_830 = arith.index_cast %swap3A_828 : i32 to index
          %swap3A_831 = arith.index_cast %swap3A_829 : i32 to index
          %swap3A_832 = arith.index_cast %scan3A_794 : i32 to index
          %swap3A_833 = arith.constant 16 : index
          %swap3A_834 = tpu.vector_load %arg7[%swap3A_830, %swap3A_831, %swap3A_832, %swap3A_833] {strides = array<i32>} : memref<4x2x200x64xf32, #tpu.memory_space<vmem>>, vector<1x1x1x16xf32>,
          %swap3A_835 = vector.shape_cast %swap3A_834 : vector<1x1x1x16xf32> to vector<16xf32>
          %swap3A_836 = vector.shape_cast %get3A_818 : vector<16xf32> to vector<1x1x1x16xf32>
          tpu.vector_store %arg7[%swap3A_830, %swap3A_831, %swap3A_832, %swap3A_833], %swap3A_836 {add = true, strides = array<i32>} : memref<4x2x200x64xf32, #tpu.memory_space<vmem>>, vector<1x1x1x16xf32>,
          %get3A_837 = arith.index_cast %scan3A_794 : i32 to index
          %get3A_838 = arith.constant 32 : index
          %get3A_839 = tpu.vector_load %arg8[%get3A_837, %get3A_838] {strides = array<i32>} : memref<200x64xf32, #tpu.memory_space<vmem>>, vector<1x16xf32>,
          %get3A_840 = vector.shape_cast %get3A_839 : vector<1x16xf32> to vector<16xf32>
          %swap3A_841 = arith.constant 3 : i32
          %swap3A_842 = arith.constant 0 : i32
          %swap3A_843 = arith.index_cast %swap3A_841 : i32 to index
          %swap3A_844 = arith.index_cast %swap3A_842 : i32 to index
          %swap3A_845 = arith.index_cast %scan3A_794 : i32 to index
          %swap3A_846 = arith.constant 32 : index
          %swap3A_847 = tpu.vector_load %arg7[%swap3A_843, %swap3A_844, %swap3A_845, %swap3A_846] {strides = array<i32>} : memref<4x2x200x64xf32, #tpu.memory_space<vmem>>, vector<1x1x1x16xf32>,
          %swap3A_848 = vector.shape_cast %swap3A_847 : vector<1x1x1x16xf32> to vector<16xf32>
          %swap3A_849 = vector.shape_cast %get3A_840 : vector<16xf32> to vector<1x1x1x16xf32>
          tpu.vector_store %arg7[%swap3A_843, %swap3A_844, %swap3A_845, %swap3A_846], %swap3A_849 {add = true, strides = array<i32>} : memref<4x2x200x64xf32, #tpu.memory_space<vmem>>, vector<1x1x1x16xf32>,
          %swap3A_850 = arith.constant 3 : i32
          %swap3A_851 = arith.constant 1 : i32
          %swap3A_852 = arith.index_cast %swap3A_850 : i32 to index
          %swap3A_853 = arith.index_cast %swap3A_851 : i32 to index
          %swap3A_854 = arith.index_cast %scan3A_794 : i32 to index
          %swap3A_855 = arith.constant 32 : index
          %swap3A_856 = tpu.vector_load %arg7[%swap3A_852, %swap3A_853, %swap3A_854, %swap3A_855] {strides = array<i32>} : memref<4x2x200x64xf32, #tpu.memory_space<vmem>>, vector<1x1x1x16xf32>,
          %swap3A_857 = vector.shape_cast %swap3A_856 : vector<1x1x1x16xf32> to vector<16xf32>
          %swap3A_858 = vector.shape_cast %get3A_840 : vector<16xf32> to vector<1x1x1x16xf32>
          tpu.vector_store %arg7[%swap3A_852, %swap3A_853, %swap3A_854, %swap3A_855], %swap3A_858 {add = true, strides = array<i32>} : memref<4x2x200x64xf32, #tpu.memory_space<vmem>>, vector<1x1x1x16xf32>,
          %get3A_859 = arith.index_cast %scan3A_794 : i32 to index
          %get3A_860 = arith.constant 48 : index
          %get3A_861 = tpu.vector_load %arg8[%get3A_859, %get3A_860] {strides = array<i32>} : memref<200x64xf32, #tpu.memory_space<vmem>>, vector<1x16xf32>,
          %get3A_862 = vector.shape_cast %get3A_861 : vector<1x16xf32> to vector<16xf32>
          %swap3A_863 = arith.constant 3 : i32
          %swap3A_864 = arith.constant 0 : i32
          %swap3A_865 = arith.index_cast %swap3A_863 : i32 to index
          %swap3A_866 = arith.index_cast %swap3A_864 : i32 to index
          %swap3A_867 = arith.index_cast %scan3A_794 : i32 to index
          %swap3A_868 = arith.constant 48 : index
          %swap3A_869 = tpu.vector_load %arg7[%swap3A_865, %swap3A_866, %swap3A_867, %swap3A_868] {strides = array<i32>} : memref<4x2x200x64xf32, #tpu.memory_space<vmem>>, vector<1x1x1x16xf32>,
          %swap3A_870 = vector.shape_cast %swap3A_869 : vector<1x1x1x16xf32> to vector<16xf32>
          %swap3A_871 = vector.shape_cast %get3A_862 : vector<16xf32> to vector<1x1x1x16xf32>
          tpu.vector_store %arg7[%swap3A_865, %swap3A_866, %swap3A_867, %swap3A_868], %swap3A_871 {add = true, strides = array<i32>} : memref<4x2x200x64xf32, #tpu.memory_space<vmem>>, vector<1x1x1x16xf32>,
          %swap3A_872 = arith.constant 3 : i32
          %swap3A_873 = arith.constant 1 : i32
          %swap3A_874 = arith.index_cast %swap3A_872 : i32 to index
          %swap3A_875 = arith.index_cast %swap3A_873 : i32 to index
          %swap3A_876 = arith.index_cast %scan3A_794 : i32 to index
          %swap3A_877 = arith.constant 48 : index
          %swap3A_878 = tpu.vector_load %arg7[%swap3A_874, %swap3A_875, %swap3A_876, %swap3A_877] {strides = array<i32>} : memref<4x2x200x64xf32, #tpu.memory_space<vmem>>, vector<1x1x1x16xf32>,
          %swap3A_879 = vector.shape_cast %swap3A_878 : vector<1x1x1x16xf32> to vector<16xf32>
          %swap3A_880 = vector.shape_cast %get3A_862 : vector<16xf32> to vector<1x1x1x16xf32>
          tpu.vector_store %arg7[%swap3A_874, %swap3A_875, %swap3A_876, %swap3A_877], %swap3A_880 {add = true, strides = array<i32>} : memref<4x2x200x64xf32, #tpu.memory_space<vmem>>, vector<1x1x1x16xf32>,
        }
        %scan3A_768 = arith.constant 200 : i32
        %sub3A_769 = arith.constant 1 : i32
        %sub3A_770 = arith.subi %add3A_234, %sub3A_769 : i32
        %mul3A_771 = arith.constant 2 : i32
        %mul3A_772 = arith.muli %sub3A_770, %mul3A_771 : i32
        %add3A_773 = arith.addi %mul3A_2, %mul3A_772 : i32
        %dma_start3A_774 = arith.constant 3 : i32
        %dma_start3A_775 = arith.constant 3 : i32
        %dma_start3A_776 = arith.constant 0 : i32
        %dma_start3A_777 = arith.constant 0 : i32
        %dma_start3A_778 = arith.constant 0 : i32
        %dma_start3A_779 = tpu.memref_slice %arg7[%dma_start3A_774, %dma_start3A_776, %dma_start3A_777, %dma_start3A_778] : memref<4x2x200x64xf32, #tpu.memory_space<vmem>> -> memref<1x2x200x64xf32, #tpu.memory_space<vmem>>
        %dma_start3A_780 = tpu.memref_squeeze %dma_start3A_779 : memref<1x2x200x64xf32, #tpu.memory_space<vmem>> -> memref<2x200x64xf32, #tpu.memory_space<vmem>>
        %dma_start3A_781 = arith.constant 0 : i32
        %dma_start3A_782 = arith.constant 0 : i32
        %dma_start3A_783 = tpu.memref_slice %arg5[%add3A_773, %dma_start3A_781, %dma_start3A_782] : memref<4096x200x128xf32, #tpu.memory_space<hbm>> -> memref<2x200x64xf32, #tpu.memory_space<hbm>>
        %dma_start3A_784 = tpu.memref_slice %arg11[%dma_start3A_775] : memref<4x!tpu.dma_semaphore, #tpu.memory_space<semaphore_mem>> -> memref<1x!tpu.dma_semaphore, #tpu.memory_space<semaphore_mem>>
        %dma_start3A_785 = tpu.memref_squeeze %dma_start3A_784 : memref<1x!tpu.dma_semaphore, #tpu.memory_space<semaphore_mem>> -> memref<!tpu.dma_semaphore, #tpu.memory_space<semaphore_mem>>
        %dma_start3A_786 = arith.constant 0 : i32
        %dma_start3A_787 = arith.constant 0 : i32
        %dma_start3A_788 = tpu.memref_slice %arg5[%add3A_773, %dma_start3A_786, %dma_start3A_787] : memref<4096x200x128xf32, #tpu.memory_space<hbm>> -> memref<2x200x64xf32, #tpu.memory_space<hbm>>
        %dma_start3A_789 = arith.constant 0 : i32
        %dma_start3A_790 = arith.constant 0 : i32
        %dma_start3A_791 = arith.constant 0 : i32
        %dma_start3A_792 = tpu.memref_slice %arg7[%dma_start3A_774, %dma_start3A_789, %dma_start3A_790, %dma_start3A_791] : memref<4x2x200x64xf32, #tpu.memory_space<vmem>> -> memref<1x2x200x64xf32, #tpu.memory_space<vmem>>
        %dma_start3A_793 = tpu.memref_squeeze %dma_start3A_792 : memref<1x2x200x64xf32, #tpu.memory_space<vmem>> -> memref<2x200x64xf32, #tpu.memory_space<vmem>>
        tpu.enqueue_dma source(%dma_start3A_793 : memref<2x200x64xf32, #tpu.memory_space<vmem>>) target(%dma_start3A_788 : memref<2x200x64xf32, #tpu.memory_space<hbm>>) target_semaphore(%dma_start3A_785 : memref<!tpu.dma_semaphore, #tpu.memory_space<semaphore_mem>>)
      } else {
      }
      %mul3A_252 = arith.constant 4 : i32
      %mul3A_253 = arith.muli %mul3A_252, %scan3A_230 : i32
      %add3A_254 = arith.constant 1 : i32
      %add3A_255 = arith.addi %mul3A_253, %add3A_254 : i32
      %gt3A_256 = arith.constant 0 : i32
      %gt3A_257 = arith.cmpi sgt, %scan3A_230, %gt3A_256 : i32
      %convert_element_type3A_258 = arith.extui %gt3A_257 : i1 to i32
      %cond3A_259 = arith.constant 0 : i32
      %cond3A_260 = arith.cmpi ne, %convert_element_type3A_258, %cond3A_259 : i32
      scf.if %cond3A_260 {
        %dma_wait3A_741 = arith.constant 1 : i32
        %dma_wait3A_742 = arith.constant 1 : i32
        %dma_wait3A_743 = arith.constant 0 : i32
        %dma_wait3A_744 = arith.constant 0 : i32
        %dma_wait3A_745 = arith.constant 0 : i32
        %dma_wait3A_746 = tpu.memref_slice %arg7[%dma_wait3A_741, %dma_wait3A_743, %dma_wait3A_744, %dma_wait3A_745] : memref<4x2x200x64xf32, #tpu.memory_space<vmem>> -> memref<1x2x200x64xf32, #tpu.memory_space<vmem>>
        %dma_wait3A_747 = tpu.memref_squeeze %dma_wait3A_746 : memref<1x2x200x64xf32, #tpu.memory_space<vmem>> -> memref<2x200x64xf32, #tpu.memory_space<vmem>>
        %dma_wait3A_748 = arith.constant 0 : i32
        %dma_wait3A_749 = arith.constant 0 : i32
        %dma_wait3A_750 = arith.constant 0 : i32
        %dma_wait3A_751 = tpu.memref_slice %arg5[%dma_wait3A_748, %dma_wait3A_749, %dma_wait3A_750] : memref<4096x200x128xf32, #tpu.memory_space<hbm>> -> memref<2x200x64xf32, #tpu.memory_space<hbm>>
        %dma_wait3A_752 = tpu.memref_slice %arg11[%dma_wait3A_742] : memref<4x!tpu.dma_semaphore, #tpu.memory_space<semaphore_mem>> -> memref<1x!tpu.dma_semaphore, #tpu.memory_space<semaphore_mem>>
        %dma_wait3A_753 = tpu.memref_squeeze %dma_wait3A_752 : memref<1x!tpu.dma_semaphore, #tpu.memory_space<semaphore_mem>> -> memref<!tpu.dma_semaphore, #tpu.memory_space<semaphore_mem>>
        %dma_wait3A_754 = arith.constant 0 : i32
        %dma_wait3A_755 = arith.constant 0 : i32
        %dma_wait3A_756 = arith.constant 0 : i32
        %dma_wait3A_757 = tpu.memref_slice %arg5[%dma_wait3A_754, %dma_wait3A_755, %dma_wait3A_756] : memref<4096x200x128xf32, #tpu.memory_space<hbm>> -> memref<2x200x64xf32, #tpu.memory_space<hbm>>
        %dma_wait3A_758 = arith.constant 0 : i32
        %dma_wait3A_759 = arith.constant 0 : i32
        %dma_wait3A_760 = arith.constant 0 : i32
        %dma_wait3A_761 = tpu.memref_slice %arg7[%dma_wait3A_741, %dma_wait3A_758, %dma_wait3A_759, %dma_wait3A_760] : memref<4x2x200x64xf32, #tpu.memory_space<vmem>> -> memref<1x2x200x64xf32, #tpu.memory_space<vmem>>
        %dma_wait3A_762 = tpu.memref_squeeze %dma_wait3A_761 : memref<1x2x200x64xf32, #tpu.memory_space<vmem>> -> memref<2x200x64xf32, #tpu.memory_space<vmem>>
        tpu.wait_dma2 semaphore(%dma_wait3A_753 : memref<!tpu.dma_semaphore, #tpu.memory_space<semaphore_mem>>) src(%dma_wait3A_762 : memref<2x200x64xf32, #tpu.memory_space<vmem>>) dst(%dma_wait3A_757 : memref<2x200x64xf32, #tpu.memory_space<hbm>>)
      } else {
      }
      %dma_wait3A_261 = arith.constant 1 : i32
      %dma_wait3A_262 = arith.constant 1 : i32
      %dma_wait3A_263 = arith.constant 0 : i32
      %dma_wait3A_264 = arith.constant 0 : i32
      %dma_wait3A_265 = tpu.memref_slice %arg6[%dma_wait3A_261, %dma_wait3A_263, %dma_wait3A_264] : memref<4x2x200xi32, #tpu.memory_space<vmem>> -> memref<1x2x200xi32, #tpu.memory_space<vmem>>
      %dma_wait3A_266 = tpu.memref_squeeze %dma_wait3A_265 : memref<1x2x200xi32, #tpu.memory_space<vmem>> -> memref<2x200xi32, #tpu.memory_space<vmem>>
      %dma_wait3A_267 = arith.constant 0 : i32
      %dma_wait3A_268 = arith.constant 0 : i32
      %dma_wait3A_269 = tpu.memref_slice %arg2[%dma_wait3A_267, %dma_wait3A_268] : memref<4096x200xi32, #tpu.memory_space<hbm>> -> memref<2x200xi32, #tpu.memory_space<hbm>>
      %dma_wait3A_270 = tpu.memref_slice %arg9[%dma_wait3A_262] : memref<4x!tpu.dma_semaphore, #tpu.memory_space<semaphore_mem>> -> memref<1x!tpu.dma_semaphore, #tpu.memory_space<semaphore_mem>>
      %dma_wait3A_271 = tpu.memref_squeeze %dma_wait3A_270 : memref<1x!tpu.dma_semaphore, #tpu.memory_space<semaphore_mem>> -> memref<!tpu.dma_semaphore, #tpu.memory_space<semaphore_mem>>
      %dma_wait3A_272 = arith.constant 0 : i32
      %dma_wait3A_273 = arith.constant 0 : i32
      %dma_wait3A_274 = tpu.memref_slice %arg6[%dma_wait3A_261, %dma_wait3A_272, %dma_wait3A_273] : memref<4x2x200xi32, #tpu.memory_space<vmem>> -> memref<1x2x200xi32, #tpu.memory_space<vmem>>
      %dma_wait3A_275 = tpu.memref_squeeze %dma_wait3A_274 : memref<1x2x200xi32, #tpu.memory_space<vmem>> -> memref<2x200xi32, #tpu.memory_space<vmem>>
      %dma_wait3A_276 = arith.constant 0 : i32
      %dma_wait3A_277 = arith.constant 0 : i32
      %dma_wait3A_278 = tpu.memref_slice %arg2[%dma_wait3A_276, %dma_wait3A_277] : memref<4096x200xi32, #tpu.memory_space<hbm>> -> memref<2x200xi32, #tpu.memory_space<hbm>>
      tpu.wait_dma2 semaphore(%dma_wait3A_271 : memref<!tpu.dma_semaphore, #tpu.memory_space<semaphore_mem>>) src(%dma_wait3A_278 : memref<2x200xi32, #tpu.memory_space<hbm>>) dst(%dma_wait3A_275 : memref<2x200xi32, #tpu.memory_space<vmem>>)
      %dma_start3A_279 = arith.constant 1 : i32
      %dma_start3A_280 = arith.constant 0 : i32
      %dma_start3A_281 = arith.constant 1 : i32
      %dma_start3A_282 = arith.constant 0 : i32
      %dma_start3A_283 = arith.constant 1 : i32
      %dma_start3A_284 = arith.constant 0 : i32
      %dma_start3A_285 = arith.constant 0 : i32
      %dma_start3A_286 = tpu.memref_slice %arg7[%dma_start3A_281, %dma_start3A_282, %dma_start3A_284, %dma_start3A_285] : memref<4x2x200x64xf32, #tpu.memory_space<vmem>> -> memref<1x1x128x64xf32, #tpu.memory_space<vmem>>
      %dma_start3A_287 = tpu.memref_squeeze %dma_start3A_286 : memref<1x1x128x64xf32, #tpu.memory_space<vmem>> -> memref<128x64xf32, #tpu.memory_space<vmem>>
      %dma_start3A_288 = arith.constant 0 : i32
      %dma_start3A_289 = tpu.memref_slice %arg6[%dma_start3A_279, %dma_start3A_280, %dma_start3A_288] : memref<4x2x200xi32, #tpu.memory_space<vmem>> -> memref<1x1x128xi32, #tpu.memory_space<vmem>>
      %dma_start3A_290 = tpu.memref_squeeze %dma_start3A_289 : memref<1x1x128xi32, #tpu.memory_space<vmem>> -> memref<128xi32, #tpu.memory_space<vmem>>
      %dma_start3A_291 = arith.constant 0 : i32
      %dma_start3A_292 = arith.constant 0 : i32
      %dma_start3A_293 = tpu.memref_slice %arg3[%dma_start3A_291, %dma_start3A_292] : memref<1000000x64xf32, #tpu.memory_space<hbm>> -> memref<1000000x64xf32, #tpu.memory_space<hbm>>
      %dma_start3A_294 = tpu.memref_slice %arg10[%dma_start3A_283] : memref<4x!tpu.dma_semaphore, #tpu.memory_space<semaphore_mem>> -> memref<1x!tpu.dma_semaphore, #tpu.memory_space<semaphore_mem>>
      %dma_start3A_295 = tpu.memref_squeeze %dma_start3A_294 : memref<1x!tpu.dma_semaphore, #tpu.memory_space<semaphore_mem>> -> memref<!tpu.dma_semaphore, #tpu.memory_space<semaphore_mem>>
      tpu.enqueue_indirect_dma source(%dma_start3A_293 : memref<1000000x64xf32, #tpu.memory_space<hbm>>) target(%dma_start3A_287 : memref<128x64xf32, #tpu.memory_space<vmem>>) offsets(%dma_start3A_290 : memref<128xi32, #tpu.memory_space<vmem>>) semaphore(%dma_start3A_295 : memref<!tpu.dma_semaphore, #tpu.memory_space<semaphore_mem>>)
      %dma_start3A_296 = arith.constant 1 : i32
      %dma_start3A_297 = arith.constant 0 : i32
      %dma_start3A_298 = arith.constant 1 : i32
      %dma_start3A_299 = arith.constant 0 : i32
      %dma_start3A_300 = arith.constant 1 : i32
      %dma_start3A_301 = arith.constant 128 : i32
      %dma_start3A_302 = arith.constant 0 : i32
      %dma_start3A_303 = tpu.memref_slice %arg7[%dma_start3A_298, %dma_start3A_299, %dma_start3A_301, %dma_start3A_302] : memref<4x2x200x64xf32, #tpu.memory_space<vmem>> -> memref<1x1x72x64xf32, #tpu.memory_space<vmem>>
      %dma_start3A_304 = tpu.memref_squeeze %dma_start3A_303 : memref<1x1x72x64xf32, #tpu.memory_space<vmem>> -> memref<72x64xf32, #tpu.memory_space<vmem>>
      %dma_start3A_305 = arith.constant 128 : i32
      %dma_start3A_306 = tpu.memref_slice %arg6[%dma_start3A_296, %dma_start3A_297, %dma_start3A_305] : memref<4x2x200xi32, #tpu.memory_space<vmem>> -> memref<1x1x72xi32, #tpu.memory_space<vmem>>
      %dma_start3A_307 = tpu.memref_squeeze %dma_start3A_306 : memref<1x1x72xi32, #tpu.memory_space<vmem>> -> memref<72xi32, #tpu.memory_space<vmem>>
      %dma_start3A_308 = arith.constant 0 : i32
      %dma_start3A_309 = arith.constant 0 : i32
      %dma_start3A_310 = tpu.memref_slice %arg3[%dma_start3A_308, %dma_start3A_309] : memref<1000000x64xf32, #tpu.memory_space<hbm>> -> memref<1000000x64xf32, #tpu.memory_space<hbm>>
      %dma_start3A_311 = tpu.memref_slice %arg10[%dma_start3A_300] : memref<4x!tpu.dma_semaphore, #tpu.memory_space<semaphore_mem>> -> memref<1x!tpu.dma_semaphore, #tpu.memory_space<semaphore_mem>>
      %dma_start3A_312 = tpu.memref_squeeze %dma_start3A_311 : memref<1x!tpu.dma_semaphore, #tpu.memory_space<semaphore_mem>> -> memref<!tpu.dma_semaphore, #tpu.memory_space<semaphore_mem>>
      tpu.enqueue_indirect_dma source(%dma_start3A_310 : memref<1000000x64xf32, #tpu.memory_space<hbm>>) target(%dma_start3A_304 : memref<72x64xf32, #tpu.memory_space<vmem>>) offsets(%dma_start3A_307 : memref<72xi32, #tpu.memory_space<vmem>>) semaphore(%dma_start3A_312 : memref<!tpu.dma_semaphore, #tpu.memory_space<semaphore_mem>>)
      %dma_start3A_313 = arith.constant 1 : i32
      %dma_start3A_314 = arith.constant 1 : i32
      %dma_start3A_315 = arith.constant 1 : i32
      %dma_start3A_316 = arith.constant 1 : i32
      %dma_start3A_317 = arith.constant 1 : i32
      %dma_start3A_318 = arith.constant 0 : i32
      %dma_start3A_319 = arith.constant 0 : i32
      %dma_start3A_320 = tpu.memref_slice %arg7[%dma_start3A_315, %dma_start3A_316, %dma_start3A_318, %dma_start3A_319] : memref<4x2x200x64xf32, #tpu.memory_space<vmem>> -> memref<1x1x128x64xf32, #tpu.memory_space<vmem>>
      %dma_start3A_321 = tpu.memref_squeeze %dma_start3A_320 : memref<1x1x128x64xf32, #tpu.memory_space<vmem>> -> memref<128x64xf32, #tpu.memory_space<vmem>>
      %dma_start3A_322 = arith.constant 0 : i32
      %dma_start3A_323 = tpu.memref_slice %arg6[%dma_start3A_313, %dma_start3A_314, %dma_start3A_322] : memref<4x2x200xi32, #tpu.memory_space<vmem>> -> memref<1x1x128xi32, #tpu.memory_space<vmem>>
      %dma_start3A_324 = tpu.memref_squeeze %dma_start3A_323 : memref<1x1x128xi32, #tpu.memory_space<vmem>> -> memref<128xi32, #tpu.memory_space<vmem>>
      %dma_start3A_325 = arith.constant 0 : i32
      %dma_start3A_326 = arith.constant 0 : i32
      %dma_start3A_327 = tpu.memref_slice %arg3[%dma_start3A_325, %dma_start3A_326] : memref<1000000x64xf32, #tpu.memory_space<hbm>> -> memref<1000000x64xf32, #tpu.memory_space<hbm>>
      %dma_start3A_328 = tpu.memref_slice %arg10[%dma_start3A_317] : memref<4x!tpu.dma_semaphore, #tpu.memory_space<semaphore_mem>> -> memref<1x!tpu.dma_semaphore, #tpu.memory_space<semaphore_mem>>
      %dma_start3A_329 = tpu.memref_squeeze %dma_start3A_328 : memref<1x!tpu.dma_semaphore, #tpu.memory_space<semaphore_mem>> -> memref<!tpu.dma_semaphore, #tpu.memory_space<semaphore_mem>>
      tpu.enqueue_indirect_dma source(%dma_start3A_327 : memref<1000000x64xf32, #tpu.memory_space<hbm>>) target(%dma_start3A_321 : memref<128x64xf32, #tpu.memory_space<vmem>>) offsets(%dma_start3A_324 : memref<128xi32, #tpu.memory_space<vmem>>) semaphore(%dma_start3A_329 : memref<!tpu.dma_semaphore, #tpu.memory_space<semaphore_mem>>)
      %dma_start3A_330 = arith.constant 1 : i32
      %dma_start3A_331 = arith.constant 1 : i32
      %dma_start3A_332 = arith.constant 1 : i32
      %dma_start3A_333 = arith.constant 1 : i32
      %dma_start3A_334 = arith.constant 1 : i32
      %dma_start3A_335 = arith.constant 128 : i32
      %dma_start3A_336 = arith.constant 0 : i32
      %dma_start3A_337 = tpu.memref_slice %arg7[%dma_start3A_332, %dma_start3A_333, %dma_start3A_335, %dma_start3A_336] : memref<4x2x200x64xf32, #tpu.memory_space<vmem>> -> memref<1x1x72x64xf32, #tpu.memory_space<vmem>>
      %dma_start3A_338 = tpu.memref_squeeze %dma_start3A_337 : memref<1x1x72x64xf32, #tpu.memory_space<vmem>> -> memref<72x64xf32, #tpu.memory_space<vmem>>
      %dma_start3A_339 = arith.constant 128 : i32
      %dma_start3A_340 = tpu.memref_slice %arg6[%dma_start3A_330, %dma_start3A_331, %dma_start3A_339] : memref<4x2x200xi32, #tpu.memory_space<vmem>> -> memref<1x1x72xi32, #tpu.memory_space<vmem>>
      %dma_start3A_341 = tpu.memref_squeeze %dma_start3A_340 : memref<1x1x72xi32, #tpu.memory_space<vmem>> -> memref<72xi32, #tpu.memory_space<vmem>>
      %dma_start3A_342 = arith.constant 0 : i32
      %dma_start3A_343 = arith.constant 0 : i32
      %dma_start3A_344 = tpu.memref_slice %arg3[%dma_start3A_342, %dma_start3A_343] : memref<1000000x64xf32, #tpu.memory_space<hbm>> -> memref<1000000x64xf32, #tpu.memory_space<hbm>>
      %dma_start3A_345 = tpu.memref_slice %arg10[%dma_start3A_334] : memref<4x!tpu.dma_semaphore, #tpu.memory_space<semaphore_mem>> -> memref<1x!tpu.dma_semaphore, #tpu.memory_space<semaphore_mem>>
      %dma_start3A_346 = tpu.memref_squeeze %dma_start3A_345 : memref<1x!tpu.dma_semaphore, #tpu.memory_space<semaphore_mem>> -> memref<!tpu.dma_semaphore, #tpu.memory_space<semaphore_mem>>
      tpu.enqueue_indirect_dma source(%dma_start3A_344 : memref<1000000x64xf32, #tpu.memory_space<hbm>>) target(%dma_start3A_338 : memref<72x64xf32, #tpu.memory_space<vmem>>) offsets(%dma_start3A_341 : memref<72xi32, #tpu.memory_space<vmem>>) semaphore(%dma_start3A_346 : memref<!tpu.dma_semaphore, #tpu.memory_space<semaphore_mem>>)
      %add3A_347 = arith.constant 1 : i32
      %add3A_348 = arith.addi %add3A_255, %add3A_347 : i32
      %mul3A_349 = arith.constant 2 : i32
      %mul3A_350 = arith.muli %add3A_348, %mul3A_349 : i32
      %add3A_351 = arith.addi %mul3A_2, %mul3A_350 : i32
      %dma_start3A_352 = arith.constant 2 : i32
      %dma_start3A_353 = arith.constant 2 : i32
      %dma_start3A_354 = arith.constant 0 : i32
      %dma_start3A_355 = arith.constant 0 : i32
      %dma_start3A_356 = tpu.memref_slice %arg6[%dma_start3A_352, %dma_start3A_354, %dma_start3A_355] : memref<4x2x200xi32, #tpu.memory_space<vmem>> -> memref<1x2x200xi32, #tpu.memory_space<vmem>>
      %dma_start3A_357 = tpu.memref_squeeze %dma_start3A_356 : memref<1x2x200xi32, #tpu.memory_space<vmem>> -> memref<2x200xi32, #tpu.memory_space<vmem>>
      %dma_start3A_358 = arith.constant 0 : i32
      %dma_start3A_359 = tpu.memref_slice %arg2[%add3A_351, %dma_start3A_358] : memref<4096x200xi32, #tpu.memory_space<hbm>> -> memref<2x200xi32, #tpu.memory_space<hbm>>
      %dma_start3A_360 = tpu.memref_slice %arg9[%dma_start3A_353] : memref<4x!tpu.dma_semaphore, #tpu.memory_space<semaphore_mem>> -> memref<1x!tpu.dma_semaphore, #tpu.memory_space<semaphore_mem>>
      %dma_start3A_361 = tpu.memref_squeeze %dma_start3A_360 : memref<1x!tpu.dma_semaphore, #tpu.memory_space<semaphore_mem>> -> memref<!tpu.dma_semaphore, #tpu.memory_space<semaphore_mem>>
      %dma_start3A_362 = arith.constant 0 : i32
      %dma_start3A_363 = arith.constant 0 : i32
      %dma_start3A_364 = tpu.memref_slice %arg6[%dma_start3A_352, %dma_start3A_362, %dma_start3A_363] : memref<4x2x200xi32, #tpu.memory_space<vmem>> -> memref<1x2x200xi32, #tpu.memory_space<vmem>>
      %dma_start3A_365 = tpu.memref_squeeze %dma_start3A_364 : memref<1x2x200xi32, #tpu.memory_space<vmem>> -> memref<2x200xi32, #tpu.memory_space<vmem>>
      %dma_start3A_366 = arith.constant 0 : i32
      %dma_start3A_367 = tpu.memref_slice %arg2[%add3A_351, %dma_start3A_366] : memref<4096x200xi32, #tpu.memory_space<hbm>> -> memref<2x200xi32, #tpu.memory_space<hbm>>
      tpu.enqueue_dma source(%dma_start3A_367 : memref<2x200xi32, #tpu.memory_space<hbm>>) target(%dma_start3A_365 : memref<2x200xi32, #tpu.memory_space<vmem>>) target_semaphore(%dma_start3A_361 : memref<!tpu.dma_semaphore, #tpu.memory_space<semaphore_mem>>)
      %dma_wait3A_368 = arith.constant 0 : i32
      %dma_wait3A_369 = arith.constant 0 : i32
      %dma_wait3A_370 = arith.constant 0 : i32
      %dma_wait3A_371 = arith.constant 0 : i32
      %dma_wait3A_372 = arith.constant 0 : i32
      %dma_wait3A_373 = tpu.memref_slice %arg7[%dma_wait3A_368, %dma_wait3A_370, %dma_wait3A_371, %dma_wait3A_372] : memref<4x2x200x64xf32, #tpu.memory_space<vmem>> -> memref<1x2x200x64xf32, #tpu.memory_space<vmem>>
      %dma_wait3A_374 = tpu.memref_squeeze %dma_wait3A_373 : memref<1x2x200x64xf32, #tpu.memory_space<vmem>> -> memref<2x200x64xf32, #tpu.memory_space<vmem>>
      %dma_wait3A_375 = arith.constant 0 : i32
      %dma_wait3A_376 = arith.constant 0 : i32
      %dma_wait3A_377 = arith.constant 0 : i32
      %dma_wait3A_378 = tpu.memref_slice %arg5[%dma_wait3A_375, %dma_wait3A_376, %dma_wait3A_377] : memref<4096x200x128xf32, #tpu.memory_space<hbm>> -> memref<2x200x128xf32, #tpu.memory_space<hbm>>
      %dma_wait3A_379 = tpu.memref_slice %arg10[%dma_wait3A_369] : memref<4x!tpu.dma_semaphore, #tpu.memory_space<semaphore_mem>> -> memref<1x!tpu.dma_semaphore, #tpu.memory_space<semaphore_mem>>
      %dma_wait3A_380 = tpu.memref_squeeze %dma_wait3A_379 : memref<1x!tpu.dma_semaphore, #tpu.memory_space<semaphore_mem>> -> memref<!tpu.dma_semaphore, #tpu.memory_space<semaphore_mem>>
      %dma_wait3A_381 = arith.constant 0 : i32
      %dma_wait3A_382 = arith.constant 0 : i32
      %dma_wait3A_383 = arith.constant 0 : i32
      %dma_wait3A_384 = tpu.memref_slice %arg7[%dma_wait3A_368, %dma_wait3A_381, %dma_wait3A_382, %dma_wait3A_383] : memref<4x2x200x64xf32, #tpu.memory_space<vmem>> -> memref<1x2x200x64xf32, #tpu.memory_space<vmem>>
      %dma_wait3A_385 = tpu.memref_squeeze %dma_wait3A_384 : memref<1x2x200x64xf32, #tpu.memory_space<vmem>> -> memref<2x200x64xf32, #tpu.memory_space<vmem>>
      %dma_wait3A_386 = arith.constant 0 : i32
      %dma_wait3A_387 = arith.constant 0 : i32
      %dma_wait3A_388 = arith.constant 0 : i32
      %dma_wait3A_389 = tpu.memref_slice %arg5[%dma_wait3A_386, %dma_wait3A_387, %dma_wait3A_388] : memref<4096x200x128xf32, #tpu.memory_space<hbm>> -> memref<2x200x128xf32, #tpu.memory_space<hbm>>
      tpu.wait_dma2 semaphore(%dma_wait3A_380 : memref<!tpu.dma_semaphore, #tpu.memory_space<semaphore_mem>>) src(%dma_wait3A_389 : memref<2x200x128xf32, #tpu.memory_space<hbm>>) dst(%dma_wait3A_385 : memref<2x200x64xf32, #tpu.memory_space<vmem>>)
      %scan3A_390 = arith.constant 0 : i32
      %scan3A_391 = arith.constant 0 : i32
      %scan3A_392 = arith.constant 200 : i32
      %scan3A_393 = arith.addi %scan3A_391, %scan3A_392 : i32
      %scan3A_394 = arith.constant 1 : i32
      scf.for %scan3A_741 = %scan3A_391 to %scan3A_393 step %scan3A_394  : i32 {
        %get3A = arith.index_cast %scan3A_741 : i32 to index
        %get3A_742 = arith.constant 0 : index
        %get3A_743 = tpu.vector_load %arg8[%get3A, %get3A_742] {strides = array<i32>} : memref<200x64xf32, #tpu.memory_space<vmem>>, vector<1x16xf32>,
        %get3A_744 = vector.shape_cast %get3A_743 : vector<1x16xf32> to vector<16xf32>
        %swap3A = arith.constant 0 : i32
        %swap3A_745 = arith.constant 0 : i32
        %swap3A_746 = arith.index_cast %swap3A : i32 to index
        %swap3A_747 = arith.index_cast %swap3A_745 : i32 to index
        %swap3A_748 = arith.index_cast %scan3A_741 : i32 to index
        %swap3A_749 = arith.constant 0 : index
        %swap3A_750 = tpu.vector_load %arg7[%swap3A_746, %swap3A_747, %swap3A_748, %swap3A_749] {strides = array<i32>} : memref<4x2x200x64xf32, #tpu.memory_space<vmem>>, vector<1x1x1x16xf32>,
        %swap3A_751 = vector.shape_cast %swap3A_750 : vector<1x1x1x16xf32> to vector<16xf32>
        %swap3A_752 = vector.shape_cast %get3A_744 : vector<16xf32> to vector<1x1x1x16xf32>
        tpu.vector_store %arg7[%swap3A_746, %swap3A_747, %swap3A_748, %swap3A_749], %swap3A_752 {add = true, strides = array<i32>} : memref<4x2x200x64xf32, #tpu.memory_space<vmem>>, vector<1x1x1x16xf32>,
        %swap3A_753 = arith.constant 0 : i32
        %swap3A_754 = arith.constant 1 : i32
        %swap3A_755 = arith.index_cast %swap3A_753 : i32 to index
        %swap3A_756 = arith.index_cast %swap3A_754 : i32 to index
        %swap3A_757 = arith.index_cast %scan3A_741 : i32 to index
        %swap3A_758 = arith.constant 0 : index
        %swap3A_759 = tpu.vector_load %arg7[%swap3A_755, %swap3A_756, %swap3A_757, %swap3A_758] {strides = array<i32>} : memref<4x2x200x64xf32, #tpu.memory_space<vmem>>, vector<1x1x1x16xf32>,
        %swap3A_760 = vector.shape_cast %swap3A_759 : vector<1x1x1x16xf32> to vector<16xf32>
        %swap3A_761 = vector.shape_cast %get3A_744 : vector<16xf32> to vector<1x1x1x16xf32>
        tpu.vector_store %arg7[%swap3A_755, %swap3A_756, %swap3A_757, %swap3A_758], %swap3A_761 {add = true, strides = array<i32>} : memref<4x2x200x64xf32, #tpu.memory_space<vmem>>, vector<1x1x1x16xf32>,
        %get3A_762 = arith.index_cast %scan3A_741 : i32 to index
        %get3A_763 = arith.constant 16 : index
        %get3A_764 = tpu.vector_load %arg8[%get3A_762, %get3A_763] {strides = array<i32>} : memref<200x64xf32, #tpu.memory_space<vmem>>, vector<1x16xf32>,
        %get3A_765 = vector.shape_cast %get3A_764 : vector<1x16xf32> to vector<16xf32>
        %swap3A_766 = arith.constant 0 : i32
        %swap3A_767 = arith.constant 0 : i32
        %swap3A_768 = arith.index_cast %swap3A_766 : i32 to index
        %swap3A_769 = arith.index_cast %swap3A_767 : i32 to index
        %swap3A_770 = arith.index_cast %scan3A_741 : i32 to index
        %swap3A_771 = arith.constant 16 : index
        %swap3A_772 = tpu.vector_load %arg7[%swap3A_768, %swap3A_769, %swap3A_770, %swap3A_771] {strides = array<i32>} : memref<4x2x200x64xf32, #tpu.memory_space<vmem>>, vector<1x1x1x16xf32>,
        %swap3A_773 = vector.shape_cast %swap3A_772 : vector<1x1x1x16xf32> to vector<16xf32>
        %swap3A_774 = vector.shape_cast %get3A_765 : vector<16xf32> to vector<1x1x1x16xf32>
        tpu.vector_store %arg7[%swap3A_768, %swap3A_769, %swap3A_770, %swap3A_771], %swap3A_774 {add = true, strides = array<i32>} : memref<4x2x200x64xf32, #tpu.memory_space<vmem>>, vector<1x1x1x16xf32>,
        %swap3A_775 = arith.constant 0 : i32
        %swap3A_776 = arith.constant 1 : i32
        %swap3A_777 = arith.index_cast %swap3A_775 : i32 to index
        %swap3A_778 = arith.index_cast %swap3A_776 : i32 to index
        %swap3A_779 = arith.index_cast %scan3A_741 : i32 to index
        %swap3A_780 = arith.constant 16 : index
        %swap3A_781 = tpu.vector_load %arg7[%swap3A_777, %swap3A_778, %swap3A_779, %swap3A_780] {strides = array<i32>} : memref<4x2x200x64xf32, #tpu.memory_space<vmem>>, vector<1x1x1x16xf32>,
        %swap3A_782 = vector.shape_cast %swap3A_781 : vector<1x1x1x16xf32> to vector<16xf32>
        %swap3A_783 = vector.shape_cast %get3A_765 : vector<16xf32> to vector<1x1x1x16xf32>
        tpu.vector_store %arg7[%swap3A_777, %swap3A_778, %swap3A_779, %swap3A_780], %swap3A_783 {add = true, strides = array<i32>} : memref<4x2x200x64xf32, #tpu.memory_space<vmem>>, vector<1x1x1x16xf32>,
        %get3A_784 = arith.index_cast %scan3A_741 : i32 to index
        %get3A_785 = arith.constant 32 : index
        %get3A_786 = tpu.vector_load %arg8[%get3A_784, %get3A_785] {strides = array<i32>} : memref<200x64xf32, #tpu.memory_space<vmem>>, vector<1x16xf32>,
        %get3A_787 = vector.shape_cast %get3A_786 : vector<1x16xf32> to vector<16xf32>
        %swap3A_788 = arith.constant 0 : i32
        %swap3A_789 = arith.constant 0 : i32
        %swap3A_790 = arith.index_cast %swap3A_788 : i32 to index
        %swap3A_791 = arith.index_cast %swap3A_789 : i32 to index
        %swap3A_792 = arith.index_cast %scan3A_741 : i32 to index
        %swap3A_793 = arith.constant 32 : index
        %swap3A_794 = tpu.vector_load %arg7[%swap3A_790, %swap3A_791, %swap3A_792, %swap3A_793] {strides = array<i32>} : memref<4x2x200x64xf32, #tpu.memory_space<vmem>>, vector<1x1x1x16xf32>,
        %swap3A_795 = vector.shape_cast %swap3A_794 : vector<1x1x1x16xf32> to vector<16xf32>
        %swap3A_796 = vector.shape_cast %get3A_787 : vector<16xf32> to vector<1x1x1x16xf32>
        tpu.vector_store %arg7[%swap3A_790, %swap3A_791, %swap3A_792, %swap3A_793], %swap3A_796 {add = true, strides = array<i32>} : memref<4x2x200x64xf32, #tpu.memory_space<vmem>>, vector<1x1x1x16xf32>,
        %swap3A_797 = arith.constant 0 : i32
        %swap3A_798 = arith.constant 1 : i32
        %swap3A_799 = arith.index_cast %swap3A_797 : i32 to index
        %swap3A_800 = arith.index_cast %swap3A_798 : i32 to index
        %swap3A_801 = arith.index_cast %scan3A_741 : i32 to index
        %swap3A_802 = arith.constant 32 : index
        %swap3A_803 = tpu.vector_load %arg7[%swap3A_799, %swap3A_800, %swap3A_801, %swap3A_802] {strides = array<i32>} : memref<4x2x200x64xf32, #tpu.memory_space<vmem>>, vector<1x1x1x16xf32>,
        %swap3A_804 = vector.shape_cast %swap3A_803 : vector<1x1x1x16xf32> to vector<16xf32>
        %swap3A_805 = vector.shape_cast %get3A_787 : vector<16xf32> to vector<1x1x1x16xf32>
        tpu.vector_store %arg7[%swap3A_799, %swap3A_800, %swap3A_801, %swap3A_802], %swap3A_805 {add = true, strides = array<i32>} : memref<4x2x200x64xf32, #tpu.memory_space<vmem>>, vector<1x1x1x16xf32>,
        %get3A_806 = arith.index_cast %scan3A_741 : i32 to index
        %get3A_807 = arith.constant 48 : index
        %get3A_808 = tpu.vector_load %arg8[%get3A_806, %get3A_807] {strides = array<i32>} : memref<200x64xf32, #tpu.memory_space<vmem>>, vector<1x16xf32>,
        %get3A_809 = vector.shape_cast %get3A_808 : vector<1x16xf32> to vector<16xf32>
        %swap3A_810 = arith.constant 0 : i32
        %swap3A_811 = arith.constant 0 : i32
        %swap3A_812 = arith.index_cast %swap3A_810 : i32 to index
        %swap3A_813 = arith.index_cast %swap3A_811 : i32 to index
        %swap3A_814 = arith.index_cast %scan3A_741 : i32 to index
        %swap3A_815 = arith.constant 48 : index
        %swap3A_816 = tpu.vector_load %arg7[%swap3A_812, %swap3A_813, %swap3A_814, %swap3A_815] {strides = array<i32>} : memref<4x2x200x64xf32, #tpu.memory_space<vmem>>, vector<1x1x1x16xf32>,
        %swap3A_817 = vector.shape_cast %swap3A_816 : vector<1x1x1x16xf32> to vector<16xf32>
        %swap3A_818 = vector.shape_cast %get3A_809 : vector<16xf32> to vector<1x1x1x16xf32>
        tpu.vector_store %arg7[%swap3A_812, %swap3A_813, %swap3A_814, %swap3A_815], %swap3A_818 {add = true, strides = array<i32>} : memref<4x2x200x64xf32, #tpu.memory_space<vmem>>, vector<1x1x1x16xf32>,
        %swap3A_819 = arith.constant 0 : i32
        %swap3A_820 = arith.constant 1 : i32
        %swap3A_821 = arith.index_cast %swap3A_819 : i32 to index
        %swap3A_822 = arith.index_cast %swap3A_820 : i32 to index
        %swap3A_823 = arith.index_cast %scan3A_741 : i32 to index
        %swap3A_824 = arith.constant 48 : index
        %swap3A_825 = tpu.vector_load %arg7[%swap3A_821, %swap3A_822, %swap3A_823, %swap3A_824] {strides = array<i32>} : memref<4x2x200x64xf32, #tpu.memory_space<vmem>>, vector<1x1x1x16xf32>,
        %swap3A_826 = vector.shape_cast %swap3A_825 : vector<1x1x1x16xf32> to vector<16xf32>
        %swap3A_827 = vector.shape_cast %get3A_809 : vector<16xf32> to vector<1x1x1x16xf32>
        tpu.vector_store %arg7[%swap3A_821, %swap3A_822, %swap3A_823, %swap3A_824], %swap3A_827 {add = true, strides = array<i32>} : memref<4x2x200x64xf32, #tpu.memory_space<vmem>>, vector<1x1x1x16xf32>,
      }
      %scan3A_395 = arith.constant 200 : i32
      %sub3A = arith.constant 1 : i32
      %sub3A_396 = arith.subi %add3A_255, %sub3A : i32
      %mul3A_397 = arith.constant 2 : i32
      %mul3A_398 = arith.muli %sub3A_396, %mul3A_397 : i32
      %add3A_399 = arith.addi %mul3A_2, %mul3A_398 : i32
      %dma_start3A_400 = arith.constant 0 : i32
      %dma_start3A_401 = arith.constant 0 : i32
      %dma_start3A_402 = arith.constant 0 : i32
      %dma_start3A_403 = arith.constant 0 : i32
      %dma_start3A_404 = arith.constant 0 : i32
      %dma_start3A_405 = tpu.memref_slice %arg7[%dma_start3A_400, %dma_start3A_402, %dma_start3A_403, %dma_start3A_404] : memref<4x2x200x64xf32, #tpu.memory_space<vmem>> -> memref<1x2x200x64xf32, #tpu.memory_space<vmem>>
      %dma_start3A_406 = tpu.memref_squeeze %dma_start3A_405 : memref<1x2x200x64xf32, #tpu.memory_space<vmem>> -> memref<2x200x64xf32, #tpu.memory_space<vmem>>
      %dma_start3A_407 = arith.constant 0 : i32
      %dma_start3A_408 = arith.constant 0 : i32
      %dma_start3A_409 = tpu.memref_slice %arg5[%add3A_399, %dma_start3A_407, %dma_start3A_408] : memref<4096x200x128xf32, #tpu.memory_space<hbm>> -> memref<2x200x64xf32, #tpu.memory_space<hbm>>
      %dma_start3A_410 = tpu.memref_slice %arg11[%dma_start3A_401] : memref<4x!tpu.dma_semaphore, #tpu.memory_space<semaphore_mem>> -> memref<1x!tpu.dma_semaphore, #tpu.memory_space<semaphore_mem>>
      %dma_start3A_411 = tpu.memref_squeeze %dma_start3A_410 : memref<1x!tpu.dma_semaphore, #tpu.memory_space<semaphore_mem>> -> memref<!tpu.dma_semaphore, #tpu.memory_space<semaphore_mem>>
      %dma_start3A_412 = arith.constant 0 : i32
      %dma_start3A_413 = arith.constant 0 : i32
      %dma_start3A_414 = tpu.memref_slice %arg5[%add3A_399, %dma_start3A_412, %dma_start3A_413] : memref<4096x200x128xf32, #tpu.memory_space<hbm>> -> memref<2x200x64xf32, #tpu.memory_space<hbm>>
      %dma_start3A_415 = arith.constant 0 : i32
      %dma_start3A_416 = arith.constant 0 : i32
      %dma_start3A_417 = arith.constant 0 : i32
      %dma_start3A_418 = tpu.memref_slice %arg7[%dma_start3A_400, %dma_start3A_415, %dma_start3A_416, %dma_start3A_417] : memref<4x2x200x64xf32, #tpu.memory_space<vmem>> -> memref<1x2x200x64xf32, #tpu.memory_space<vmem>>
      %dma_start3A_419 = tpu.memref_squeeze %dma_start3A_418 : memref<1x2x200x64xf32, #tpu.memory_space<vmem>> -> memref<2x200x64xf32, #tpu.memory_space<vmem>>
      tpu.enqueue_dma source(%dma_start3A_419 : memref<2x200x64xf32, #tpu.memory_space<vmem>>) target(%dma_start3A_414 : memref<2x200x64xf32, #tpu.memory_space<hbm>>) target_semaphore(%dma_start3A_411 : memref<!tpu.dma_semaphore, #tpu.memory_space<semaphore_mem>>)
      %mul3A_420 = arith.constant 4 : i32
      %mul3A_421 = arith.muli %mul3A_420, %scan3A_230 : i32
      %add3A_422 = arith.constant 2 : i32
      %add3A_423 = arith.addi %mul3A_421, %add3A_422 : i32
      %gt3A_424 = arith.constant 0 : i32
      %gt3A_425 = arith.cmpi sgt, %scan3A_230, %gt3A_424 : i32
      %convert_element_type3A_426 = arith.extui %gt3A_425 : i1 to i32
      %cond3A_427 = arith.constant 0 : i32
      %cond3A_428 = arith.cmpi ne, %convert_element_type3A_426, %cond3A_427 : i32
      scf.if %cond3A_428 {
        %dma_wait3A_741 = arith.constant 2 : i32
        %dma_wait3A_742 = arith.constant 2 : i32
        %dma_wait3A_743 = arith.constant 0 : i32
        %dma_wait3A_744 = arith.constant 0 : i32
        %dma_wait3A_745 = arith.constant 0 : i32
        %dma_wait3A_746 = tpu.memref_slice %arg7[%dma_wait3A_741, %dma_wait3A_743, %dma_wait3A_744, %dma_wait3A_745] : memref<4x2x200x64xf32, #tpu.memory_space<vmem>> -> memref<1x2x200x64xf32, #tpu.memory_space<vmem>>
        %dma_wait3A_747 = tpu.memref_squeeze %dma_wait3A_746 : memref<1x2x200x64xf32, #tpu.memory_space<vmem>> -> memref<2x200x64xf32, #tpu.memory_space<vmem>>
        %dma_wait3A_748 = arith.constant 0 : i32
        %dma_wait3A_749 = arith.constant 0 : i32
        %dma_wait3A_750 = arith.constant 0 : i32
        %dma_wait3A_751 = tpu.memref_slice %arg5[%dma_wait3A_748, %dma_wait3A_749, %dma_wait3A_750] : memref<4096x200x128xf32, #tpu.memory_space<hbm>> -> memref<2x200x64xf32, #tpu.memory_space<hbm>>
        %dma_wait3A_752 = tpu.memref_slice %arg11[%dma_wait3A_742] : memref<4x!tpu.dma_semaphore, #tpu.memory_space<semaphore_mem>> -> memref<1x!tpu.dma_semaphore, #tpu.memory_space<semaphore_mem>>
        %dma_wait3A_753 = tpu.memref_squeeze %dma_wait3A_752 : memref<1x!tpu.dma_semaphore, #tpu.memory_space<semaphore_mem>> -> memref<!tpu.dma_semaphore, #tpu.memory_space<semaphore_mem>>
        %dma_wait3A_754 = arith.constant 0 : i32
        %dma_wait3A_755 = arith.constant 0 : i32
        %dma_wait3A_756 = arith.constant 0 : i32
        %dma_wait3A_757 = tpu.memref_slice %arg5[%dma_wait3A_754, %dma_wait3A_755, %dma_wait3A_756] : memref<4096x200x128xf32, #tpu.memory_space<hbm>> -> memref<2x200x64xf32, #tpu.memory_space<hbm>>
        %dma_wait3A_758 = arith.constant 0 : i32
        %dma_wait3A_759 = arith.constant 0 : i32
        %dma_wait3A_760 = arith.constant 0 : i32
        %dma_wait3A_761 = tpu.memref_slice %arg7[%dma_wait3A_741, %dma_wait3A_758, %dma_wait3A_759, %dma_wait3A_760] : memref<4x2x200x64xf32, #tpu.memory_space<vmem>> -> memref<1x2x200x64xf32, #tpu.memory_space<vmem>>
        %dma_wait3A_762 = tpu.memref_squeeze %dma_wait3A_761 : memref<1x2x200x64xf32, #tpu.memory_space<vmem>> -> memref<2x200x64xf32, #tpu.memory_space<vmem>>
        tpu.wait_dma2 semaphore(%dma_wait3A_753 : memref<!tpu.dma_semaphore, #tpu.memory_space<semaphore_mem>>) src(%dma_wait3A_762 : memref<2x200x64xf32, #tpu.memory_space<vmem>>) dst(%dma_wait3A_757 : memref<2x200x64xf32, #tpu.memory_space<hbm>>)
      } else {
      }
      %dma_wait3A_429 = arith.constant 2 : i32
      %dma_wait3A_430 = arith.constant 2 : i32
      %dma_wait3A_431 = arith.constant 0 : i32
      %dma_wait3A_432 = arith.constant 0 : i32
      %dma_wait3A_433 = tpu.memref_slice %arg6[%dma_wait3A_429, %dma_wait3A_431, %dma_wait3A_432] : memref<4x2x200xi32, #tpu.memory_space<vmem>> -> memref<1x2x200xi32, #tpu.memory_space<vmem>>
      %dma_wait3A_434 = tpu.memref_squeeze %dma_wait3A_433 : memref<1x2x200xi32, #tpu.memory_space<vmem>> -> memref<2x200xi32, #tpu.memory_space<vmem>>
      %dma_wait3A_435 = arith.constant 0 : i32
      %dma_wait3A_436 = arith.constant 0 : i32
      %dma_wait3A_437 = tpu.memref_slice %arg2[%dma_wait3A_435, %dma_wait3A_436] : memref<4096x200xi32, #tpu.memory_space<hbm>> -> memref<2x200xi32, #tpu.memory_space<hbm>>
      %dma_wait3A_438 = tpu.memref_slice %arg9[%dma_wait3A_430] : memref<4x!tpu.dma_semaphore, #tpu.memory_space<semaphore_mem>> -> memref<1x!tpu.dma_semaphore, #tpu.memory_space<semaphore_mem>>
      %dma_wait3A_439 = tpu.memref_squeeze %dma_wait3A_438 : memref<1x!tpu.dma_semaphore, #tpu.memory_space<semaphore_mem>> -> memref<!tpu.dma_semaphore, #tpu.memory_space<semaphore_mem>>
      %dma_wait3A_440 = arith.constant 0 : i32
      %dma_wait3A_441 = arith.constant 0 : i32
      %dma_wait3A_442 = tpu.memref_slice %arg6[%dma_wait3A_429, %dma_wait3A_440, %dma_wait3A_441] : memref<4x2x200xi32, #tpu.memory_space<vmem>> -> memref<1x2x200xi32, #tpu.memory_space<vmem>>
      %dma_wait3A_443 = tpu.memref_squeeze %dma_wait3A_442 : memref<1x2x200xi32, #tpu.memory_space<vmem>> -> memref<2x200xi32, #tpu.memory_space<vmem>>
      %dma_wait3A_444 = arith.constant 0 : i32
      %dma_wait3A_445 = arith.constant 0 : i32
      %dma_wait3A_446 = tpu.memref_slice %arg2[%dma_wait3A_444, %dma_wait3A_445] : memref<4096x200xi32, #tpu.memory_space<hbm>> -> memref<2x200xi32, #tpu.memory_space<hbm>>
      tpu.wait_dma2 semaphore(%dma_wait3A_439 : memref<!tpu.dma_semaphore, #tpu.memory_space<semaphore_mem>>) src(%dma_wait3A_446 : memref<2x200xi32, #tpu.memory_space<hbm>>) dst(%dma_wait3A_443 : memref<2x200xi32, #tpu.memory_space<vmem>>)
      %dma_start3A_447 = arith.constant 2 : i32
      %dma_start3A_448 = arith.constant 0 : i32
      %dma_start3A_449 = arith.constant 2 : i32
      %dma_start3A_450 = arith.constant 0 : i32
      %dma_start3A_451 = arith.constant 2 : i32
      %dma_start3A_452 = arith.constant 0 : i32
      %dma_start3A_453 = arith.constant 0 : i32
      %dma_start3A_454 = tpu.memref_slice %arg7[%dma_start3A_449, %dma_start3A_450, %dma_start3A_452, %dma_start3A_453] : memref<4x2x200x64xf32, #tpu.memory_space<vmem>> -> memref<1x1x128x64xf32, #tpu.memory_space<vmem>>
      %dma_start3A_455 = tpu.memref_squeeze %dma_start3A_454 : memref<1x1x128x64xf32, #tpu.memory_space<vmem>> -> memref<128x64xf32, #tpu.memory_space<vmem>>
      %dma_start3A_456 = arith.constant 0 : i32
      %dma_start3A_457 = tpu.memref_slice %arg6[%dma_start3A_447, %dma_start3A_448, %dma_start3A_456] : memref<4x2x200xi32, #tpu.memory_space<vmem>> -> memref<1x1x128xi32, #tpu.memory_space<vmem>>
      %dma_start3A_458 = tpu.memref_squeeze %dma_start3A_457 : memref<1x1x128xi32, #tpu.memory_space<vmem>> -> memref<128xi32, #tpu.memory_space<vmem>>
      %dma_start3A_459 = arith.constant 0 : i32
      %dma_start3A_460 = arith.constant 0 : i32
      %dma_start3A_461 = tpu.memref_slice %arg3[%dma_start3A_459, %dma_start3A_460] : memref<1000000x64xf32, #tpu.memory_space<hbm>> -> memref<1000000x64xf32, #tpu.memory_space<hbm>>
      %dma_start3A_462 = tpu.memref_slice %arg10[%dma_start3A_451] : memref<4x!tpu.dma_semaphore, #tpu.memory_space<semaphore_mem>> -> memref<1x!tpu.dma_semaphore, #tpu.memory_space<semaphore_mem>>
      %dma_start3A_463 = tpu.memref_squeeze %dma_start3A_462 : memref<1x!tpu.dma_semaphore, #tpu.memory_space<semaphore_mem>> -> memref<!tpu.dma_semaphore, #tpu.memory_space<semaphore_mem>>
      tpu.enqueue_indirect_dma source(%dma_start3A_461 : memref<1000000x64xf32, #tpu.memory_space<hbm>>) target(%dma_start3A_455 : memref<128x64xf32, #tpu.memory_space<vmem>>) offsets(%dma_start3A_458 : memref<128xi32, #tpu.memory_space<vmem>>) semaphore(%dma_start3A_463 : memref<!tpu.dma_semaphore, #tpu.memory_space<semaphore_mem>>)
      %dma_start3A_464 = arith.constant 2 : i32
      %dma_start3A_465 = arith.constant 0 : i32
      %dma_start3A_466 = arith.constant 2 : i32
      %dma_start3A_467 = arith.constant 0 : i32
      %dma_start3A_468 = arith.constant 2 : i32
      %dma_start3A_469 = arith.constant 128 : i32
      %dma_start3A_470 = arith.constant 0 : i32
      %dma_start3A_471 = tpu.memref_slice %arg7[%dma_start3A_466, %dma_start3A_467, %dma_start3A_469, %dma_start3A_470] : memref<4x2x200x64xf32, #tpu.memory_space<vmem>> -> memref<1x1x72x64xf32, #tpu.memory_space<vmem>>
      %dma_start3A_472 = tpu.memref_squeeze %dma_start3A_471 : memref<1x1x72x64xf32, #tpu.memory_space<vmem>> -> memref<72x64xf32, #tpu.memory_space<vmem>>
      %dma_start3A_473 = arith.constant 128 : i32
      %dma_start3A_474 = tpu.memref_slice %arg6[%dma_start3A_464, %dma_start3A_465, %dma_start3A_473] : memref<4x2x200xi32, #tpu.memory_space<vmem>> -> memref<1x1x72xi32, #tpu.memory_space<vmem>>
      %dma_start3A_475 = tpu.memref_squeeze %dma_start3A_474 : memref<1x1x72xi32, #tpu.memory_space<vmem>> -> memref<72xi32, #tpu.memory_space<vmem>>
      %dma_start3A_476 = arith.constant 0 : i32
      %dma_start3A_477 = arith.constant 0 : i32
      %dma_start3A_478 = tpu.memref_slice %arg3[%dma_start3A_476, %dma_start3A_477] : memref<1000000x64xf32, #tpu.memory_space<hbm>> -> memref<1000000x64xf32, #tpu.memory_space<hbm>>
      %dma_start3A_479 = tpu.memref_slice %arg10[%dma_start3A_468] : memref<4x!tpu.dma_semaphore, #tpu.memory_space<semaphore_mem>> -> memref<1x!tpu.dma_semaphore, #tpu.memory_space<semaphore_mem>>
      %dma_start3A_480 = tpu.memref_squeeze %dma_start3A_479 : memref<1x!tpu.dma_semaphore, #tpu.memory_space<semaphore_mem>> -> memref<!tpu.dma_semaphore, #tpu.memory_space<semaphore_mem>>
      tpu.enqueue_indirect_dma source(%dma_start3A_478 : memref<1000000x64xf32, #tpu.memory_space<hbm>>) target(%dma_start3A_472 : memref<72x64xf32, #tpu.memory_space<vmem>>) offsets(%dma_start3A_475 : memref<72xi32, #tpu.memory_space<vmem>>) semaphore(%dma_start3A_480 : memref<!tpu.dma_semaphore, #tpu.memory_space<semaphore_mem>>)
      %dma_start3A_481 = arith.constant 2 : i32
      %dma_start3A_482 = arith.constant 1 : i32
      %dma_start3A_483 = arith.constant 2 : i32
      %dma_start3A_484 = arith.constant 1 : i32
      %dma_start3A_485 = arith.constant 2 : i32
      %dma_start3A_486 = arith.constant 0 : i32
      %dma_start3A_487 = arith.constant 0 : i32
      %dma_start3A_488 = tpu.memref_slice %arg7[%dma_start3A_483, %dma_start3A_484, %dma_start3A_486, %dma_start3A_487] : memref<4x2x200x64xf32, #tpu.memory_space<vmem>> -> memref<1x1x128x64xf32, #tpu.memory_space<vmem>>
      %dma_start3A_489 = tpu.memref_squeeze %dma_start3A_488 : memref<1x1x128x64xf32, #tpu.memory_space<vmem>> -> memref<128x64xf32, #tpu.memory_space<vmem>>
      %dma_start3A_490 = arith.constant 0 : i32
      %dma_start3A_491 = tpu.memref_slice %arg6[%dma_start3A_481, %dma_start3A_482, %dma_start3A_490] : memref<4x2x200xi32, #tpu.memory_space<vmem>> -> memref<1x1x128xi32, #tpu.memory_space<vmem>>
      %dma_start3A_492 = tpu.memref_squeeze %dma_start3A_491 : memref<1x1x128xi32, #tpu.memory_space<vmem>> -> memref<128xi32, #tpu.memory_space<vmem>>
      %dma_start3A_493 = arith.constant 0 : i32
      %dma_start3A_494 = arith.constant 0 : i32
      %dma_start3A_495 = tpu.memref_slice %arg3[%dma_start3A_493, %dma_start3A_494] : memref<1000000x64xf32, #tpu.memory_space<hbm>> -> memref<1000000x64xf32, #tpu.memory_space<hbm>>
      %dma_start3A_496 = tpu.memref_slice %arg10[%dma_start3A_485] : memref<4x!tpu.dma_semaphore, #tpu.memory_space<semaphore_mem>> -> memref<1x!tpu.dma_semaphore, #tpu.memory_space<semaphore_mem>>
      %dma_start3A_497 = tpu.memref_squeeze %dma_start3A_496 : memref<1x!tpu.dma_semaphore, #tpu.memory_space<semaphore_mem>> -> memref<!tpu.dma_semaphore, #tpu.memory_space<semaphore_mem>>
      tpu.enqueue_indirect_dma source(%dma_start3A_495 : memref<1000000x64xf32, #tpu.memory_space<hbm>>) target(%dma_start3A_489 : memref<128x64xf32, #tpu.memory_space<vmem>>) offsets(%dma_start3A_492 : memref<128xi32, #tpu.memory_space<vmem>>) semaphore(%dma_start3A_497 : memref<!tpu.dma_semaphore, #tpu.memory_space<semaphore_mem>>)
      %dma_start3A_498 = arith.constant 2 : i32
      %dma_start3A_499 = arith.constant 1 : i32
      %dma_start3A_500 = arith.constant 2 : i32
      %dma_start3A_501 = arith.constant 1 : i32
      %dma_start3A_502 = arith.constant 2 : i32
      %dma_start3A_503 = arith.constant 128 : i32
      %dma_start3A_504 = arith.constant 0 : i32
      %dma_start3A_505 = tpu.memref_slice %arg7[%dma_start3A_500, %dma_start3A_501, %dma_start3A_503, %dma_start3A_504] : memref<4x2x200x64xf32, #tpu.memory_space<vmem>> -> memref<1x1x72x64xf32, #tpu.memory_space<vmem>>
      %dma_start3A_506 = tpu.memref_squeeze %dma_start3A_505 : memref<1x1x72x64xf32, #tpu.memory_space<vmem>> -> memref<72x64xf32, #tpu.memory_space<vmem>>
      %dma_start3A_507 = arith.constant 128 : i32
      %dma_start3A_508 = tpu.memref_slice %arg6[%dma_start3A_498, %dma_start3A_499, %dma_start3A_507] : memref<4x2x200xi32, #tpu.memory_space<vmem>> -> memref<1x1x72xi32, #tpu.memory_space<vmem>>
      %dma_start3A_509 = tpu.memref_squeeze %dma_start3A_508 : memref<1x1x72xi32, #tpu.memory_space<vmem>> -> memref<72xi32, #tpu.memory_space<vmem>>
      %dma_start3A_510 = arith.constant 0 : i32
      %dma_start3A_511 = arith.constant 0 : i32
      %dma_start3A_512 = tpu.memref_slice %arg3[%dma_start3A_510, %dma_start3A_511] : memref<1000000x64xf32, #tpu.memory_space<hbm>> -> memref<1000000x64xf32, #tpu.memory_space<hbm>>
      %dma_start3A_513 = tpu.memref_slice %arg10[%dma_start3A_502] : memref<4x!tpu.dma_semaphore, #tpu.memory_space<semaphore_mem>> -> memref<1x!tpu.dma_semaphore, #tpu.memory_space<semaphore_mem>>
      %dma_start3A_514 = tpu.memref_squeeze %dma_start3A_513 : memref<1x!tpu.dma_semaphore, #tpu.memory_space<semaphore_mem>> -> memref<!tpu.dma_semaphore, #tpu.memory_space<semaphore_mem>>
      tpu.enqueue_indirect_dma source(%dma_start3A_512 : memref<1000000x64xf32, #tpu.memory_space<hbm>>) target(%dma_start3A_506 : memref<72x64xf32, #tpu.memory_space<vmem>>) offsets(%dma_start3A_509 : memref<72xi32, #tpu.memory_space<vmem>>) semaphore(%dma_start3A_514 : memref<!tpu.dma_semaphore, #tpu.memory_space<semaphore_mem>>)
      %add3A_515 = arith.constant 1 : i32
      %add3A_516 = arith.addi %add3A_423, %add3A_515 : i32
      %mul3A_517 = arith.constant 2 : i32
      %mul3A_518 = arith.muli %add3A_516, %mul3A_517 : i32
      %add3A_519 = arith.addi %mul3A_2, %mul3A_518 : i32
      %dma_start3A_520 = arith.constant 3 : i32
      %dma_start3A_521 = arith.constant 3 : i32
      %dma_start3A_522 = arith.constant 0 : i32
      %dma_start3A_523 = arith.constant 0 : i32
      %dma_start3A_524 = tpu.memref_slice %arg6[%dma_start3A_520, %dma_start3A_522, %dma_start3A_523] : memref<4x2x200xi32, #tpu.memory_space<vmem>> -> memref<1x2x200xi32, #tpu.memory_space<vmem>>
      %dma_start3A_525 = tpu.memref_squeeze %dma_start3A_524 : memref<1x2x200xi32, #tpu.memory_space<vmem>> -> memref<2x200xi32, #tpu.memory_space<vmem>>
      %dma_start3A_526 = arith.constant 0 : i32
      %dma_start3A_527 = tpu.memref_slice %arg2[%add3A_519, %dma_start3A_526] : memref<4096x200xi32, #tpu.memory_space<hbm>> -> memref<2x200xi32, #tpu.memory_space<hbm>>
      %dma_start3A_528 = tpu.memref_slice %arg9[%dma_start3A_521] : memref<4x!tpu.dma_semaphore, #tpu.memory_space<semaphore_mem>> -> memref<1x!tpu.dma_semaphore, #tpu.memory_space<semaphore_mem>>
      %dma_start3A_529 = tpu.memref_squeeze %dma_start3A_528 : memref<1x!tpu.dma_semaphore, #tpu.memory_space<semaphore_mem>> -> memref<!tpu.dma_semaphore, #tpu.memory_space<semaphore_mem>>
      %dma_start3A_530 = arith.constant 0 : i32
      %dma_start3A_531 = arith.constant 0 : i32
      %dma_start3A_532 = tpu.memref_slice %arg6[%dma_start3A_520, %dma_start3A_530, %dma_start3A_531] : memref<4x2x200xi32, #tpu.memory_space<vmem>> -> memref<1x2x200xi32, #tpu.memory_space<vmem>>
      %dma_start3A_533 = tpu.memref_squeeze %dma_start3A_532 : memref<1x2x200xi32, #tpu.memory_space<vmem>> -> memref<2x200xi32, #tpu.memory_space<vmem>>
      %dma_start3A_534 = arith.constant 0 : i32
      %dma_start3A_535 = tpu.memref_slice %arg2[%add3A_519, %dma_start3A_534] : memref<4096x200xi32, #tpu.memory_space<hbm>> -> memref<2x200xi32, #tpu.memory_space<hbm>>
      tpu.enqueue_dma source(%dma_start3A_535 : memref<2x200xi32, #tpu.memory_space<hbm>>) target(%dma_start3A_533 : memref<2x200xi32, #tpu.memory_space<vmem>>) target_semaphore(%dma_start3A_529 : memref<!tpu.dma_semaphore, #tpu.memory_space<semaphore_mem>>)
      %dma_wait3A_536 = arith.constant 1 : i32
      %dma_wait3A_537 = arith.constant 1 : i32
      %dma_wait3A_538 = arith.constant 0 : i32
      %dma_wait3A_539 = arith.constant 0 : i32
      %dma_wait3A_540 = arith.constant 0 : i32
      %dma_wait3A_541 = tpu.memref_slice %arg7[%dma_wait3A_536, %dma_wait3A_538, %dma_wait3A_539, %dma_wait3A_540] : memref<4x2x200x64xf32, #tpu.memory_space<vmem>> -> memref<1x2x200x64xf32, #tpu.memory_space<vmem>>
      %dma_wait3A_542 = tpu.memref_squeeze %dma_wait3A_541 : memref<1x2x200x64xf32, #tpu.memory_space<vmem>> -> memref<2x200x64xf32, #tpu.memory_space<vmem>>
      %dma_wait3A_543 = arith.constant 0 : i32
      %dma_wait3A_544 = arith.constant 0 : i32
      %dma_wait3A_545 = arith.constant 0 : i32
      %dma_wait3A_546 = tpu.memref_slice %arg5[%dma_wait3A_543, %dma_wait3A_544, %dma_wait3A_545] : memref<4096x200x128xf32, #tpu.memory_space<hbm>> -> memref<2x200x128xf32, #tpu.memory_space<hbm>>
      %dma_wait3A_547 = tpu.memref_slice %arg10[%dma_wait3A_537] : memref<4x!tpu.dma_semaphore, #tpu.memory_space<semaphore_mem>> -> memref<1x!tpu.dma_semaphore, #tpu.memory_space<semaphore_mem>>
      %dma_wait3A_548 = tpu.memref_squeeze %dma_wait3A_547 : memref<1x!tpu.dma_semaphore, #tpu.memory_space<semaphore_mem>> -> memref<!tpu.dma_semaphore, #tpu.memory_space<semaphore_mem>>
      %dma_wait3A_549 = arith.constant 0 : i32
      %dma_wait3A_550 = arith.constant 0 : i32
      %dma_wait3A_551 = arith.constant 0 : i32
      %dma_wait3A_552 = tpu.memref_slice %arg7[%dma_wait3A_536, %dma_wait3A_549, %dma_wait3A_550, %dma_wait3A_551] : memref<4x2x200x64xf32, #tpu.memory_space<vmem>> -> memref<1x2x200x64xf32, #tpu.memory_space<vmem>>
      %dma_wait3A_553 = tpu.memref_squeeze %dma_wait3A_552 : memref<1x2x200x64xf32, #tpu.memory_space<vmem>> -> memref<2x200x64xf32, #tpu.memory_space<vmem>>
      %dma_wait3A_554 = arith.constant 0 : i32
      %dma_wait3A_555 = arith.constant 0 : i32
      %dma_wait3A_556 = arith.constant 0 : i32
      %dma_wait3A_557 = tpu.memref_slice %arg5[%dma_wait3A_554, %dma_wait3A_555, %dma_wait3A_556] : memref<4096x200x128xf32, #tpu.memory_space<hbm>> -> memref<2x200x128xf32, #tpu.memory_space<hbm>>
      tpu.wait_dma2 semaphore(%dma_wait3A_548 : memref<!tpu.dma_semaphore, #tpu.memory_space<semaphore_mem>>) src(%dma_wait3A_557 : memref<2x200x128xf32, #tpu.memory_space<hbm>>) dst(%dma_wait3A_553 : memref<2x200x64xf32, #tpu.memory_space<vmem>>)
      %scan3A_558 = arith.constant 0 : i32
      %scan3A_559 = arith.constant 0 : i32
      %scan3A_560 = arith.constant 200 : i32
      %scan3A_561 = arith.addi %scan3A_559, %scan3A_560 : i32
      %scan3A_562 = arith.constant 1 : i32
      scf.for %scan3A_741 = %scan3A_559 to %scan3A_561 step %scan3A_562  : i32 {
        %get3A = arith.index_cast %scan3A_741 : i32 to index
        %get3A_742 = arith.constant 0 : index
        %get3A_743 = tpu.vector_load %arg8[%get3A, %get3A_742] {strides = array<i32>} : memref<200x64xf32, #tpu.memory_space<vmem>>, vector<1x16xf32>,
        %get3A_744 = vector.shape_cast %get3A_743 : vector<1x16xf32> to vector<16xf32>
        %swap3A = arith.constant 1 : i32
        %swap3A_745 = arith.constant 0 : i32
        %swap3A_746 = arith.index_cast %swap3A : i32 to index
        %swap3A_747 = arith.index_cast %swap3A_745 : i32 to index
        %swap3A_748 = arith.index_cast %scan3A_741 : i32 to index
        %swap3A_749 = arith.constant 0 : index
        %swap3A_750 = tpu.vector_load %arg7[%swap3A_746, %swap3A_747, %swap3A_748, %swap3A_749] {strides = array<i32>} : memref<4x2x200x64xf32, #tpu.memory_space<vmem>>, vector<1x1x1x16xf32>,
        %swap3A_751 = vector.shape_cast %swap3A_750 : vector<1x1x1x16xf32> to vector<16xf32>
        %swap3A_752 = vector.shape_cast %get3A_744 : vector<16xf32> to vector<1x1x1x16xf32>
        tpu.vector_store %arg7[%swap3A_746, %swap3A_747, %swap3A_748, %swap3A_749], %swap3A_752 {add = true, strides = array<i32>} : memref<4x2x200x64xf32, #tpu.memory_space<vmem>>, vector<1x1x1x16xf32>,
        %swap3A_753 = arith.constant 1 : i32
        %swap3A_754 = arith.constant 1 : i32
        %swap3A_755 = arith.index_cast %swap3A_753 : i32 to index
        %swap3A_756 = arith.index_cast %swap3A_754 : i32 to index
        %swap3A_757 = arith.index_cast %scan3A_741 : i32 to index
        %swap3A_758 = arith.constant 0 : index
        %swap3A_759 = tpu.vector_load %arg7[%swap3A_755, %swap3A_756, %swap3A_757, %swap3A_758] {strides = array<i32>} : memref<4x2x200x64xf32, #tpu.memory_space<vmem>>, vector<1x1x1x16xf32>,
        %swap3A_760 = vector.shape_cast %swap3A_759 : vector<1x1x1x16xf32> to vector<16xf32>
        %swap3A_761 = vector.shape_cast %get3A_744 : vector<16xf32> to vector<1x1x1x16xf32>
        tpu.vector_store %arg7[%swap3A_755, %swap3A_756, %swap3A_757, %swap3A_758], %swap3A_761 {add = true, strides = array<i32>} : memref<4x2x200x64xf32, #tpu.memory_space<vmem>>, vector<1x1x1x16xf32>,
        %get3A_762 = arith.index_cast %scan3A_741 : i32 to index
        %get3A_763 = arith.constant 16 : index
        %get3A_764 = tpu.vector_load %arg8[%get3A_762, %get3A_763] {strides = array<i32>} : memref<200x64xf32, #tpu.memory_space<vmem>>, vector<1x16xf32>,
        %get3A_765 = vector.shape_cast %get3A_764 : vector<1x16xf32> to vector<16xf32>
        %swap3A_766 = arith.constant 1 : i32
        %swap3A_767 = arith.constant 0 : i32
        %swap3A_768 = arith.index_cast %swap3A_766 : i32 to index
        %swap3A_769 = arith.index_cast %swap3A_767 : i32 to index
        %swap3A_770 = arith.index_cast %scan3A_741 : i32 to index
        %swap3A_771 = arith.constant 16 : index
        %swap3A_772 = tpu.vector_load %arg7[%swap3A_768, %swap3A_769, %swap3A_770, %swap3A_771] {strides = array<i32>} : memref<4x2x200x64xf32, #tpu.memory_space<vmem>>, vector<1x1x1x16xf32>,
        %swap3A_773 = vector.shape_cast %swap3A_772 : vector<1x1x1x16xf32> to vector<16xf32>
        %swap3A_774 = vector.shape_cast %get3A_765 : vector<16xf32> to vector<1x1x1x16xf32>
        tpu.vector_store %arg7[%swap3A_768, %swap3A_769, %swap3A_770, %swap3A_771], %swap3A_774 {add = true, strides = array<i32>} : memref<4x2x200x64xf32, #tpu.memory_space<vmem>>, vector<1x1x1x16xf32>,
        %swap3A_775 = arith.constant 1 : i32
        %swap3A_776 = arith.constant 1 : i32
        %swap3A_777 = arith.index_cast %swap3A_775 : i32 to index
        %swap3A_778 = arith.index_cast %swap3A_776 : i32 to index
        %swap3A_779 = arith.index_cast %scan3A_741 : i32 to index
        %swap3A_780 = arith.constant 16 : index
        %swap3A_781 = tpu.vector_load %arg7[%swap3A_777, %swap3A_778, %swap3A_779, %swap3A_780] {strides = array<i32>} : memref<4x2x200x64xf32, #tpu.memory_space<vmem>>, vector<1x1x1x16xf32>,
        %swap3A_782 = vector.shape_cast %swap3A_781 : vector<1x1x1x16xf32> to vector<16xf32>
        %swap3A_783 = vector.shape_cast %get3A_765 : vector<16xf32> to vector<1x1x1x16xf32>
        tpu.vector_store %arg7[%swap3A_777, %swap3A_778, %swap3A_779, %swap3A_780], %swap3A_783 {add = true, strides = array<i32>} : memref<4x2x200x64xf32, #tpu.memory_space<vmem>>, vector<1x1x1x16xf32>,
        %get3A_784 = arith.index_cast %scan3A_741 : i32 to index
        %get3A_785 = arith.constant 32 : index
        %get3A_786 = tpu.vector_load %arg8[%get3A_784, %get3A_785] {strides = array<i32>} : memref<200x64xf32, #tpu.memory_space<vmem>>, vector<1x16xf32>,
        %get3A_787 = vector.shape_cast %get3A_786 : vector<1x16xf32> to vector<16xf32>
        %swap3A_788 = arith.constant 1 : i32
        %swap3A_789 = arith.constant 0 : i32
        %swap3A_790 = arith.index_cast %swap3A_788 : i32 to index
        %swap3A_791 = arith.index_cast %swap3A_789 : i32 to index
        %swap3A_792 = arith.index_cast %scan3A_741 : i32 to index
        %swap3A_793 = arith.constant 32 : index
        %swap3A_794 = tpu.vector_load %arg7[%swap3A_790, %swap3A_791, %swap3A_792, %swap3A_793] {strides = array<i32>} : memref<4x2x200x64xf32, #tpu.memory_space<vmem>>, vector<1x1x1x16xf32>,
        %swap3A_795 = vector.shape_cast %swap3A_794 : vector<1x1x1x16xf32> to vector<16xf32>
        %swap3A_796 = vector.shape_cast %get3A_787 : vector<16xf32> to vector<1x1x1x16xf32>
        tpu.vector_store %arg7[%swap3A_790, %swap3A_791, %swap3A_792, %swap3A_793], %swap3A_796 {add = true, strides = array<i32>} : memref<4x2x200x64xf32, #tpu.memory_space<vmem>>, vector<1x1x1x16xf32>,
        %swap3A_797 = arith.constant 1 : i32
        %swap3A_798 = arith.constant 1 : i32
        %swap3A_799 = arith.index_cast %swap3A_797 : i32 to index
        %swap3A_800 = arith.index_cast %swap3A_798 : i32 to index
        %swap3A_801 = arith.index_cast %scan3A_741 : i32 to index
        %swap3A_802 = arith.constant 32 : index
        %swap3A_803 = tpu.vector_load %arg7[%swap3A_799, %swap3A_800, %swap3A_801, %swap3A_802] {strides = array<i32>} : memref<4x2x200x64xf32, #tpu.memory_space<vmem>>, vector<1x1x1x16xf32>,
        %swap3A_804 = vector.shape_cast %swap3A_803 : vector<1x1x1x16xf32> to vector<16xf32>
        %swap3A_805 = vector.shape_cast %get3A_787 : vector<16xf32> to vector<1x1x1x16xf32>
        tpu.vector_store %arg7[%swap3A_799, %swap3A_800, %swap3A_801, %swap3A_802], %swap3A_805 {add = true, strides = array<i32>} : memref<4x2x200x64xf32, #tpu.memory_space<vmem>>, vector<1x1x1x16xf32>,
        %get3A_806 = arith.index_cast %scan3A_741 : i32 to index
        %get3A_807 = arith.constant 48 : index
        %get3A_808 = tpu.vector_load %arg8[%get3A_806, %get3A_807] {strides = array<i32>} : memref<200x64xf32, #tpu.memory_space<vmem>>, vector<1x16xf32>,
        %get3A_809 = vector.shape_cast %get3A_808 : vector<1x16xf32> to vector<16xf32>
        %swap3A_810 = arith.constant 1 : i32
        %swap3A_811 = arith.constant 0 : i32
        %swap3A_812 = arith.index_cast %swap3A_810 : i32 to index
        %swap3A_813 = arith.index_cast %swap3A_811 : i32 to index
        %swap3A_814 = arith.index_cast %scan3A_741 : i32 to index
        %swap3A_815 = arith.constant 48 : index
        %swap3A_816 = tpu.vector_load %arg7[%swap3A_812, %swap3A_813, %swap3A_814, %swap3A_815] {strides = array<i32>} : memref<4x2x200x64xf32, #tpu.memory_space<vmem>>, vector<1x1x1x16xf32>,
        %swap3A_817 = vector.shape_cast %swap3A_816 : vector<1x1x1x16xf32> to vector<16xf32>
        %swap3A_818 = vector.shape_cast %get3A_809 : vector<16xf32> to vector<1x1x1x16xf32>
        tpu.vector_store %arg7[%swap3A_812, %swap3A_813, %swap3A_814, %swap3A_815], %swap3A_818 {add = true, strides = array<i32>} : memref<4x2x200x64xf32, #tpu.memory_space<vmem>>, vector<1x1x1x16xf32>,
        %swap3A_819 = arith.constant 1 : i32
        %swap3A_820 = arith.constant 1 : i32
        %swap3A_821 = arith.index_cast %swap3A_819 : i32 to index
        %swap3A_822 = arith.index_cast %swap3A_820 : i32 to index
        %swap3A_823 = arith.index_cast %scan3A_741 : i32 to index
        %swap3A_824 = arith.constant 48 : index
        %swap3A_825 = tpu.vector_load %arg7[%swap3A_821, %swap3A_822, %swap3A_823, %swap3A_824] {strides = array<i32>} : memref<4x2x200x64xf32, #tpu.memory_space<vmem>>, vector<1x1x1x16xf32>,
        %swap3A_826 = vector.shape_cast %swap3A_825 : vector<1x1x1x16xf32> to vector<16xf32>
        %swap3A_827 = vector.shape_cast %get3A_809 : vector<16xf32> to vector<1x1x1x16xf32>
        tpu.vector_store %arg7[%swap3A_821, %swap3A_822, %swap3A_823, %swap3A_824], %swap3A_827 {add = true, strides = array<i32>} : memref<4x2x200x64xf32, #tpu.memory_space<vmem>>, vector<1x1x1x16xf32>,
      }
      %scan3A_563 = arith.constant 200 : i32
      %sub3A_564 = arith.constant 1 : i32
      %sub3A_565 = arith.subi %add3A_423, %sub3A_564 : i32
      %mul3A_566 = arith.constant 2 : i32
      %mul3A_567 = arith.muli %sub3A_565, %mul3A_566 : i32
      %add3A_568 = arith.addi %mul3A_2, %mul3A_567 : i32
      %dma_start3A_569 = arith.constant 1 : i32
      %dma_start3A_570 = arith.constant 1 : i32
      %dma_start3A_571 = arith.constant 0 : i32
      %dma_start3A_572 = arith.constant 0 : i32
      %dma_start3A_573 = arith.constant 0 : i32
      %dma_start3A_574 = tpu.memref_slice %arg7[%dma_start3A_569, %dma_start3A_571, %dma_start3A_572, %dma_start3A_573] : memref<4x2x200x64xf32, #tpu.memory_space<vmem>> -> memref<1x2x200x64xf32, #tpu.memory_space<vmem>>
      %dma_start3A_575 = tpu.memref_squeeze %dma_start3A_574 : memref<1x2x200x64xf32, #tpu.memory_space<vmem>> -> memref<2x200x64xf32, #tpu.memory_space<vmem>>
      %dma_start3A_576 = arith.constant 0 : i32
      %dma_start3A_577 = arith.constant 0 : i32
      %dma_start3A_578 = tpu.memref_slice %arg5[%add3A_568, %dma_start3A_576, %dma_start3A_577] : memref<4096x200x128xf32, #tpu.memory_space<hbm>> -> memref<2x200x64xf32, #tpu.memory_space<hbm>>
      %dma_start3A_579 = tpu.memref_slice %arg11[%dma_start3A_570] : memref<4x!tpu.dma_semaphore, #tpu.memory_space<semaphore_mem>> -> memref<1x!tpu.dma_semaphore, #tpu.memory_space<semaphore_mem>>
      %dma_start3A_580 = tpu.memref_squeeze %dma_start3A_579 : memref<1x!tpu.dma_semaphore, #tpu.memory_space<semaphore_mem>> -> memref<!tpu.dma_semaphore, #tpu.memory_space<semaphore_mem>>
      %dma_start3A_581 = arith.constant 0 : i32
      %dma_start3A_582 = arith.constant 0 : i32
      %dma_start3A_583 = tpu.memref_slice %arg5[%add3A_568, %dma_start3A_581, %dma_start3A_582] : memref<4096x200x128xf32, #tpu.memory_space<hbm>> -> memref<2x200x64xf32, #tpu.memory_space<hbm>>
      %dma_start3A_584 = arith.constant 0 : i32
      %dma_start3A_585 = arith.constant 0 : i32
      %dma_start3A_586 = arith.constant 0 : i32
      %dma_start3A_587 = tpu.memref_slice %arg7[%dma_start3A_569, %dma_start3A_584, %dma_start3A_585, %dma_start3A_586] : memref<4x2x200x64xf32, #tpu.memory_space<vmem>> -> memref<1x2x200x64xf32, #tpu.memory_space<vmem>>
      %dma_start3A_588 = tpu.memref_squeeze %dma_start3A_587 : memref<1x2x200x64xf32, #tpu.memory_space<vmem>> -> memref<2x200x64xf32, #tpu.memory_space<vmem>>
      tpu.enqueue_dma source(%dma_start3A_588 : memref<2x200x64xf32, #tpu.memory_space<vmem>>) target(%dma_start3A_583 : memref<2x200x64xf32, #tpu.memory_space<hbm>>) target_semaphore(%dma_start3A_580 : memref<!tpu.dma_semaphore, #tpu.memory_space<semaphore_mem>>)
      %mul3A_589 = arith.constant 4 : i32
      %mul3A_590 = arith.muli %mul3A_589, %scan3A_230 : i32
      %add3A_591 = arith.constant 3 : i32
      %add3A_592 = arith.addi %mul3A_590, %add3A_591 : i32
      %gt3A_593 = arith.constant 0 : i32
      %gt3A_594 = arith.cmpi sgt, %scan3A_230, %gt3A_593 : i32
      %convert_element_type3A_595 = arith.extui %gt3A_594 : i1 to i32
      %cond3A_596 = arith.constant 0 : i32
      %cond3A_597 = arith.cmpi ne, %convert_element_type3A_595, %cond3A_596 : i32
      scf.if %cond3A_597 {
        %dma_wait3A_741 = arith.constant 3 : i32
        %dma_wait3A_742 = arith.constant 3 : i32
        %dma_wait3A_743 = arith.constant 0 : i32
        %dma_wait3A_744 = arith.constant 0 : i32
        %dma_wait3A_745 = arith.constant 0 : i32
        %dma_wait3A_746 = tpu.memref_slice %arg7[%dma_wait3A_741, %dma_wait3A_743, %dma_wait3A_744, %dma_wait3A_745] : memref<4x2x200x64xf32, #tpu.memory_space<vmem>> -> memref<1x2x200x64xf32, #tpu.memory_space<vmem>>
        %dma_wait3A_747 = tpu.memref_squeeze %dma_wait3A_746 : memref<1x2x200x64xf32, #tpu.memory_space<vmem>> -> memref<2x200x64xf32, #tpu.memory_space<vmem>>
        %dma_wait3A_748 = arith.constant 0 : i32
        %dma_wait3A_749 = arith.constant 0 : i32
        %dma_wait3A_750 = arith.constant 0 : i32
        %dma_wait3A_751 = tpu.memref_slice %arg5[%dma_wait3A_748, %dma_wait3A_749, %dma_wait3A_750] : memref<4096x200x128xf32, #tpu.memory_space<hbm>> -> memref<2x200x64xf32, #tpu.memory_space<hbm>>
        %dma_wait3A_752 = tpu.memref_slice %arg11[%dma_wait3A_742] : memref<4x!tpu.dma_semaphore, #tpu.memory_space<semaphore_mem>> -> memref<1x!tpu.dma_semaphore, #tpu.memory_space<semaphore_mem>>
        %dma_wait3A_753 = tpu.memref_squeeze %dma_wait3A_752 : memref<1x!tpu.dma_semaphore, #tpu.memory_space<semaphore_mem>> -> memref<!tpu.dma_semaphore, #tpu.memory_space<semaphore_mem>>
        %dma_wait3A_754 = arith.constant 0 : i32
        %dma_wait3A_755 = arith.constant 0 : i32
        %dma_wait3A_756 = arith.constant 0 : i32
        %dma_wait3A_757 = tpu.memref_slice %arg5[%dma_wait3A_754, %dma_wait3A_755, %dma_wait3A_756] : memref<4096x200x128xf32, #tpu.memory_space<hbm>> -> memref<2x200x64xf32, #tpu.memory_space<hbm>>
        %dma_wait3A_758 = arith.constant 0 : i32
        %dma_wait3A_759 = arith.constant 0 : i32
        %dma_wait3A_760 = arith.constant 0 : i32
        %dma_wait3A_761 = tpu.memref_slice %arg7[%dma_wait3A_741, %dma_wait3A_758, %dma_wait3A_759, %dma_wait3A_760] : memref<4x2x200x64xf32, #tpu.memory_space<vmem>> -> memref<1x2x200x64xf32, #tpu.memory_space<vmem>>
        %dma_wait3A_762 = tpu.memref_squeeze %dma_wait3A_761 : memref<1x2x200x64xf32, #tpu.memory_space<vmem>> -> memref<2x200x64xf32, #tpu.memory_space<vmem>>
        tpu.wait_dma2 semaphore(%dma_wait3A_753 : memref<!tpu.dma_semaphore, #tpu.memory_space<semaphore_mem>>) src(%dma_wait3A_762 : memref<2x200x64xf32, #tpu.memory_space<vmem>>) dst(%dma_wait3A_757 : memref<2x200x64xf32, #tpu.memory_space<hbm>>)
      } else {
      }
      %dma_wait3A_598 = arith.constant 3 : i32
      %dma_wait3A_599 = arith.constant 3 : i32
      %dma_wait3A_600 = arith.constant 0 : i32
      %dma_wait3A_601 = arith.constant 0 : i32
      %dma_wait3A_602 = tpu.memref_slice %arg6[%dma_wait3A_598, %dma_wait3A_600, %dma_wait3A_601] : memref<4x2x200xi32, #tpu.memory_space<vmem>> -> memref<1x2x200xi32, #tpu.memory_space<vmem>>
      %dma_wait3A_603 = tpu.memref_squeeze %dma_wait3A_602 : memref<1x2x200xi32, #tpu.memory_space<vmem>> -> memref<2x200xi32, #tpu.memory_space<vmem>>
      %dma_wait3A_604 = arith.constant 0 : i32
      %dma_wait3A_605 = arith.constant 0 : i32
      %dma_wait3A_606 = tpu.memref_slice %arg2[%dma_wait3A_604, %dma_wait3A_605] : memref<4096x200xi32, #tpu.memory_space<hbm>> -> memref<2x200xi32, #tpu.memory_space<hbm>>
      %dma_wait3A_607 = tpu.memref_slice %arg9[%dma_wait3A_599] : memref<4x!tpu.dma_semaphore, #tpu.memory_space<semaphore_mem>> -> memref<1x!tpu.dma_semaphore, #tpu.memory_space<semaphore_mem>>
      %dma_wait3A_608 = tpu.memref_squeeze %dma_wait3A_607 : memref<1x!tpu.dma_semaphore, #tpu.memory_space<semaphore_mem>> -> memref<!tpu.dma_semaphore, #tpu.memory_space<semaphore_mem>>
      %dma_wait3A_609 = arith.constant 0 : i32
      %dma_wait3A_610 = arith.constant 0 : i32
      %dma_wait3A_611 = tpu.memref_slice %arg6[%dma_wait3A_598, %dma_wait3A_609, %dma_wait3A_610] : memref<4x2x200xi32, #tpu.memory_space<vmem>> -> memref<1x2x200xi32, #tpu.memory_space<vmem>>
      %dma_wait3A_612 = tpu.memref_squeeze %dma_wait3A_611 : memref<1x2x200xi32, #tpu.memory_space<vmem>> -> memref<2x200xi32, #tpu.memory_space<vmem>>
      %dma_wait3A_613 = arith.constant 0 : i32
      %dma_wait3A_614 = arith.constant 0 : i32
      %dma_wait3A_615 = tpu.memref_slice %arg2[%dma_wait3A_613, %dma_wait3A_614] : memref<4096x200xi32, #tpu.memory_space<hbm>> -> memref<2x200xi32, #tpu.memory_space<hbm>>
      tpu.wait_dma2 semaphore(%dma_wait3A_608 : memref<!tpu.dma_semaphore, #tpu.memory_space<semaphore_mem>>) src(%dma_wait3A_615 : memref<2x200xi32, #tpu.memory_space<hbm>>) dst(%dma_wait3A_612 : memref<2x200xi32, #tpu.memory_space<vmem>>)
      %dma_start3A_616 = arith.constant 3 : i32
      %dma_start3A_617 = arith.constant 0 : i32
      %dma_start3A_618 = arith.constant 3 : i32
      %dma_start3A_619 = arith.constant 0 : i32
      %dma_start3A_620 = arith.constant 3 : i32
      %dma_start3A_621 = arith.constant 0 : i32
      %dma_start3A_622 = arith.constant 0 : i32
      %dma_start3A_623 = tpu.memref_slice %arg7[%dma_start3A_618, %dma_start3A_619, %dma_start3A_621, %dma_start3A_622] : memref<4x2x200x64xf32, #tpu.memory_space<vmem>> -> memref<1x1x128x64xf32, #tpu.memory_space<vmem>>
      %dma_start3A_624 = tpu.memref_squeeze %dma_start3A_623 : memref<1x1x128x64xf32, #tpu.memory_space<vmem>> -> memref<128x64xf32, #tpu.memory_space<vmem>>
      %dma_start3A_625 = arith.constant 0 : i32
      %dma_start3A_626 = tpu.memref_slice %arg6[%dma_start3A_616, %dma_start3A_617, %dma_start3A_625] : memref<4x2x200xi32, #tpu.memory_space<vmem>> -> memref<1x1x128xi32, #tpu.memory_space<vmem>>
      %dma_start3A_627 = tpu.memref_squeeze %dma_start3A_626 : memref<1x1x128xi32, #tpu.memory_space<vmem>> -> memref<128xi32, #tpu.memory_space<vmem>>
      %dma_start3A_628 = arith.constant 0 : i32
      %dma_start3A_629 = arith.constant 0 : i32
      %dma_start3A_630 = tpu.memref_slice %arg3[%dma_start3A_628, %dma_start3A_629] : memref<1000000x64xf32, #tpu.memory_space<hbm>> -> memref<1000000x64xf32, #tpu.memory_space<hbm>>
      %dma_start3A_631 = tpu.memref_slice %arg10[%dma_start3A_620] : memref<4x!tpu.dma_semaphore, #tpu.memory_space<semaphore_mem>> -> memref<1x!tpu.dma_semaphore, #tpu.memory_space<semaphore_mem>>
      %dma_start3A_632 = tpu.memref_squeeze %dma_start3A_631 : memref<1x!tpu.dma_semaphore, #tpu.memory_space<semaphore_mem>> -> memref<!tpu.dma_semaphore, #tpu.memory_space<semaphore_mem>>
      tpu.enqueue_indirect_dma source(%dma_start3A_630 : memref<1000000x64xf32, #tpu.memory_space<hbm>>) target(%dma_start3A_624 : memref<128x64xf32, #tpu.memory_space<vmem>>) offsets(%dma_start3A_627 : memref<128xi32, #tpu.memory_space<vmem>>) semaphore(%dma_start3A_632 : memref<!tpu.dma_semaphore, #tpu.memory_space<semaphore_mem>>)
      %dma_start3A_633 = arith.constant 3 : i32
      %dma_start3A_634 = arith.constant 0 : i32
      %dma_start3A_635 = arith.constant 3 : i32
      %dma_start3A_636 = arith.constant 0 : i32
      %dma_start3A_637 = arith.constant 3 : i32
      %dma_start3A_638 = arith.constant 128 : i32
      %dma_start3A_639 = arith.constant 0 : i32
      %dma_start3A_640 = tpu.memref_slice %arg7[%dma_start3A_635, %dma_start3A_636, %dma_start3A_638, %dma_start3A_639] : memref<4x2x200x64xf32, #tpu.memory_space<vmem>> -> memref<1x1x72x64xf32, #tpu.memory_space<vmem>>
      %dma_start3A_641 = tpu.memref_squeeze %dma_start3A_640 : memref<1x1x72x64xf32, #tpu.memory_space<vmem>> -> memref<72x64xf32, #tpu.memory_space<vmem>>
      %dma_start3A_642 = arith.constant 128 : i32
      %dma_start3A_643 = tpu.memref_slice %arg6[%dma_start3A_633, %dma_start3A_634, %dma_start3A_642] : memref<4x2x200xi32, #tpu.memory_space<vmem>> -> memref<1x1x72xi32, #tpu.memory_space<vmem>>
      %dma_start3A_644 = tpu.memref_squeeze %dma_start3A_643 : memref<1x1x72xi32, #tpu.memory_space<vmem>> -> memref<72xi32, #tpu.memory_space<vmem>>
      %dma_start3A_645 = arith.constant 0 : i32
      %dma_start3A_646 = arith.constant 0 : i32
      %dma_start3A_647 = tpu.memref_slice %arg3[%dma_start3A_645, %dma_start3A_646] : memref<1000000x64xf32, #tpu.memory_space<hbm>> -> memref<1000000x64xf32, #tpu.memory_space<hbm>>
      %dma_start3A_648 = tpu.memref_slice %arg10[%dma_start3A_637] : memref<4x!tpu.dma_semaphore, #tpu.memory_space<semaphore_mem>> -> memref<1x!tpu.dma_semaphore, #tpu.memory_space<semaphore_mem>>
      %dma_start3A_649 = tpu.memref_squeeze %dma_start3A_648 : memref<1x!tpu.dma_semaphore, #tpu.memory_space<semaphore_mem>> -> memref<!tpu.dma_semaphore, #tpu.memory_space<semaphore_mem>>
      tpu.enqueue_indirect_dma source(%dma_start3A_647 : memref<1000000x64xf32, #tpu.memory_space<hbm>>) target(%dma_start3A_641 : memref<72x64xf32, #tpu.memory_space<vmem>>) offsets(%dma_start3A_644 : memref<72xi32, #tpu.memory_space<vmem>>) semaphore(%dma_start3A_649 : memref<!tpu.dma_semaphore, #tpu.memory_space<semaphore_mem>>)
      %dma_start3A_650 = arith.constant 3 : i32
      %dma_start3A_651 = arith.constant 1 : i32
      %dma_start3A_652 = arith.constant 3 : i32
      %dma_start3A_653 = arith.constant 1 : i32
      %dma_start3A_654 = arith.constant 3 : i32
      %dma_start3A_655 = arith.constant 0 : i32
      %dma_start3A_656 = arith.constant 0 : i32
      %dma_start3A_657 = tpu.memref_slice %arg7[%dma_start3A_652, %dma_start3A_653, %dma_start3A_655, %dma_start3A_656] : memref<4x2x200x64xf32, #tpu.memory_space<vmem>> -> memref<1x1x128x64xf32, #tpu.memory_space<vmem>>
      %dma_start3A_658 = tpu.memref_squeeze %dma_start3A_657 : memref<1x1x128x64xf32, #tpu.memory_space<vmem>> -> memref<128x64xf32, #tpu.memory_space<vmem>>
      %dma_start3A_659 = arith.constant 0 : i32
      %dma_start3A_660 = tpu.memref_slice %arg6[%dma_start3A_650, %dma_start3A_651, %dma_start3A_659] : memref<4x2x200xi32, #tpu.memory_space<vmem>> -> memref<1x1x128xi32, #tpu.memory_space<vmem>>
      %dma_start3A_661 = tpu.memref_squeeze %dma_start3A_660 : memref<1x1x128xi32, #tpu.memory_space<vmem>> -> memref<128xi32, #tpu.memory_space<vmem>>
      %dma_start3A_662 = arith.constant 0 : i32
      %dma_start3A_663 = arith.constant 0 : i32
      %dma_start3A_664 = tpu.memref_slice %arg3[%dma_start3A_662, %dma_start3A_663] : memref<1000000x64xf32, #tpu.memory_space<hbm>> -> memref<1000000x64xf32, #tpu.memory_space<hbm>>
      %dma_start3A_665 = tpu.memref_slice %arg10[%dma_start3A_654] : memref<4x!tpu.dma_semaphore, #tpu.memory_space<semaphore_mem>> -> memref<1x!tpu.dma_semaphore, #tpu.memory_space<semaphore_mem>>
      %dma_start3A_666 = tpu.memref_squeeze %dma_start3A_665 : memref<1x!tpu.dma_semaphore, #tpu.memory_space<semaphore_mem>> -> memref<!tpu.dma_semaphore, #tpu.memory_space<semaphore_mem>>
      tpu.enqueue_indirect_dma source(%dma_start3A_664 : memref<1000000x64xf32, #tpu.memory_space<hbm>>) target(%dma_start3A_658 : memref<128x64xf32, #tpu.memory_space<vmem>>) offsets(%dma_start3A_661 : memref<128xi32, #tpu.memory_space<vmem>>) semaphore(%dma_start3A_666 : memref<!tpu.dma_semaphore, #tpu.memory_space<semaphore_mem>>)
      %dma_start3A_667 = arith.constant 3 : i32
      %dma_start3A_668 = arith.constant 1 : i32
      %dma_start3A_669 = arith.constant 3 : i32
      %dma_start3A_670 = arith.constant 1 : i32
      %dma_start3A_671 = arith.constant 3 : i32
      %dma_start3A_672 = arith.constant 128 : i32
      %dma_start3A_673 = arith.constant 0 : i32
      %dma_start3A_674 = tpu.memref_slice %arg7[%dma_start3A_669, %dma_start3A_670, %dma_start3A_672, %dma_start3A_673] : memref<4x2x200x64xf32, #tpu.memory_space<vmem>> -> memref<1x1x72x64xf32, #tpu.memory_space<vmem>>
      %dma_start3A_675 = tpu.memref_squeeze %dma_start3A_674 : memref<1x1x72x64xf32, #tpu.memory_space<vmem>> -> memref<72x64xf32, #tpu.memory_space<vmem>>
      %dma_start3A_676 = arith.constant 128 : i32
      %dma_start3A_677 = tpu.memref_slice %arg6[%dma_start3A_667, %dma_start3A_668, %dma_start3A_676] : memref<4x2x200xi32, #tpu.memory_space<vmem>> -> memref<1x1x72xi32, #tpu.memory_space<vmem>>
      %dma_start3A_678 = tpu.memref_squeeze %dma_start3A_677 : memref<1x1x72xi32, #tpu.memory_space<vmem>> -> memref<72xi32, #tpu.memory_space<vmem>>
      %dma_start3A_679 = arith.constant 0 : i32
      %dma_start3A_680 = arith.constant 0 : i32
      %dma_start3A_681 = tpu.memref_slice %arg3[%dma_start3A_679, %dma_start3A_680] : memref<1000000x64xf32, #tpu.memory_space<hbm>> -> memref<1000000x64xf32, #tpu.memory_space<hbm>>
      %dma_start3A_682 = tpu.memref_slice %arg10[%dma_start3A_671] : memref<4x!tpu.dma_semaphore, #tpu.memory_space<semaphore_mem>> -> memref<1x!tpu.dma_semaphore, #tpu.memory_space<semaphore_mem>>
      %dma_start3A_683 = tpu.memref_squeeze %dma_start3A_682 : memref<1x!tpu.dma_semaphore, #tpu.memory_space<semaphore_mem>> -> memref<!tpu.dma_semaphore, #tpu.memory_space<semaphore_mem>>
      tpu.enqueue_indirect_dma source(%dma_start3A_681 : memref<1000000x64xf32, #tpu.memory_space<hbm>>) target(%dma_start3A_675 : memref<72x64xf32, #tpu.memory_space<vmem>>) offsets(%dma_start3A_678 : memref<72xi32, #tpu.memory_space<vmem>>) semaphore(%dma_start3A_683 : memref<!tpu.dma_semaphore, #tpu.memory_space<semaphore_mem>>)
      %lt3A = arith.constant 15 : i32
      %lt3A_684 = arith.cmpi slt, %scan3A_230, %lt3A : i32
      %convert_element_type3A_685 = arith.extui %lt3A_684 : i1 to i32
      %cond3A_686 = arith.constant 0 : i32
      %cond3A_687 = arith.cmpi ne, %convert_element_type3A_685, %cond3A_686 : i32
      scf.if %cond3A_687 {
        %add3A_741 = arith.constant 1 : i32
        %add3A_742 = arith.addi %add3A_592, %add3A_741 : i32
        %mul3A_743 = arith.constant 2 : i32
        %mul3A_744 = arith.muli %add3A_742, %mul3A_743 : i32
        %add3A_745 = arith.addi %mul3A_2, %mul3A_744 : i32
        %dma_start3A_746 = arith.constant 0 : i32
        %dma_start3A_747 = arith.constant 0 : i32
        %dma_start3A_748 = arith.constant 0 : i32
        %dma_start3A_749 = arith.constant 0 : i32
        %dma_start3A_750 = tpu.memref_slice %arg6[%dma_start3A_746, %dma_start3A_748, %dma_start3A_749] : memref<4x2x200xi32, #tpu.memory_space<vmem>> -> memref<1x2x200xi32, #tpu.memory_space<vmem>>
        %dma_start3A_751 = tpu.memref_squeeze %dma_start3A_750 : memref<1x2x200xi32, #tpu.memory_space<vmem>> -> memref<2x200xi32, #tpu.memory_space<vmem>>
        %dma_start3A_752 = arith.constant 0 : i32
        %dma_start3A_753 = tpu.memref_slice %arg2[%add3A_745, %dma_start3A_752] : memref<4096x200xi32, #tpu.memory_space<hbm>> -> memref<2x200xi32, #tpu.memory_space<hbm>>
        %dma_start3A_754 = tpu.memref_slice %arg9[%dma_start3A_747] : memref<4x!tpu.dma_semaphore, #tpu.memory_space<semaphore_mem>> -> memref<1x!tpu.dma_semaphore, #tpu.memory_space<semaphore_mem>>
        %dma_start3A_755 = tpu.memref_squeeze %dma_start3A_754 : memref<1x!tpu.dma_semaphore, #tpu.memory_space<semaphore_mem>> -> memref<!tpu.dma_semaphore, #tpu.memory_space<semaphore_mem>>
        %dma_start3A_756 = arith.constant 0 : i32
        %dma_start3A_757 = arith.constant 0 : i32
        %dma_start3A_758 = tpu.memref_slice %arg6[%dma_start3A_746, %dma_start3A_756, %dma_start3A_757] : memref<4x2x200xi32, #tpu.memory_space<vmem>> -> memref<1x2x200xi32, #tpu.memory_space<vmem>>
        %dma_start3A_759 = tpu.memref_squeeze %dma_start3A_758 : memref<1x2x200xi32, #tpu.memory_space<vmem>> -> memref<2x200xi32, #tpu.memory_space<vmem>>
        %dma_start3A_760 = arith.constant 0 : i32
        %dma_start3A_761 = tpu.memref_slice %arg2[%add3A_745, %dma_start3A_760] : memref<4096x200xi32, #tpu.memory_space<hbm>> -> memref<2x200xi32, #tpu.memory_space<hbm>>
        tpu.enqueue_dma source(%dma_start3A_761 : memref<2x200xi32, #tpu.memory_space<hbm>>) target(%dma_start3A_759 : memref<2x200xi32, #tpu.memory_space<vmem>>) target_semaphore(%dma_start3A_755 : memref<!tpu.dma_semaphore, #tpu.memory_space<semaphore_mem>>)
      } else {
      }
      %dma_wait3A_688 = arith.constant 2 : i32
      %dma_wait3A_689 = arith.constant 2 : i32
      %dma_wait3A_690 = arith.constant 0 : i32
      %dma_wait3A_691 = arith.constant 0 : i32
      %dma_wait3A_692 = arith.constant 0 : i32
      %dma_wait3A_693 = tpu.memref_slice %arg7[%dma_wait3A_688, %dma_wait3A_690, %dma_wait3A_691, %dma_wait3A_692] : memref<4x2x200x64xf32, #tpu.memory_space<vmem>> -> memref<1x2x200x64xf32, #tpu.memory_space<vmem>>
      %dma_wait3A_694 = tpu.memref_squeeze %dma_wait3A_693 : memref<1x2x200x64xf32, #tpu.memory_space<vmem>> -> memref<2x200x64xf32, #tpu.memory_space<vmem>>
      %dma_wait3A_695 = arith.constant 0 : i32
      %dma_wait3A_696 = arith.constant 0 : i32
      %dma_wait3A_697 = arith.constant 0 : i32
      %dma_wait3A_698 = tpu.memref_slice %arg5[%dma_wait3A_695, %dma_wait3A_696, %dma_wait3A_697] : memref<4096x200x128xf32, #tpu.memory_space<hbm>> -> memref<2x200x128xf32, #tpu.memory_space<hbm>>
      %dma_wait3A_699 = tpu.memref_slice %arg10[%dma_wait3A_689] : memref<4x!tpu.dma_semaphore, #tpu.memory_space<semaphore_mem>> -> memref<1x!tpu.dma_semaphore, #tpu.memory_space<semaphore_mem>>
      %dma_wait3A_700 = tpu.memref_squeeze %dma_wait3A_699 : memref<1x!tpu.dma_semaphore, #tpu.memory_space<semaphore_mem>> -> memref<!tpu.dma_semaphore, #tpu.memory_space<semaphore_mem>>
      %dma_wait3A_701 = arith.constant 0 : i32
      %dma_wait3A_702 = arith.constant 0 : i32
      %dma_wait3A_703 = arith.constant 0 : i32
      %dma_wait3A_704 = tpu.memref_slice %arg7[%dma_wait3A_688, %dma_wait3A_701, %dma_wait3A_702, %dma_wait3A_703] : memref<4x2x200x64xf32, #tpu.memory_space<vmem>> -> memref<1x2x200x64xf32, #tpu.memory_space<vmem>>
      %dma_wait3A_705 = tpu.memref_squeeze %dma_wait3A_704 : memref<1x2x200x64xf32, #tpu.memory_space<vmem>> -> memref<2x200x64xf32, #tpu.memory_space<vmem>>
      %dma_wait3A_706 = arith.constant 0 : i32
      %dma_wait3A_707 = arith.constant 0 : i32
      %dma_wait3A_708 = arith.constant 0 : i32
      %dma_wait3A_709 = tpu.memref_slice %arg5[%dma_wait3A_706, %dma_wait3A_707, %dma_wait3A_708] : memref<4096x200x128xf32, #tpu.memory_space<hbm>> -> memref<2x200x128xf32, #tpu.memory_space<hbm>>
      tpu.wait_dma2 semaphore(%dma_wait3A_700 : memref<!tpu.dma_semaphore, #tpu.memory_space<semaphore_mem>>) src(%dma_wait3A_709 : memref<2x200x128xf32, #tpu.memory_space<hbm>>) dst(%dma_wait3A_705 : memref<2x200x64xf32, #tpu.memory_space<vmem>>)
      %scan3A_710 = arith.constant 0 : i32
      %scan3A_711 = arith.constant 0 : i32
      %scan3A_712 = arith.constant 200 : i32
      %scan3A_713 = arith.addi %scan3A_711, %scan3A_712 : i32
      %scan3A_714 = arith.constant 1 : i32
      scf.for %scan3A_741 = %scan3A_711 to %scan3A_713 step %scan3A_714  : i32 {
        %get3A = arith.index_cast %scan3A_741 : i32 to index
        %get3A_742 = arith.constant 0 : index
        %get3A_743 = tpu.vector_load %arg8[%get3A, %get3A_742] {strides = array<i32>} : memref<200x64xf32, #tpu.memory_space<vmem>>, vector<1x16xf32>,
        %get3A_744 = vector.shape_cast %get3A_743 : vector<1x16xf32> to vector<16xf32>
        %swap3A = arith.constant 2 : i32
        %swap3A_745 = arith.constant 0 : i32
        %swap3A_746 = arith.index_cast %swap3A : i32 to index
        %swap3A_747 = arith.index_cast %swap3A_745 : i32 to index
        %swap3A_748 = arith.index_cast %scan3A_741 : i32 to index
        %swap3A_749 = arith.constant 0 : index
        %swap3A_750 = tpu.vector_load %arg7[%swap3A_746, %swap3A_747, %swap3A_748, %swap3A_749] {strides = array<i32>} : memref<4x2x200x64xf32, #tpu.memory_space<vmem>>, vector<1x1x1x16xf32>,
        %swap3A_751 = vector.shape_cast %swap3A_750 : vector<1x1x1x16xf32> to vector<16xf32>
        %swap3A_752 = vector.shape_cast %get3A_744 : vector<16xf32> to vector<1x1x1x16xf32>
        tpu.vector_store %arg7[%swap3A_746, %swap3A_747, %swap3A_748, %swap3A_749], %swap3A_752 {add = true, strides = array<i32>} : memref<4x2x200x64xf32, #tpu.memory_space<vmem>>, vector<1x1x1x16xf32>,
        %swap3A_753 = arith.constant 2 : i32
        %swap3A_754 = arith.constant 1 : i32
        %swap3A_755 = arith.index_cast %swap3A_753 : i32 to index
        %swap3A_756 = arith.index_cast %swap3A_754 : i32 to index
        %swap3A_757 = arith.index_cast %scan3A_741 : i32 to index
        %swap3A_758 = arith.constant 0 : index
        %swap3A_759 = tpu.vector_load %arg7[%swap3A_755, %swap3A_756, %swap3A_757, %swap3A_758] {strides = array<i32>} : memref<4x2x200x64xf32, #tpu.memory_space<vmem>>, vector<1x1x1x16xf32>,
        %swap3A_760 = vector.shape_cast %swap3A_759 : vector<1x1x1x16xf32> to vector<16xf32>
        %swap3A_761 = vector.shape_cast %get3A_744 : vector<16xf32> to vector<1x1x1x16xf32>
        tpu.vector_store %arg7[%swap3A_755, %swap3A_756, %swap3A_757, %swap3A_758], %swap3A_761 {add = true, strides = array<i32>} : memref<4x2x200x64xf32, #tpu.memory_space<vmem>>, vector<1x1x1x16xf32>,
        %get3A_762 = arith.index_cast %scan3A_741 : i32 to index
        %get3A_763 = arith.constant 16 : index
        %get3A_764 = tpu.vector_load %arg8[%get3A_762, %get3A_763] {strides = array<i32>} : memref<200x64xf32, #tpu.memory_space<vmem>>, vector<1x16xf32>,
        %get3A_765 = vector.shape_cast %get3A_764 : vector<1x16xf32> to vector<16xf32>
        %swap3A_766 = arith.constant 2 : i32
        %swap3A_767 = arith.constant 0 : i32
        %swap3A_768 = arith.index_cast %swap3A_766 : i32 to index
        %swap3A_769 = arith.index_cast %swap3A_767 : i32 to index
        %swap3A_770 = arith.index_cast %scan3A_741 : i32 to index
        %swap3A_771 = arith.constant 16 : index
        %swap3A_772 = tpu.vector_load %arg7[%swap3A_768, %swap3A_769, %swap3A_770, %swap3A_771] {strides = array<i32>} : memref<4x2x200x64xf32, #tpu.memory_space<vmem>>, vector<1x1x1x16xf32>,
        %swap3A_773 = vector.shape_cast %swap3A_772 : vector<1x1x1x16xf32> to vector<16xf32>
        %swap3A_774 = vector.shape_cast %get3A_765 : vector<16xf32> to vector<1x1x1x16xf32>
        tpu.vector_store %arg7[%swap3A_768, %swap3A_769, %swap3A_770, %swap3A_771], %swap3A_774 {add = true, strides = array<i32>} : memref<4x2x200x64xf32, #tpu.memory_space<vmem>>, vector<1x1x1x16xf32>,
        %swap3A_775 = arith.constant 2 : i32
        %swap3A_776 = arith.constant 1 : i32
        %swap3A_777 = arith.index_cast %swap3A_775 : i32 to index
        %swap3A_778 = arith.index_cast %swap3A_776 : i32 to index
        %swap3A_779 = arith.index_cast %scan3A_741 : i32 to index
        %swap3A_780 = arith.constant 16 : index
        %swap3A_781 = tpu.vector_load %arg7[%swap3A_777, %swap3A_778, %swap3A_779, %swap3A_780] {strides = array<i32>} : memref<4x2x200x64xf32, #tpu.memory_space<vmem>>, vector<1x1x1x16xf32>,
        %swap3A_782 = vector.shape_cast %swap3A_781 : vector<1x1x1x16xf32> to vector<16xf32>
        %swap3A_783 = vector.shape_cast %get3A_765 : vector<16xf32> to vector<1x1x1x16xf32>
        tpu.vector_store %arg7[%swap3A_777, %swap3A_778, %swap3A_779, %swap3A_780], %swap3A_783 {add = true, strides = array<i32>} : memref<4x2x200x64xf32, #tpu.memory_space<vmem>>, vector<1x1x1x16xf32>,
        %get3A_784 = arith.index_cast %scan3A_741 : i32 to index
        %get3A_785 = arith.constant 32 : index
        %get3A_786 = tpu.vector_load %arg8[%get3A_784, %get3A_785] {strides = array<i32>} : memref<200x64xf32, #tpu.memory_space<vmem>>, vector<1x16xf32>,
        %get3A_787 = vector.shape_cast %get3A_786 : vector<1x16xf32> to vector<16xf32>
        %swap3A_788 = arith.constant 2 : i32
        %swap3A_789 = arith.constant 0 : i32
        %swap3A_790 = arith.index_cast %swap3A_788 : i32 to index
        %swap3A_791 = arith.index_cast %swap3A_789 : i32 to index
        %swap3A_792 = arith.index_cast %scan3A_741 : i32 to index
        %swap3A_793 = arith.constant 32 : index
        %swap3A_794 = tpu.vector_load %arg7[%swap3A_790, %swap3A_791, %swap3A_792, %swap3A_793] {strides = array<i32>} : memref<4x2x200x64xf32, #tpu.memory_space<vmem>>, vector<1x1x1x16xf32>,
        %swap3A_795 = vector.shape_cast %swap3A_794 : vector<1x1x1x16xf32> to vector<16xf32>
        %swap3A_796 = vector.shape_cast %get3A_787 : vector<16xf32> to vector<1x1x1x16xf32>
        tpu.vector_store %arg7[%swap3A_790, %swap3A_791, %swap3A_792, %swap3A_793], %swap3A_796 {add = true, strides = array<i32>} : memref<4x2x200x64xf32, #tpu.memory_space<vmem>>, vector<1x1x1x16xf32>,
        %swap3A_797 = arith.constant 2 : i32
        %swap3A_798 = arith.constant 1 : i32
        %swap3A_799 = arith.index_cast %swap3A_797 : i32 to index
        %swap3A_800 = arith.index_cast %swap3A_798 : i32 to index
        %swap3A_801 = arith.index_cast %scan3A_741 : i32 to index
        %swap3A_802 = arith.constant 32 : index
        %swap3A_803 = tpu.vector_load %arg7[%swap3A_799, %swap3A_800, %swap3A_801, %swap3A_802] {strides = array<i32>} : memref<4x2x200x64xf32, #tpu.memory_space<vmem>>, vector<1x1x1x16xf32>,
        %swap3A_804 = vector.shape_cast %swap3A_803 : vector<1x1x1x16xf32> to vector<16xf32>
        %swap3A_805 = vector.shape_cast %get3A_787 : vector<16xf32> to vector<1x1x1x16xf32>
        tpu.vector_store %arg7[%swap3A_799, %swap3A_800, %swap3A_801, %swap3A_802], %swap3A_805 {add = true, strides = array<i32>} : memref<4x2x200x64xf32, #tpu.memory_space<vmem>>, vector<1x1x1x16xf32>,
        %get3A_806 = arith.index_cast %scan3A_741 : i32 to index
        %get3A_807 = arith.constant 48 : index
        %get3A_808 = tpu.vector_load %arg8[%get3A_806, %get3A_807] {strides = array<i32>} : memref<200x64xf32, #tpu.memory_space<vmem>>, vector<1x16xf32>,
        %get3A_809 = vector.shape_cast %get3A_808 : vector<1x16xf32> to vector<16xf32>
        %swap3A_810 = arith.constant 2 : i32
        %swap3A_811 = arith.constant 0 : i32
        %swap3A_812 = arith.index_cast %swap3A_810 : i32 to index
        %swap3A_813 = arith.index_cast %swap3A_811 : i32 to index
        %swap3A_814 = arith.index_cast %scan3A_741 : i32 to index
        %swap3A_815 = arith.constant 48 : index
        %swap3A_816 = tpu.vector_load %arg7[%swap3A_812, %swap3A_813, %swap3A_814, %swap3A_815] {strides = array<i32>} : memref<4x2x200x64xf32, #tpu.memory_space<vmem>>, vector<1x1x1x16xf32>,
        %swap3A_817 = vector.shape_cast %swap3A_816 : vector<1x1x1x16xf32> to vector<16xf32>
        %swap3A_818 = vector.shape_cast %get3A_809 : vector<16xf32> to vector<1x1x1x16xf32>
        tpu.vector_store %arg7[%swap3A_812, %swap3A_813, %swap3A_814, %swap3A_815], %swap3A_818 {add = true, strides = array<i32>} : memref<4x2x200x64xf32, #tpu.memory_space<vmem>>, vector<1x1x1x16xf32>,
        %swap3A_819 = arith.constant 2 : i32
        %swap3A_820 = arith.constant 1 : i32
        %swap3A_821 = arith.index_cast %swap3A_819 : i32 to index
        %swap3A_822 = arith.index_cast %swap3A_820 : i32 to index
        %swap3A_823 = arith.index_cast %scan3A_741 : i32 to index
        %swap3A_824 = arith.constant 48 : index
        %swap3A_825 = tpu.vector_load %arg7[%swap3A_821, %swap3A_822, %swap3A_823, %swap3A_824] {strides = array<i32>} : memref<4x2x200x64xf32, #tpu.memory_space<vmem>>, vector<1x1x1x16xf32>,
        %swap3A_826 = vector.shape_cast %swap3A_825 : vector<1x1x1x16xf32> to vector<16xf32>
        %swap3A_827 = vector.shape_cast %get3A_809 : vector<16xf32> to vector<1x1x1x16xf32>
        tpu.vector_store %arg7[%swap3A_821, %swap3A_822, %swap3A_823, %swap3A_824], %swap3A_827 {add = true, strides = array<i32>} : memref<4x2x200x64xf32, #tpu.memory_space<vmem>>, vector<1x1x1x16xf32>,
      }
      %scan3A_715 = arith.constant 200 : i32
      %sub3A_716 = arith.constant 1 : i32
      %sub3A_717 = arith.subi %add3A_592, %sub3A_716 : i32
      %mul3A_718 = arith.constant 2 : i32
      %mul3A_719 = arith.muli %sub3A_717, %mul3A_718 : i32
      %add3A_720 = arith.addi %mul3A_2, %mul3A_719 : i32
      %dma_start3A_721 = arith.constant 2 : i32
      %dma_start3A_722 = arith.constant 2 : i32
      %dma_start3A_723 = arith.constant 0 : i32
      %dma_start3A_724 = arith.constant 0 : i32
      %dma_start3A_725 = arith.constant 0 : i32
      %dma_start3A_726 = tpu.memref_slice %arg7[%dma_start3A_721, %dma_start3A_723, %dma_start3A_724, %dma_start3A_725] : memref<4x2x200x64xf32, #tpu.memory_space<vmem>> -> memref<1x2x200x64xf32, #tpu.memory_space<vmem>>
      %dma_start3A_727 = tpu.memref_squeeze %dma_start3A_726 : memref<1x2x200x64xf32, #tpu.memory_space<vmem>> -> memref<2x200x64xf32, #tpu.memory_space<vmem>>
      %dma_start3A_728 = arith.constant 0 : i32
      %dma_start3A_729 = arith.constant 0 : i32
      %dma_start3A_730 = tpu.memref_slice %arg5[%add3A_720, %dma_start3A_728, %dma_start3A_729] : memref<4096x200x128xf32, #tpu.memory_space<hbm>> -> memref<2x200x64xf32, #tpu.memory_space<hbm>>
      %dma_start3A_731 = tpu.memref_slice %arg11[%dma_start3A_722] : memref<4x!tpu.dma_semaphore, #tpu.memory_space<semaphore_mem>> -> memref<1x!tpu.dma_semaphore, #tpu.memory_space<semaphore_mem>>
      %dma_start3A_732 = tpu.memref_squeeze %dma_start3A_731 : memref<1x!tpu.dma_semaphore, #tpu.memory_space<semaphore_mem>> -> memref<!tpu.dma_semaphore, #tpu.memory_space<semaphore_mem>>
      %dma_start3A_733 = arith.constant 0 : i32
      %dma_start3A_734 = arith.constant 0 : i32
      %dma_start3A_735 = tpu.memref_slice %arg5[%add3A_720, %dma_start3A_733, %dma_start3A_734] : memref<4096x200x128xf32, #tpu.memory_space<hbm>> -> memref<2x200x64xf32, #tpu.memory_space<hbm>>
      %dma_start3A_736 = arith.constant 0 : i32
      %dma_start3A_737 = arith.constant 0 : i32
      %dma_start3A_738 = arith.constant 0 : i32
      %dma_start3A_739 = tpu.memref_slice %arg7[%dma_start3A_721, %dma_start3A_736, %dma_start3A_737, %dma_start3A_738] : memref<4x2x200x64xf32, #tpu.memory_space<vmem>> -> memref<1x2x200x64xf32, #tpu.memory_space<vmem>>
      %dma_start3A_740 = tpu.memref_squeeze %dma_start3A_739 : memref<1x2x200x64xf32, #tpu.memory_space<vmem>> -> memref<2x200x64xf32, #tpu.memory_space<vmem>>
      tpu.enqueue_dma source(%dma_start3A_740 : memref<2x200x64xf32, #tpu.memory_space<vmem>>) target(%dma_start3A_735 : memref<2x200x64xf32, #tpu.memory_space<hbm>>) target_semaphore(%dma_start3A_732 : memref<!tpu.dma_semaphore, #tpu.memory_space<semaphore_mem>>)
    }
    %scan3A_92 = arith.constant 16 : i32
    %dma_wait3A = arith.constant 3 : i32
    %dma_wait3A_93 = arith.constant 3 : i32
    %dma_wait3A_94 = arith.constant 0 : i32
    %dma_wait3A_95 = arith.constant 0 : i32
    %dma_wait3A_96 = arith.constant 0 : i32
    %dma_wait3A_97 = tpu.memref_slice %arg7[%dma_wait3A, %dma_wait3A_94, %dma_wait3A_95, %dma_wait3A_96] : memref<4x2x200x64xf32, #tpu.memory_space<vmem>> -> memref<1x2x200x64xf32, #tpu.memory_space<vmem>>
    %dma_wait3A_98 = tpu.memref_squeeze %dma_wait3A_97 : memref<1x2x200x64xf32, #tpu.memory_space<vmem>> -> memref<2x200x64xf32, #tpu.memory_space<vmem>>
    %dma_wait3A_99 = arith.constant 0 : i32
    %dma_wait3A_100 = arith.constant 0 : i32
    %dma_wait3A_101 = arith.constant 0 : i32
    %dma_wait3A_102 = tpu.memref_slice %arg5[%dma_wait3A_99, %dma_wait3A_100, %dma_wait3A_101] : memref<4096x200x128xf32, #tpu.memory_space<hbm>> -> memref<2x200x128xf32, #tpu.memory_space<hbm>>
    %dma_wait3A_103 = tpu.memref_slice %arg10[%dma_wait3A_93] : memref<4x!tpu.dma_semaphore, #tpu.memory_space<semaphore_mem>> -> memref<1x!tpu.dma_semaphore, #tpu.memory_space<semaphore_mem>>
    %dma_wait3A_104 = tpu.memref_squeeze %dma_wait3A_103 : memref<1x!tpu.dma_semaphore, #tpu.memory_space<semaphore_mem>> -> memref<!tpu.dma_semaphore, #tpu.memory_space<semaphore_mem>>
    %dma_wait3A_105 = arith.constant 0 : i32
    %dma_wait3A_106 = arith.constant 0 : i32
    %dma_wait3A_107 = arith.constant 0 : i32
    %dma_wait3A_108 = tpu.memref_slice %arg7[%dma_wait3A, %dma_wait3A_105, %dma_wait3A_106, %dma_wait3A_107] : memref<4x2x200x64xf32, #tpu.memory_space<vmem>> -> memref<1x2x200x64xf32, #tpu.memory_space<vmem>>
    %dma_wait3A_109 = tpu.memref_squeeze %dma_wait3A_108 : memref<1x2x200x64xf32, #tpu.memory_space<vmem>> -> memref<2x200x64xf32, #tpu.memory_space<vmem>>
    %dma_wait3A_110 = arith.constant 0 : i32
    %dma_wait3A_111 = arith.constant 0 : i32
    %dma_wait3A_112 = arith.constant 0 : i32
    %dma_wait3A_113 = tpu.memref_slice %arg5[%dma_wait3A_110, %dma_wait3A_111, %dma_wait3A_112] : memref<4096x200x128xf32, #tpu.memory_space<hbm>> -> memref<2x200x128xf32, #tpu.memory_space<hbm>>
    tpu.wait_dma2 semaphore(%dma_wait3A_104 : memref<!tpu.dma_semaphore, #tpu.memory_space<semaphore_mem>>) src(%dma_wait3A_113 : memref<2x200x128xf32, #tpu.memory_space<hbm>>) dst(%dma_wait3A_109 : memref<2x200x64xf32, #tpu.memory_space<vmem>>)
    %scan3A_114 = arith.constant 0 : i32
    %scan3A_115 = arith.constant 0 : i32
    %scan3A_116 = arith.constant 200 : i32
    %scan3A_117 = arith.addi %scan3A_115, %scan3A_116 : i32
    %scan3A_118 = arith.constant 1 : i32
    scf.for %scan3A_230 = %scan3A_115 to %scan3A_117 step %scan3A_118  : i32 {
      %get3A = arith.index_cast %scan3A_230 : i32 to index
      %get3A_231 = arith.constant 0 : index
      %get3A_232 = tpu.vector_load %arg8[%get3A, %get3A_231] {strides = array<i32>} : memref<200x64xf32, #tpu.memory_space<vmem>>, vector<1x16xf32>,
      %get3A_233 = vector.shape_cast %get3A_232 : vector<1x16xf32> to vector<16xf32>
      %swap3A = arith.constant 3 : i32
      %swap3A_234 = arith.constant 0 : i32
      %swap3A_235 = arith.index_cast %swap3A : i32 to index
      %swap3A_236 = arith.index_cast %swap3A_234 : i32 to index
      %swap3A_237 = arith.index_cast %scan3A_230 : i32 to index
      %swap3A_238 = arith.constant 0 : index
      %swap3A_239 = tpu.vector_load %arg7[%swap3A_235, %swap3A_236, %swap3A_237, %swap3A_238] {strides = array<i32>} : memref<4x2x200x64xf32, #tpu.memory_space<vmem>>, vector<1x1x1x16xf32>,
      %swap3A_240 = vector.shape_cast %swap3A_239 : vector<1x1x1x16xf32> to vector<16xf32>
      %swap3A_241 = vector.shape_cast %get3A_233 : vector<16xf32> to vector<1x1x1x16xf32>
      tpu.vector_store %arg7[%swap3A_235, %swap3A_236, %swap3A_237, %swap3A_238], %swap3A_241 {add = true, strides = array<i32>} : memref<4x2x200x64xf32, #tpu.memory_space<vmem>>, vector<1x1x1x16xf32>,
      %swap3A_242 = arith.constant 3 : i32
      %swap3A_243 = arith.constant 1 : i32
      %swap3A_244 = arith.index_cast %swap3A_242 : i32 to index
      %swap3A_245 = arith.index_cast %swap3A_243 : i32 to index
      %swap3A_246 = arith.index_cast %scan3A_230 : i32 to index
      %swap3A_247 = arith.constant 0 : index
      %swap3A_248 = tpu.vector_load %arg7[%swap3A_244, %swap3A_245, %swap3A_246, %swap3A_247] {strides = array<i32>} : memref<4x2x200x64xf32, #tpu.memory_space<vmem>>, vector<1x1x1x16xf32>,
      %swap3A_249 = vector.shape_cast %swap3A_248 : vector<1x1x1x16xf32> to vector<16xf32>
      %swap3A_250 = vector.shape_cast %get3A_233 : vector<16xf32> to vector<1x1x1x16xf32>
      tpu.vector_store %arg7[%swap3A_244, %swap3A_245, %swap3A_246, %swap3A_247], %swap3A_250 {add = true, strides = array<i32>} : memref<4x2x200x64xf32, #tpu.memory_space<vmem>>, vector<1x1x1x16xf32>,
      %get3A_251 = arith.index_cast %scan3A_230 : i32 to index
      %get3A_252 = arith.constant 16 : index
      %get3A_253 = tpu.vector_load %arg8[%get3A_251, %get3A_252] {strides = array<i32>} : memref<200x64xf32, #tpu.memory_space<vmem>>, vector<1x16xf32>,
      %get3A_254 = vector.shape_cast %get3A_253 : vector<1x16xf32> to vector<16xf32>
      %swap3A_255 = arith.constant 3 : i32
      %swap3A_256 = arith.constant 0 : i32
      %swap3A_257 = arith.index_cast %swap3A_255 : i32 to index
      %swap3A_258 = arith.index_cast %swap3A_256 : i32 to index
      %swap3A_259 = arith.index_cast %scan3A_230 : i32 to index
      %swap3A_260 = arith.constant 16 : index
      %swap3A_261 = tpu.vector_load %arg7[%swap3A_257, %swap3A_258, %swap3A_259, %swap3A_260] {strides = array<i32>} : memref<4x2x200x64xf32, #tpu.memory_space<vmem>>, vector<1x1x1x16xf32>,
      %swap3A_262 = vector.shape_cast %swap3A_261 : vector<1x1x1x16xf32> to vector<16xf32>
      %swap3A_263 = vector.shape_cast %get3A_254 : vector<16xf32> to vector<1x1x1x16xf32>
      tpu.vector_store %arg7[%swap3A_257, %swap3A_258, %swap3A_259, %swap3A_260], %swap3A_263 {add = true, strides = array<i32>} : memref<4x2x200x64xf32, #tpu.memory_space<vmem>>, vector<1x1x1x16xf32>,
      %swap3A_264 = arith.constant 3 : i32
      %swap3A_265 = arith.constant 1 : i32
      %swap3A_266 = arith.index_cast %swap3A_264 : i32 to index
      %swap3A_267 = arith.index_cast %swap3A_265 : i32 to index
      %swap3A_268 = arith.index_cast %scan3A_230 : i32 to index
      %swap3A_269 = arith.constant 16 : index
      %swap3A_270 = tpu.vector_load %arg7[%swap3A_266, %swap3A_267, %swap3A_268, %swap3A_269] {strides = array<i32>} : memref<4x2x200x64xf32, #tpu.memory_space<vmem>>, vector<1x1x1x16xf32>,
      %swap3A_271 = vector.shape_cast %swap3A_270 : vector<1x1x1x16xf32> to vector<16xf32>
      %swap3A_272 = vector.shape_cast %get3A_254 : vector<16xf32> to vector<1x1x1x16xf32>
      tpu.vector_store %arg7[%swap3A_266, %swap3A_267, %swap3A_268, %swap3A_269], %swap3A_272 {add = true, strides = array<i32>} : memref<4x2x200x64xf32, #tpu.memory_space<vmem>>, vector<1x1x1x16xf32>,
      %get3A_273 = arith.index_cast %scan3A_230 : i32 to index
      %get3A_274 = arith.constant 32 : index
      %get3A_275 = tpu.vector_load %arg8[%get3A_273, %get3A_274] {strides = array<i32>} : memref<200x64xf32, #tpu.memory_space<vmem>>, vector<1x16xf32>,
      %get3A_276 = vector.shape_cast %get3A_275 : vector<1x16xf32> to vector<16xf32>
      %swap3A_277 = arith.constant 3 : i32
      %swap3A_278 = arith.constant 0 : i32
      %swap3A_279 = arith.index_cast %swap3A_277 : i32 to index
      %swap3A_280 = arith.index_cast %swap3A_278 : i32 to index
      %swap3A_281 = arith.index_cast %scan3A_230 : i32 to index
      %swap3A_282 = arith.constant 32 : index
      %swap3A_283 = tpu.vector_load %arg7[%swap3A_279, %swap3A_280, %swap3A_281, %swap3A_282] {strides = array<i32>} : memref<4x2x200x64xf32, #tpu.memory_space<vmem>>, vector<1x1x1x16xf32>,
      %swap3A_284 = vector.shape_cast %swap3A_283 : vector<1x1x1x16xf32> to vector<16xf32>
      %swap3A_285 = vector.shape_cast %get3A_276 : vector<16xf32> to vector<1x1x1x16xf32>
      tpu.vector_store %arg7[%swap3A_279, %swap3A_280, %swap3A_281, %swap3A_282], %swap3A_285 {add = true, strides = array<i32>} : memref<4x2x200x64xf32, #tpu.memory_space<vmem>>, vector<1x1x1x16xf32>,
      %swap3A_286 = arith.constant 3 : i32
      %swap3A_287 = arith.constant 1 : i32
      %swap3A_288 = arith.index_cast %swap3A_286 : i32 to index
      %swap3A_289 = arith.index_cast %swap3A_287 : i32 to index
      %swap3A_290 = arith.index_cast %scan3A_230 : i32 to index
      %swap3A_291 = arith.constant 32 : index
      %swap3A_292 = tpu.vector_load %arg7[%swap3A_288, %swap3A_289, %swap3A_290, %swap3A_291] {strides = array<i32>} : memref<4x2x200x64xf32, #tpu.memory_space<vmem>>, vector<1x1x1x16xf32>,
      %swap3A_293 = vector.shape_cast %swap3A_292 : vector<1x1x1x16xf32> to vector<16xf32>
      %swap3A_294 = vector.shape_cast %get3A_276 : vector<16xf32> to vector<1x1x1x16xf32>
      tpu.vector_store %arg7[%swap3A_288, %swap3A_289, %swap3A_290, %swap3A_291], %swap3A_294 {add = true, strides = array<i32>} : memref<4x2x200x64xf32, #tpu.memory_space<vmem>>, vector<1x1x1x16xf32>,
      %get3A_295 = arith.index_cast %scan3A_230 : i32 to index
      %get3A_296 = arith.constant 48 : index
      %get3A_297 = tpu.vector_load %arg8[%get3A_295, %get3A_296] {strides = array<i32>} : memref<200x64xf32, #tpu.memory_space<vmem>>, vector<1x16xf32>,
      %get3A_298 = vector.shape_cast %get3A_297 : vector<1x16xf32> to vector<16xf32>
      %swap3A_299 = arith.constant 3 : i32
      %swap3A_300 = arith.constant 0 : i32
      %swap3A_301 = arith.index_cast %swap3A_299 : i32 to index
      %swap3A_302 = arith.index_cast %swap3A_300 : i32 to index
      %swap3A_303 = arith.index_cast %scan3A_230 : i32 to index
      %swap3A_304 = arith.constant 48 : index
      %swap3A_305 = tpu.vector_load %arg7[%swap3A_301, %swap3A_302, %swap3A_303, %swap3A_304] {strides = array<i32>} : memref<4x2x200x64xf32, #tpu.memory_space<vmem>>, vector<1x1x1x16xf32>,
      %swap3A_306 = vector.shape_cast %swap3A_305 : vector<1x1x1x16xf32> to vector<16xf32>
      %swap3A_307 = vector.shape_cast %get3A_298 : vector<16xf32> to vector<1x1x1x16xf32>
      tpu.vector_store %arg7[%swap3A_301, %swap3A_302, %swap3A_303, %swap3A_304], %swap3A_307 {add = true, strides = array<i32>} : memref<4x2x200x64xf32, #tpu.memory_space<vmem>>, vector<1x1x1x16xf32>,
      %swap3A_308 = arith.constant 3 : i32
      %swap3A_309 = arith.constant 1 : i32
      %swap3A_310 = arith.index_cast %swap3A_308 : i32 to index
      %swap3A_311 = arith.index_cast %swap3A_309 : i32 to index
      %swap3A_312 = arith.index_cast %scan3A_230 : i32 to index
      %swap3A_313 = arith.constant 48 : index
      %swap3A_314 = tpu.vector_load %arg7[%swap3A_310, %swap3A_311, %swap3A_312, %swap3A_313] {strides = array<i32>} : memref<4x2x200x64xf32, #tpu.memory_space<vmem>>, vector<1x1x1x16xf32>,
      %swap3A_315 = vector.shape_cast %swap3A_314 : vector<1x1x1x16xf32> to vector<16xf32>
      %swap3A_316 = vector.shape_cast %get3A_298 : vector<16xf32> to vector<1x1x1x16xf32>
      tpu.vector_store %arg7[%swap3A_310, %swap3A_311, %swap3A_312, %swap3A_313], %swap3A_316 {add = true, strides = array<i32>} : memref<4x2x200x64xf32, #tpu.memory_space<vmem>>, vector<1x1x1x16xf32>,
    }
    %scan3A_119 = arith.constant 200 : i32
    %add3A_120 = arith.constant 126 : i32
    %add3A_121 = arith.addi %mul3A_2, %add3A_120 : i32
    %dma_start3A_122 = arith.constant 3 : i32
    %dma_start3A_123 = arith.constant 3 : i32
    %dma_start3A_124 = arith.constant 0 : i32
    %dma_start3A_125 = arith.constant 0 : i32
    %dma_start3A_126 = arith.constant 0 : i32
    %dma_start3A_127 = tpu.memref_slice %arg7[%dma_start3A_122, %dma_start3A_124, %dma_start3A_125, %dma_start3A_126] : memref<4x2x200x64xf32, #tpu.memory_space<vmem>> -> memref<1x2x200x64xf32, #tpu.memory_space<vmem>>
    %dma_start3A_128 = tpu.memref_squeeze %dma_start3A_127 : memref<1x2x200x64xf32, #tpu.memory_space<vmem>> -> memref<2x200x64xf32, #tpu.memory_space<vmem>>
    %dma_start3A_129 = arith.constant 0 : i32
    %dma_start3A_130 = arith.constant 0 : i32
    %dma_start3A_131 = tpu.memref_slice %arg5[%add3A_121, %dma_start3A_129, %dma_start3A_130] : memref<4096x200x128xf32, #tpu.memory_space<hbm>> -> memref<2x200x64xf32, #tpu.memory_space<hbm>>
    %dma_start3A_132 = tpu.memref_slice %arg11[%dma_start3A_123] : memref<4x!tpu.dma_semaphore, #tpu.memory_space<semaphore_mem>> -> memref<1x!tpu.dma_semaphore, #tpu.memory_space<semaphore_mem>>
    %dma_start3A_133 = tpu.memref_squeeze %dma_start3A_132 : memref<1x!tpu.dma_semaphore, #tpu.memory_space<semaphore_mem>> -> memref<!tpu.dma_semaphore, #tpu.memory_space<semaphore_mem>>
    %dma_start3A_134 = arith.constant 0 : i32
    %dma_start3A_135 = arith.constant 0 : i32
    %dma_start3A_136 = tpu.memref_slice %arg5[%add3A_121, %dma_start3A_134, %dma_start3A_135] : memref<4096x200x128xf32, #tpu.memory_space<hbm>> -> memref<2x200x64xf32, #tpu.memory_space<hbm>>
    %dma_start3A_137 = arith.constant 0 : i32
    %dma_start3A_138 = arith.constant 0 : i32
    %dma_start3A_139 = arith.constant 0 : i32
    %dma_start3A_140 = tpu.memref_slice %arg7[%dma_start3A_122, %dma_start3A_137, %dma_start3A_138, %dma_start3A_139] : memref<4x2x200x64xf32, #tpu.memory_space<vmem>> -> memref<1x2x200x64xf32, #tpu.memory_space<vmem>>
    %dma_start3A_141 = tpu.memref_squeeze %dma_start3A_140 : memref<1x2x200x64xf32, #tpu.memory_space<vmem>> -> memref<2x200x64xf32, #tpu.memory_space<vmem>>
    tpu.enqueue_dma source(%dma_start3A_141 : memref<2x200x64xf32, #tpu.memory_space<vmem>>) target(%dma_start3A_136 : memref<2x200x64xf32, #tpu.memory_space<hbm>>) target_semaphore(%dma_start3A_133 : memref<!tpu.dma_semaphore, #tpu.memory_space<semaphore_mem>>)
    %dma_wait3A_142 = arith.constant 0 : i32
    %dma_wait3A_143 = arith.constant 0 : i32
    %dma_wait3A_144 = arith.constant 0 : i32
    %dma_wait3A_145 = arith.constant 0 : i32
    %dma_wait3A_146 = arith.constant 0 : i32
    %dma_wait3A_147 = tpu.memref_slice %arg7[%dma_wait3A_142, %dma_wait3A_144, %dma_wait3A_145, %dma_wait3A_146] : memref<4x2x200x64xf32, #tpu.memory_space<vmem>> -> memref<1x2x200x64xf32, #tpu.memory_space<vmem>>
    %dma_wait3A_148 = tpu.memref_squeeze %dma_wait3A_147 : memref<1x2x200x64xf32, #tpu.memory_space<vmem>> -> memref<2x200x64xf32, #tpu.memory_space<vmem>>
    %dma_wait3A_149 = arith.constant 0 : i32
    %dma_wait3A_150 = arith.constant 0 : i32
    %dma_wait3A_151 = arith.constant 0 : i32
    %dma_wait3A_152 = tpu.memref_slice %arg5[%dma_wait3A_149, %dma_wait3A_150, %dma_wait3A_151] : memref<4096x200x128xf32, #tpu.memory_space<hbm>> -> memref<2x200x64xf32, #tpu.memory_space<hbm>>
    %dma_wait3A_153 = tpu.memref_slice %arg11[%dma_wait3A_143] : memref<4x!tpu.dma_semaphore, #tpu.memory_space<semaphore_mem>> -> memref<1x!tpu.dma_semaphore, #tpu.memory_space<semaphore_mem>>
    %dma_wait3A_154 = tpu.memref_squeeze %dma_wait3A_153 : memref<1x!tpu.dma_semaphore, #tpu.memory_space<semaphore_mem>> -> memref<!tpu.dma_semaphore, #tpu.memory_space<semaphore_mem>>
    %dma_wait3A_155 = arith.constant 0 : i32
    %dma_wait3A_156 = arith.constant 0 : i32
    %dma_wait3A_157 = arith.constant 0 : i32
    %dma_wait3A_158 = tpu.memref_slice %arg5[%dma_wait3A_155, %dma_wait3A_156, %dma_wait3A_157] : memref<4096x200x128xf32, #tpu.memory_space<hbm>> -> memref<2x200x64xf32, #tpu.memory_space<hbm>>
    %dma_wait3A_159 = arith.constant 0 : i32
    %dma_wait3A_160 = arith.constant 0 : i32
    %dma_wait3A_161 = arith.constant 0 : i32
    %dma_wait3A_162 = tpu.memref_slice %arg7[%dma_wait3A_142, %dma_wait3A_159, %dma_wait3A_160, %dma_wait3A_161] : memref<4x2x200x64xf32, #tpu.memory_space<vmem>> -> memref<1x2x200x64xf32, #tpu.memory_space<vmem>>
    %dma_wait3A_163 = tpu.memref_squeeze %dma_wait3A_162 : memref<1x2x200x64xf32, #tpu.memory_space<vmem>> -> memref<2x200x64xf32, #tpu.memory_space<vmem>>
    tpu.wait_dma2 semaphore(%dma_wait3A_154 : memref<!tpu.dma_semaphore, #tpu.memory_space<semaphore_mem>>) src(%dma_wait3A_163 : memref<2x200x64xf32, #tpu.memory_space<vmem>>) dst(%dma_wait3A_158 : memref<2x200x64xf32, #tpu.memory_space<hbm>>)
    %dma_wait3A_164 = arith.constant 1 : i32
    %dma_wait3A_165 = arith.constant 1 : i32
    %dma_wait3A_166 = arith.constant 0 : i32
    %dma_wait3A_167 = arith.constant 0 : i32
    %dma_wait3A_168 = arith.constant 0 : i32
    %dma_wait3A_169 = tpu.memref_slice %arg7[%dma_wait3A_164, %dma_wait3A_166, %dma_wait3A_167, %dma_wait3A_168] : memref<4x2x200x64xf32, #tpu.memory_space<vmem>> -> memref<1x2x200x64xf32, #tpu.memory_space<vmem>>
    %dma_wait3A_170 = tpu.memref_squeeze %dma_wait3A_169 : memref<1x2x200x64xf32, #tpu.memory_space<vmem>> -> memref<2x200x64xf32, #tpu.memory_space<vmem>>
    %dma_wait3A_171 = arith.constant 0 : i32
    %dma_wait3A_172 = arith.constant 0 : i32
    %dma_wait3A_173 = arith.constant 0 : i32
    %dma_wait3A_174 = tpu.memref_slice %arg5[%dma_wait3A_171, %dma_wait3A_172, %dma_wait3A_173] : memref<4096x200x128xf32, #tpu.memory_space<hbm>> -> memref<2x200x64xf32, #tpu.memory_space<hbm>>
    %dma_wait3A_175 = tpu.memref_slice %arg11[%dma_wait3A_165] : memref<4x!tpu.dma_semaphore, #tpu.memory_space<semaphore_mem>> -> memref<1x!tpu.dma_semaphore, #tpu.memory_space<semaphore_mem>>
    %dma_wait3A_176 = tpu.memref_squeeze %dma_wait3A_175 : memref<1x!tpu.dma_semaphore, #tpu.memory_space<semaphore_mem>> -> memref<!tpu.dma_semaphore, #tpu.memory_space<semaphore_mem>>
    %dma_wait3A_177 = arith.constant 0 : i32
    %dma_wait3A_178 = arith.constant 0 : i32
    %dma_wait3A_179 = arith.constant 0 : i32
    %dma_wait3A_180 = tpu.memref_slice %arg5[%dma_wait3A_177, %dma_wait3A_178, %dma_wait3A_179] : memref<4096x200x128xf32, #tpu.memory_space<hbm>> -> memref<2x200x64xf32, #tpu.memory_space<hbm>>
    %dma_wait3A_181 = arith.constant 0 : i32
    %dma_wait3A_182 = arith.constant 0 : i32
    %dma_wait3A_183 = arith.constant 0 : i32
    %dma_wait3A_184 = tpu.memref_slice %arg7[%dma_wait3A_164, %dma_wait3A_181, %dma_wait3A_182, %dma_wait3A_183] : memref<4x2x200x64xf32, #tpu.memory_space<vmem>> -> memref<1x2x200x64xf32, #tpu.memory_space<vmem>>
    %dma_wait3A_185 = tpu.memref_squeeze %dma_wait3A_184 : memref<1x2x200x64xf32, #tpu.memory_space<vmem>> -> memref<2x200x64xf32, #tpu.memory_space<vmem>>
    tpu.wait_dma2 semaphore(%dma_wait3A_176 : memref<!tpu.dma_semaphore, #tpu.memory_space<semaphore_mem>>) src(%dma_wait3A_185 : memref<2x200x64xf32, #tpu.memory_space<vmem>>) dst(%dma_wait3A_180 : memref<2x200x64xf32, #tpu.memory_space<hbm>>)
    %dma_wait3A_186 = arith.constant 2 : i32
    %dma_wait3A_187 = arith.constant 2 : i32
    %dma_wait3A_188 = arith.constant 0 : i32
    %dma_wait3A_189 = arith.constant 0 : i32
    %dma_wait3A_190 = arith.constant 0 : i32
    %dma_wait3A_191 = tpu.memref_slice %arg7[%dma_wait3A_186, %dma_wait3A_188, %dma_wait3A_189, %dma_wait3A_190] : memref<4x2x200x64xf32, #tpu.memory_space<vmem>> -> memref<1x2x200x64xf32, #tpu.memory_space<vmem>>
    %dma_wait3A_192 = tpu.memref_squeeze %dma_wait3A_191 : memref<1x2x200x64xf32, #tpu.memory_space<vmem>> -> memref<2x200x64xf32, #tpu.memory_space<vmem>>
    %dma_wait3A_193 = arith.constant 0 : i32
    %dma_wait3A_194 = arith.constant 0 : i32
    %dma_wait3A_195 = arith.constant 0 : i32
    %dma_wait3A_196 = tpu.memref_slice %arg5[%dma_wait3A_193, %dma_wait3A_194, %dma_wait3A_195] : memref<4096x200x128xf32, #tpu.memory_space<hbm>> -> memref<2x200x64xf32, #tpu.memory_space<hbm>>
    %dma_wait3A_197 = tpu.memref_slice %arg11[%dma_wait3A_187] : memref<4x!tpu.dma_semaphore, #tpu.memory_space<semaphore_mem>> -> memref<1x!tpu.dma_semaphore, #tpu.memory_space<semaphore_mem>>
    %dma_wait3A_198 = tpu.memref_squeeze %dma_wait3A_197 : memref<1x!tpu.dma_semaphore, #tpu.memory_space<semaphore_mem>> -> memref<!tpu.dma_semaphore, #tpu.memory_space<semaphore_mem>>
    %dma_wait3A_199 = arith.constant 0 : i32
    %dma_wait3A_200 = arith.constant 0 : i32
    %dma_wait3A_201 = arith.constant 0 : i32
    %dma_wait3A_202 = tpu.memref_slice %arg5[%dma_wait3A_199, %dma_wait3A_200, %dma_wait3A_201] : memref<4096x200x128xf32, #tpu.memory_space<hbm>> -> memref<2x200x64xf32, #tpu.memory_space<hbm>>
    %dma_wait3A_203 = arith.constant 0 : i32
    %dma_wait3A_204 = arith.constant 0 : i32
    %dma_wait3A_205 = arith.constant 0 : i32
    %dma_wait3A_206 = tpu.memref_slice %arg7[%dma_wait3A_186, %dma_wait3A_203, %dma_wait3A_204, %dma_wait3A_205] : memref<4x2x200x64xf32, #tpu.memory_space<vmem>> -> memref<1x2x200x64xf32, #tpu.memory_space<vmem>>
    %dma_wait3A_207 = tpu.memref_squeeze %dma_wait3A_206 : memref<1x2x200x64xf32, #tpu.memory_space<vmem>> -> memref<2x200x64xf32, #tpu.memory_space<vmem>>
    tpu.wait_dma2 semaphore(%dma_wait3A_198 : memref<!tpu.dma_semaphore, #tpu.memory_space<semaphore_mem>>) src(%dma_wait3A_207 : memref<2x200x64xf32, #tpu.memory_space<vmem>>) dst(%dma_wait3A_202 : memref<2x200x64xf32, #tpu.memory_space<hbm>>)
    %dma_wait3A_208 = arith.constant 3 : i32
    %dma_wait3A_209 = arith.constant 3 : i32
    %dma_wait3A_210 = arith.constant 0 : i32
    %dma_wait3A_211 = arith.constant 0 : i32
    %dma_wait3A_212 = arith.constant 0 : i32
    %dma_wait3A_213 = tpu.memref_slice %arg7[%dma_wait3A_208, %dma_wait3A_210, %dma_wait3A_211, %dma_wait3A_212] : memref<4x2x200x64xf32, #tpu.memory_space<vmem>> -> memref<1x2x200x64xf32, #tpu.memory_space<vmem>>
    %dma_wait3A_214 = tpu.memref_squeeze %dma_wait3A_213 : memref<1x2x200x64xf32, #tpu.memory_space<vmem>> -> memref<2x200x64xf32, #tpu.memory_space<vmem>>
    %dma_wait3A_215 = arith.constant 0 : i32
    %dma_wait3A_216 = arith.constant 0 : i32
    %dma_wait3A_217 = arith.constant 0 : i32
    %dma_wait3A_218 = tpu.memref_slice %arg5[%dma_wait3A_215, %dma_wait3A_216, %dma_wait3A_217] : memref<4096x200x128xf32, #tpu.memory_space<hbm>> -> memref<2x200x64xf32, #tpu.memory_space<hbm>>
    %dma_wait3A_219 = tpu.memref_slice %arg11[%dma_wait3A_209] : memref<4x!tpu.dma_semaphore, #tpu.memory_space<semaphore_mem>> -> memref<1x!tpu.dma_semaphore, #tpu.memory_space<semaphore_mem>>
    %dma_wait3A_220 = tpu.memref_squeeze %dma_wait3A_219 : memref<1x!tpu.dma_semaphore, #tpu.memory_space<semaphore_mem>> -> memref<!tpu.dma_semaphore, #tpu.memory_space<semaphore_mem>>
    %dma_wait3A_221 = arith.constant 0 : i32
    %dma_wait3A_222 = arith.constant 0 : i32
    %dma_wait3A_223 = arith.constant 0 : i32
    %dma_wait3A_224 = tpu.memref_slice %arg5[%dma_wait3A_221, %dma_wait3A_222, %dma_wait3A_223] : memref<4096x200x128xf32, #tpu.memory_space<hbm>> -> memref<2x200x64xf32, #tpu.memory_space<hbm>>
    %dma_wait3A_225 = arith.constant 0 : i32
    %dma_wait3A_226 = arith.constant 0 : i32
    %dma_wait3A_227 = arith.constant 0 : i32
    %dma_wait3A_228 = tpu.memref_slice %arg7[%dma_wait3A_208, %dma_wait3A_225, %dma_wait3A_226, %dma_wait3A_227] : memref<4x2x200x64xf32, #tpu.memory_space<vmem>> -> memref<1x2x200x64xf32, #tpu.memory_space<vmem>>
    %dma_wait3A_229 = tpu.memref_squeeze %dma_wait3A_228 : memref<1x2x200x64xf32, #tpu.memory_space<vmem>> -> memref<2x200x64xf32, #tpu.memory_space<vmem>>
    tpu.wait_dma2 semaphore(%dma_wait3A_220 : memref<!tpu.dma_semaphore, #tpu.memory_space<semaphore_mem>>) src(%dma_wait3A_229 : memref<2x200x64xf32, #tpu.memory_space<vmem>>) dst(%dma_wait3A_224 : memref<2x200x64xf32, #tpu.memory_space<hbm>>)
    return
  }
}

</mosaic_0001>

<sc_bundles>
// kernel: kernel.3.cloned.1.call-start
scs
__scs_entry_jumppad:
0x0: {  	(pc) =	sbr.rel $0x88, $3  }
0x1: {  	(tag) =	ssettag $0x0;
	lr =	simm.s32 $0x1  }
0x2: {  	[smem:$0x3F9E] =	sst lr;
	_ =	strace $0xD0000000  }
0x3: {  	_ = 	snop  }
0x4: {  	_ = 	snop  }
0x5: {  	_ = 	snop  }
0x6: {  	_ = 	snop  }
0x7: {  	_ = 	snop  }
__scs_overlays_trampoline_lowered:
0x8: {  	[smem:$0x3FAD] =	sst s0  }
0x9: {  	[smem:$0x3FAE] =	sst s1  }
0xa: {  	[smem:$0x3FAF] =	sst s2  }
0xb: {  	[smem:$0x3FB0] =	sst s3  }
0xc: {  	[smem:$0x3FB1] =	sst s4  }
0xd: {  	[smem:$0x3FB2] =	sst s5  }
0xe: {  	[smem:$0x3FB3] =	sst s6  }
0xf: {  	[smem:$0x3FB4] =	sst s7  }
0x10: {  	[smem:$0x3FB5] =	sst s8  }
0x11: {  	[smem:$0x3FB6] =	sst s9;
	s0 =	simm.s32 @!p0 $0x0  }
0x12: {  	s1 =	sld [smem:$0x3F9C];
	s0 =	simm.s32 @p0 $0x1  }
0x13: {  	[smem:$0x3FB7] =	sst s0;
	s0 =	simm.s32 @!p1 $0x0  }
0x14: {  	s2 =	sld [smem:$0x3F9B];
	s0 =	simm.s32 @p1 $0x1  }
0x15: {  	[smem:$0x3FB8] =	sst s0;
	s0 =	simm.s32 @!p2 $0x0  }
0x16: {  	s3 =	sld [smem:$0x3FDB];
	s0 =	simm.s32 @p2 $0x1  }
0x17: {  	s4 =	simm.s32 $0x1BF5;
	[smem:$0x3FBA] =	sst s0  }
0x18: {  	s0 =	sld [smem:$0x3F9D];
	_ =	swait.ge [sflag:s4], $0x0  }
0x19: {  	s7 =	sld [smem:$0x3F9E]  }
0x1a: {  	s8 =	sadd.s32 $0xFFFFE003, lr  }
0x1b: {  	s9 =	sadd.s32 $0xFFFFFEF7, lr;
	s5 =	simm.s32 $0xFFFFFFFF;
	p2 =	slt.u32 s8, $0xFFFFF086  }
0x1c: {  	p1 =	slt.u32 s9, $0xF7A;
	s5 =	simm.s32 @!p2 $0x0  }
0x1d: {  	s5 =	simm.s32 @p1 $0x1;
	p0 =	seq.s32 s7, s2  }
0x1e: {  	s7 =	smul.u32 @!p0 $0xF7A, s2;
	p2 =	seq.s32 @!p0 s5, $0x0  }
0x1f: {  	s9 =	smul.u32 $0xF7A, s1;
	s8 =	simm.s32 @!p0 $0x1BF5;
	p2 =	por !p2, p0  }
0x20: {  	[sflag:s8] =	ssyncset.s32 @!p0 $0xFFFFF086;
	s6 =	sadd.s32 @!p0 s3, s7;
	s7 =	simm.s32 @!p0 $0x108  }
0x21: {  	s3 =	sadd.s32 s3, s9;
	s6 =	sadd.s32 @!p0 $0x88, s6;
	s7 =	simm.s32 @p2 $0x1082  }
0x22: {  	[simem:s7], [sflag:s8] =	dma.local @!p0 [hbm:s6], $0xF7A  }
0x23: {  	s9 =	sor.u32 $0xD0000000, s2;
	s6 =	simm.s32 $0x108;
	_ =	swait.ge @!p0 [sflag:s8], $0x0  }
0x24: {  	s3 =	sadd.s32 $0x88, s3;
	s6 =	simm.s32 @!p1 $0x1082;
	[sflag:s4] =	ssyncset.s32 $0xFFFFF086  }
0x25: {  	[simem:s6], [sflag:s4] =	dma.local [hbm:s3], $0xF7A  }
0x26: {  	[smem:$0x3F9E] =	sst s1;
	(tag) =	ssettag s2;
	_ =	strace s9  }
0x27: {  	s1 =	sld [smem:$0x3FAE]  }
0x28: {  	s2 =	sld [smem:$0x3FAF]  }
0x29: {  	s4 =	sld [smem:$0x3FB1]  }
0x2a: {  	p0 =	seq.s32 s5, $0x0;
	s5 =	sld [smem:$0x3FB2]  }
0x2b: {  	s6 =	sld [smem:$0x3FB3]  }
0x2c: {  	s7 =	sld [smem:$0x3FB4]  }
0x2d: {  	s3 =	simm.s32 $0x108;
	s8 =	sld [smem:$0x3FB5]  }
0x2e: {  	s3 =	simm.s32 @!p0 $0x1082;
	s9 =	sld [smem:$0x3FB6]  }
0x2f: {  	lr =	sadd.s32 s0, s3;
	s0 =	sld [smem:$0x3FAD]  }
0x30: {  	s3 =	sld [smem:$0x3FB0]  }
0x31: {  	[smem:$0x3FB9] =	sst s10  }
0x32: {  	s10 =	sld [smem:$0x3FB7];
	_ =	sdelay $0x3  }
0x33: {  	p0 =	seq.s32 s10, $0x1;
	s10 =	sld [smem:$0x3FB9];
	_ =	sdelay $0x3  }
0x34: {  	[smem:$0x3FB9] =	sst s10  }
0x35: {  	s10 =	sld [smem:$0x3FB8];
	_ =	sdelay $0x3  }
0x36: {  	p1 =	seq.s32 s10, $0x1;
	s10 =	sld [smem:$0x3FB9];
	_ =	sdelay $0x3  }
0x37: {  	[smem:$0x3FB9] =	sst s10  }
0x38: {  	s10 =	sld [smem:$0x3FBA]  }
0x39: {  	_ = 	snop;
	(pc) =	sbr.ind lr, $3  }
0x3a: {  	_ = 	snop  }
0x3b: {  	_ = 	snop  }
0x3c: {  	p2 =	seq.s32 s10, $0x1;
	s10 =	sld [smem:$0x3FB9]  }
0x3d: {  	_ =	shalt  }
0x3e: {  	_ =	shalt  }
0x3f: {  	_ =	shalt  }
0x40: {  	_ =	shalt  }
0x41: {  	_ =	shalt  }
0x42: {  	_ =	shalt  }
0x43: {  	_ =	shalt  }
0x44: {  	_ =	shalt  }
0x45: {  	_ =	shalt  }
0x46: {  	_ =	shalt  }
0x47: {  	_ =	shalt  }
0x48: {  	_ =	shalt  }
0x49: {  	_ =	shalt  }
0x4a: {  	_ =	shalt  }
0x4b: {  	_ =	shalt  }
0x4c: {  	_ =	shalt  }
0x4d: {  	_ =	shalt  }
0x4e: {  	_ =	shalt  }
0x4f: {  	_ =	shalt  }
0x50: {  	_ =	shalt  }
0x51: {  	_ =	shalt  }
0x52: {  	_ =	shalt  }
0x53: {  	_ =	shalt  }
0x54: {  	_ =	shalt  }
0x55: {  	_ =	shalt  }
0x56: {  	_ =	shalt  }
0x57: {  	_ =	shalt  }
0x58: {  	_ =	shalt  }
0x59: {  	_ =	shalt  }
0x5a: {  	_ =	shalt  }
0x5b: {  	_ =	shalt  }
0x5c: {  	_ =	shalt  }
0x5d: {  	_ =	shalt  }
0x5e: {  	_ =	shalt  }
0x5f: {  	_ =	shalt  }
0x60: {  	_ =	shalt  }
0x61: {  	_ =	shalt  }
0x62: {  	_ =	shalt  }
0x63: {  	_ =	shalt  }
0x64: {  	_ =	shalt  }
0x65: {  	_ =	shalt  }
0x66: {  	_ =	shalt  }
0x67: {  	_ =	shalt  }
0x68: {  	_ =	shalt  }
0x69: {  	_ =	shalt  }
0x6a: {  	_ =	shalt  }
0x6b: {  	_ =	shalt  }
0x6c: {  	_ =	shalt  }
0x6d: {  	_ =	shalt  }
0x6e: {  	_ =	shalt  }
0x6f: {  	_ =	shalt  }
0x70: {  	_ =	shalt  }
0x71: {  	_ =	shalt  }
0x72: {  	_ =	shalt  }
0x73: {  	_ =	shalt  }
0x74: {  	_ =	shalt  }
0x75: {  	_ =	shalt  }
0x76: {  	_ =	shalt  }
0x77: {  	_ =	shalt  }
0x78: {  	_ =	shalt  }
0x79: {  	_ =	shalt  }
0x7a: {  	_ =	shalt  }
0x7b: {  	_ =	shalt  }
0x7c: {  	_ =	shalt  }
0x7d: {  	_ =	shalt  }
0x7e: {  	_ =	shalt  }
0x7f: {  	_ =	shalt  }
0x80: {  	_ =	shalt  }
0x81: {  	_ =	shalt  }
0x82: {  	_ =	shalt  }
0x83: {  	_ =	shalt  }
0x84: {  	_ =	shalt  }
0x85: {  	_ =	shalt  }
0x86: {  	_ =	shalt  }
0x87: {  	_ =	shalt  }
.Lfunc_end0:
.L_simem_size_0:
called_computation.1_lowered:
.L_overlay_start_0:
0x88: {  	s2 =	sld [smem:$0x3FD9]  }
0x89: {  	s3 =	sld [smem:$0x3FFE];
	_ =	sdelay $0x1  }
0x8a: {  	s1 =	srdreg.scid  }
0x8b: {  	s0 =	sand.u32 $0x1, s1  }
0x8c: {  	s17 =	sshll.u32 s0, $0xA;
	s2 =	sadd.s32 s3, s2  }
0x8d: {  	s2 =	sadd.s32 s2, s17  }
0x8e: {  	[smem:$0x3FC5] =	sst s2  }
0x8f: {  	_ = 	snop  }
0x90: {  	s2 =	sld [smem:$0x3FD0];
	(tm) =	ssettm $0x1  }
0x91: {  	s18 =	sld [smem:$0x3FFB];
	_ =	sdelay $0x3  }
0x92: {  	_ =	strace s18  }
0x93: {  	s3 =	sld [smem:$0x3FFC];
	_ =	sdelay $0x3  }
0x94: {  	_ =	strace s3  }
0x95: {  	s3 =	sld [smem:$0x3FFD];
	_ =	sdelay $0x3  }
0x96: {  	_ =	strace s3  }
0x97: {  	_ =	strace $0x8FFFFFFF  }
0x98: {  	s19 =	sld [smem:$0x3FDB];
	_ =	sdelay $0x1  }
0x99: {  	s4 =	simm.s32 $_scs_section_size  }
0x9a: {  	s5 =	simm.s32 $_size__tile_overlayer_lowered;
	s6 =	simm.s32 $_tile_overlayer_lowered  }
0x9b: {  	s22 =	simm.s32 $0x1BFF;
	s21 =	sshll.u32 s6, $0x1;
	s3 =	sadd.s32 s4, s19  }
0x9c: {  	s7 =	simm.s32 $0x0;
	s20 =	sshll.u32 s5, $0x1;
	s5 =	sadd.s32 s21, s3  }
0x9d: {  	[timem:s7], [sflag:s22] =	dma.local [hbm:s5], s20  }
0x9e: {  	_ =	swait.ge [sflag:s22], s20  }
0x9f: {  	s4 =	ssub.s32 $0x0, s20;
	[sflag:s22] =	ssyncset.done $0x0  }
0xa0: {  	[sflag:s22] =	ssyncadd.s32 s4;
	_ =	sdelay $0x1  }
0xa1: {  	s23 =	simm.s32 $0x1B8B  }
0xa2: {  	_ =	swait.ge [sflag:s23], $0x1  }
0xa3: {  	[sflag:s23] =	ssyncset.done $0x0  }
0xa4: {  	s25 =	simm.s32 $0x1B8E;
	s24 =	sld [smem:$0x3FFE];
	[sflag:s23] =	ssyncadd.s32 $0xFFFFFFFF  }
0xa5: {  	s26 =	simm.s32 $execute0_lowered;
	[smem:$0x3FD2] =	sst s25  }
0xa6: {  	s5 =	sshll.u32 s26, $0x1;
	_ =	strace $0x80000046;
	[dreg:$0x1] =	wrdreg $0xFFFFFFFF  }
0xa7: {  	s28 =	simm.s32 $_size_execute0_lowered;
	s3 =	sadd.s32 s3, s5;
	[dreg:$0x0] =	wrdreg $0x0  }
0xa8: {  	s5 =	sshll.u32 s28, $0x1;
	[dreg:$0x2] =	wrdreg s3  }
0xa9: {  	[dreg:$0x3] =	wrdreg s5  }
0xaa: {  	[dreg:$0x4] =	wrdreg $0xC0  }
0xab: {  	_ =	task [dreg:s7], $0x5FFFF  }
0xac: {  	[dreg:$0x1] =	wrdreg $0xFFFFFFFF  }
0xad: {  	[dreg:$0x0] =	wrdreg $0x60  }
0xae: {  	[dreg:$0x2] =	wrdreg s2  }
0xaf: {  	[dreg:$0x3] =	wrdreg s24  }
0xb0: {  	[dreg:$0x4] =	wrdreg $0x9  }
0xb1: {  	_ =	task.clear_ibuf [dreg:s7], $0x5FFFF;
	_ =	strace $0x90000046  }
0xb2: {  	s29 =	simm.s32 $0x9;
	_ =	strace $0x80000048  }
0xb3: {  	_ =	swait.ge [sflag:s29], $0x1  }
0xb4: {  	[sflag:s29] =	ssyncadd.s32 $0xFFFFFFFF  }
0xb5: {  	_ =	strace $0x90000048  }
0xb6: {  	_ =	sfence  }
0xb7: {  	s30 =	sld [smem:$0x0];
	_ =	sdelay $0x2  }
0xb8: {  	s31 =	sshll.u32 s1, $0xD;
	s1 =	sshrl.u32 s1, $0x2  }
0xb9: {  	s3 =	sand.u32 $0x4000, s31;
	s1 =	sadd.s32 s1, s30  }
0xba: {  	s0 =	sor.u32 s3, s0;
	s1 =	sshll.u32 s1, $0x11  }
0xbb: {  	s0 =	sor.u32 s1, s0  }
0xbc: {  	s0 =	sadd.s32 $0x8F2B, s0  }
0xbd: {  	[sflag:s0] =	ssyncadd.remote.s32 $0x1  }
0xbe: {  	_ =	sfence.sel $0xFFFF  }
0xbf: {  	[dreg:$0x0] =	wrdreg $0xFFFFFFFF;
	(pc) =	sbr.abs _section_cstart, $3  }
0xc0: {  	[dreg:$0x1] =	wrdreg $0xFFFFFFFF  }
0xc1: {  	_ =	task.clear_ibuf [dreg:s7], $0x2FFFF;
	_ =	strace $0x9FFFFFFF  }
0xc2: {  	(tm) =	ssettm $0x7FFFFFFF  }
0xc3: {  	_ =	shalt  }
tec
execute0_lowered:
.L_overlay_start_1:
0x0: {  	(tag) =	ssettag $0x1  }
0x1: {  	s2 =	rddreg [dreg:$0x0]  }
0x2: {  	s0 =	rddreg [dreg:$0x1]  }
0x3: {  	s1 =	srdreg.scid;
	s3 =	stileid.u32;
	s5 =	simm.s32 $0x0  }
0x4: {  	s17 =	simm.s32 $0x80;
	s19 =	simm.s32 $0x48;
	s28 =	simm.s32 $0x6A40  }
0x5: {  	s9 =	simm.s32 $0x5;
	s12 =	simm.s32 $0x40;
	s13 =	simm.s32 $0x3  }
0x6: {  	s8 =	simm.s32 $0xCE40;
	s29 =	simm.s32 $0x6;
	s30 =	simm.s32 $0x4  }
0x7: {  	s31 =	simm.s32 $0x13240;
	s21 =	simm.s32 $0x7;
	s15 =	simm.s32 $0x0  }
0x8: {  	s1 =	sand.u32 $0x1, s1;
	s3 =	sshll.u32 s3, $0x8;
	[smem:$0x7FF] =	sst s5  }
0x9: {  	s5 =	sadd.s32 $0xF43000, s0;
	s6 =	sadd.s32 $0xC00, s0;
	s4 =	sshll.u32 s1, $0x7  }
0xa: {  	s7 =	sadd.s32 $0x1400, s0;
	_ =	strace $0x80000047;
	s4 =	sor.u32 s4, s3  }
0xb: {  	[dreg:$0x3] =	wrdreg s6;
	s1 =	ssub.s32 $0x2, s1;
	s3 =	smul.u32 $0x19, s4  }
0xc: {  	s6 =	simm.s32 $0x320;
	s23 =	sshrl.u32 s1, $0x1;
	s22 =	smul.u32 $0x6400, s4  }
0xd: {  	s0 =	ssub.s32 s1, s23;
	s26 =	sadd.s32 $0xFFFFFFFE, s4;
	s11 =	sor.u32 $0x8, s4  }
0xe: {  	s14 =	sor.u32 $0x4, s4;
	s23 =	simm.s32 $0x9;
	[dreg:$0x6] =	wrdreg s26  }
0xf: {  	s0 =	smax.u32 s0, $0x1;
	s26 =	simm.s32 $0x2;
	s3 =	sadd.s32 s2, s3  }
0x10: {  	s25 =	sshrl.u32 s22, $0x3;
	[dreg:$0x8] =	wrdreg s0;
	s22 =	simm.s32 $0x8  }
0x11: {  	[dreg:$0x4] =	wrdreg s3;
	s24 =	sadd.s32 $0x32, s3;
	s1 =	sadd.s32 s7, s25  }
0x12: {  	s0 =	simm.s32 $0xA;
	[dreg:$0x5] =	wrdreg s24;
	s1 =	sadd.s32 $0x62700, s1  }
0x13: {  	s24 =	simm.s32 $0x4B0;
	[dreg:$0x7] =	wrdreg s1;
	s1 =	simm.s32 $0x1  }
.LBB2_1:
0x14: {  	[dreg:$0x9] =	wrdreg s15;
	s3 =	simm.s32 $0x0  }
0x15: {  	s10 =	rddreg [dreg:$0x3];
	s18 =	simm.s32 $0x19640;
	s20 =	simm.s32 $0xD  }
0x16: {  	[tilespmem:s18], [sflag:$0xD] =	stream.linear.gather [hbm4b:s10+s3], $0x3200, $0x38;
	[tilespmem:$0x1C840] =	vst v63  }
0x17: {  	_ =	swait.ge [sflag:s20], $0x3200  }
0x18: {  	[sflag:s20] =	ssyncset.done $0x0  }
0x19: {  	s25 =	rddreg [dreg:$0x4];
	[sflag:s20] =	ssyncadd.s32 $0xFFFFCE00  }
0x1a: {  	[tilespmem:s3], [sflag:$0xD] =	stream.linear.gather [hbm4b:s25+s3], $0x190, $0x38;
	[tilespmem:$0x1C840] =	vst v63  }
0x1b: {  	_ =	swait.ge [sflag:s20], $0x190  }
0x1c: {  	[sflag:s20] =	ssyncset.done $0x0  }
0x1d: {  	s16 =	simm.s32 $0x640;
	[sflag:s20] =	ssyncadd.s32 $0xFFFFFE70  }
0x1e: {  	[tilespmem:s16], [sflag:$0x5] =	stream.indirect.gather [hbm4b:s5+s17], $0x40, s3, s17, $0xb8;
	[tilespmem:$0x1C840] =	vst v63  }
0x1f: {  	s18 =	simm.s32 $0x2640  }
0x20: {  	[tilespmem:s18], [sflag:$0x5] =	stream.indirect.gather [hbm4b:s5+s19], $0x40, s17, s19, $0xb8;
	[tilespmem:$0x1C840] =	vst v63  }
0x21: {  	s25 =	simm.s32 $0x3840;
	s20 =	simm.s32 $0xC8  }
0x22: {  	[tilespmem:s25], [sflag:$0x5] =	stream.indirect.gather [hbm4b:s5+s17], $0x40, s20, s17, $0xb8;
	[tilespmem:$0x1C840] =	vst v63  }
0x23: {  	s16 =	simm.s32 $0x148;
	s18 =	simm.s32 $0x5840  }
0x24: {  	[tilespmem:s18], [sflag:$0x5] =	stream.indirect.gather [hbm4b:s5+s19], $0x40, s16, s19, $0xb8;
	[tilespmem:$0x1C840] =	vst v63  }
0x25: {  	s15 =	simm.s32 $0x0;
	s20 =	rddreg [dreg:$0x5];
	s25 =	simm.s32 $0x190  }
0x26: {  	[tilespmem:s25], [sflag:$0x2] =	stream.linear.gather [hbm4b:s20+s3], $0x190, $0x38;
	[tilespmem:$0x1C840] =	vst v63  }
.LBB2_2:
0x27: {  	p0 =	seq.s32 s15, $0x0  }
.Ltmp0:
0x28: {  	_ = 	snop;
	(pc) =	sbr.rel @p0 .LBB2_6-.Ltmp0, $2  }
0x29: {  	_ =	sdelay $0x2  }
0x2a: {  	s3 =	sshll.u32 s15, $0x3  }
0x2b: {  	_ =	swait.ge [sflag:s23], $0x6400  }
0x2c: {  	[sflag:s23] =	ssyncset.done $0x0  }
0x2d: {  	[sflag:s23] =	ssyncadd.s32 $0xFFFF9C00  }
0x2e: {  	_ =	swait.ge [sflag:s1], $0x190  }
0x2f: {  	[sflag:s1] =	ssyncset.done $0x0  }
0x30: {  	s10 =	simm.s32 $0x0;
	s16 =	simm.s32 $0x640;
	[sflag:s1] =	ssyncadd.s32 $0xFFFFFE70  }
0x31: {  	[tilespmem:s16], [sflag:$0x5] =	stream.indirect.gather [hbm4b:s5+s17], $0x40, s10, s17, $0xb8;
	[tilespmem:$0x1C840] =	vst v63  }
0x32: {  	s20 =	simm.s32 $0x2640  }
0x33: {  	[tilespmem:s20], [sflag:$0x5] =	stream.indirect.gather [hbm4b:s5+s19], $0x40, s17, s19, $0xb8;
	[tilespmem:$0x1C840] =	vst v63  }
0x34: {  	s20 =	sadd.s32 s3, s4  }
0x35: {  	s25 =	simm.s32 $0xC8;
	s18 =	simm.s32 $0x3840;
	s16 =	smul.u32 $0x19, s20  }
0x36: {  	[tilespmem:s18], [sflag:$0x5] =	stream.indirect.gather [hbm4b:s5+s17], $0x40, s25, s17, $0xb8;
	[tilespmem:$0x1C840] =	vst v63  }
0x37: {  	s20 =	simm.s32 $0x5840;
	s25 =	simm.s32 $0x148;
	s16 =	sadd.s32 s2, s16  }
0x38: {  	[tilespmem:s20], [sflag:$0x5] =	stream.indirect.gather [hbm4b:s5+s19], $0x40, s25, s19, $0xb8;
	[tilespmem:$0x1C840] =	vst v63  }
0x39: {  	s16 =	sadd.s32 $0x32, s16;
	s25 =	simm.s32 $0x190  }
0x3a: {  	[tilespmem:s25], [sflag:$0x2] =	stream.linear.gather [hbm4b:s16+s10], $0x190, $0x38;
	[tilespmem:$0x1C840] =	vst v63  }
0x3b: {  	_ =	swait.ge [sflag:s22], $0x6400  }
0x3c: {  	[sflag:s22] =	ssyncset.done $0x0  }
0x3d: {  	s16 =	simm.s32 $0x0;
	[sflag:s22] =	ssyncadd.s32 $0xFFFF9C00  }
0x3e: {  	v0 =	vld [tilespmem:s16+$0x19670]  }
0x3f: {  	v1 =	vld [tilespmem:s16+$0x19640];
	_ =	sdelay $0x1  }
0x40: {  	v2 =	vld [tilespmem:s16+$0x19650]  }
0x41: {  	v3 =	vld [tilespmem:s16+$0x19660]  }
0x42: {  	[tilespmem:s16+$0x16470] =	vst.add.f32.msk $0xffff, v0  }
0x43: {  	[tilespmem:s16+$0x13240] =	vst.add.f32.msk $0xffff, v1  }
0x44: {  	[tilespmem:s16+$0x16440] =	vst.add.f32.msk $0xffff, v1  }
0x45: {  	[tilespmem:s16+$0x13250] =	vst.add.f32.msk $0xffff, v2  }
0x46: {  	[tilespmem:s16+$0x16450] =	vst.add.f32.msk $0xffff, v2  }
0x47: {  	[tilespmem:s16+$0x13260] =	vst.add.f32.msk $0xffff, v3  }
0x48: {  	s18 =	simm.s32 $0x200;
	s10 =	simm.s32 $0x40;
	[tilespmem:s16+$0x16460] =	vst.add.f32.msk $0xffff, v3  }
.LBB2_4:
0x49: {  	p1 =	sne.s32 s18, $0xC700;
	v1 =	vld [tilespmem:s10+$0x19670]  }
0x4a: {  	v2 =	vld [tilespmem:s10+$0x19640]  }
0x4b: {  	v3 =	vld [tilespmem:s10+$0x19650]  }
0x4c: {  	v4 =	vld [tilespmem:s10+$0x19660]  }
0x4d: {  	[tilespmem:s16+$0x13270] =	vst.add.f32.msk $0xffff, v0;
	s16 =	smov.u32 s10  }
0x4e: {  	[tilespmem:s16+$0x16470] =	vst.add.f32.msk $0xffff, v1;
	v0 =	vmov v1  }
0x4f: {  	[tilespmem:s16+$0x13240] =	vst.add.f32.msk $0xffff, v2  }
.Ltmp1:
0x50: {  	[tilespmem:s16+$0x16440] =	vst.add.f32.msk $0xffff, v2;
	(pc) =	sbr.rel @p1 .LBB2_4-.Ltmp1, $4  }
0x51: {  	[tilespmem:s16+$0x13250] =	vst.add.f32.msk $0xffff, v3  }
0x52: {  	[tilespmem:s16+$0x16450] =	vst.add.f32.msk $0xffff, v3  }
0x53: {  	[tilespmem:s16+$0x13260] =	vst.add.f32.msk $0xffff, v4  }
0x54: {  	s10 =	sshra.s32 s18, $0x2;
	s18 =	sadd.s32 $0x100, s18;
	[tilespmem:s16+$0x16460] =	vst.add.f32.msk $0xffff, v4  }
0x55: {  	v1 =	vld [tilespmem:s10+$0x19670]  }
0x56: {  	v2 =	vld [tilespmem:s10+$0x19640]  }
0x57: {  	v3 =	vld [tilespmem:s10+$0x19650]  }
0x58: {  	v4 =	vld [tilespmem:s10+$0x19660]  }
0x59: {  	[tilespmem:s16+$0x13270] =	vst.add.f32.msk $0xffff, v0  }
0x5a: {  	[tilespmem:s10+$0x16470] =	vst.add.f32.msk $0xffff, v1  }
0x5b: {  	[tilespmem:s10+$0x13240] =	vst.add.f32.msk $0xffff, v2  }
0x5c: {  	[tilespmem:s10+$0x16440] =	vst.add.f32.msk $0xffff, v2  }
0x5d: {  	s20 =	rddreg [dreg:$0x6];
	[tilespmem:s10+$0x13250] =	vst.add.f32.msk $0xffff, v3  }
0x5e: {  	s16 =	sadd.s32 s3, s20;
	[tilespmem:s10+$0x16450] =	vst.add.f32.msk $0xffff, v3  }
0x5f: {  	s16 =	smul.u32 $0xC80, s16;
	[tilespmem:s10+$0x13260] =	vst.add.f32.msk $0xffff, v4  }
0x60: {  	[tilespmem:s10+$0x16460] =	vst.add.f32.msk $0xffff, v4  }
0x61: {  	s25 =	sadd.s32 s7, s16;
	[tilespmem:s10+$0x13270] =	vst.add.f32.msk $0xffff, v1  }
0x62: {  	[hbm4b:s25+s12] =	stream.strided.scatter [tilespmem:s31], [sflag:$0xC], $0x6400, s17, s12, $0x38;
	[tilespmem:$0x1C840] =	vst v63  }
0x63: {  	_ =	swait.ge [sflag:s0], $0x6400  }
0x64: {  	[sflag:s0] =	ssyncset.done $0x0  }
0x65: {  	[sflag:s0] =	ssyncadd.s32 $0xFFFF9C00  }
.LBB2_6:
0x66: {  	_ =	swait.ge [sflag:s26], $0x190  }
0x67: {  	[sflag:s26] =	ssyncset.done $0x0  }
0x68: {  	s10 =	simm.s32 $0x190;
	[sflag:s26] =	ssyncadd.s32 $0xFFFFFE70  }
0x69: {  	[tilespmem:s28], [sflag:$0x6] =	stream.indirect.gather [hbm4b:s5+s17], $0x40, s10, s17, $0xb8;
	[tilespmem:$0x1C840] =	vst v63  }
0x6a: {  	s25 =	simm.s32 $0x210;
	s16 =	simm.s32 $0x8A40  }
0x6b: {  	[tilespmem:s16], [sflag:$0x6] =	stream.indirect.gather [hbm4b:s5+s19], $0x40, s25, s19, $0xb8;
	[tilespmem:$0x1C840] =	vst v63  }
0x6c: {  	s18 =	simm.s32 $0x258;
	s20 =	simm.s32 $0x9C40;
	s16 =	sor.u32 s14, s3  }
0x6d: {  	[tilespmem:s20], [sflag:$0x6] =	stream.indirect.gather [hbm4b:s5+s17], $0x40, s18, s17, $0xb8;
	[tilespmem:$0x1C840] =	vst v63  }
0x6e: {  	s25 =	smul.u32 $0x19, s16;
	s18 =	simm.s32 $0x2D8;
	s20 =	simm.s32 $0xBC40  }
0x6f: {  	[tilespmem:s20], [sflag:$0x6] =	stream.indirect.gather [hbm4b:s5+s19], $0x40, s18, s19, $0xb8;
	[tilespmem:$0x1C840] =	vst v63  }
0x70: {  	s10 =	sadd.s32 s2, s25;
	s25 =	simm.s32 $0x0  }
0x71: {  	[tilespmem:s6], [sflag:$0x3] =	stream.linear.gather [hbm4b:s10+s25], $0x190, $0x38;
	[tilespmem:$0x1C840] =	vst v63  }
0x72: {  	_ =	swait.ge [sflag:s9], $0x6400  }
0x73: {  	[sflag:s9] =	ssyncset.done $0x0  }
0x74: {  	s20 =	simm.s32 $0x0;
	[sflag:s9] =	ssyncadd.s32 $0xFFFF9C00  }
0x75: {  	v0 =	vld [tilespmem:s20+$0x19670]  }
0x76: {  	v1 =	vld [tilespmem:s20+$0x19640];
	_ =	sdelay $0x1  }
0x77: {  	v2 =	vld [tilespmem:s20+$0x19650]  }
0x78: {  	v3 =	vld [tilespmem:s20+$0x19660]  }
0x79: {  	[tilespmem:s20+$0x3870] =	vst.add.f32.msk $0xffff, v0  }
0x7a: {  	[tilespmem:s20+$0x640] =	vst.add.f32.msk $0xffff, v1  }
0x7b: {  	[tilespmem:s20+$0x3840] =	vst.add.f32.msk $0xffff, v1  }
0x7c: {  	[tilespmem:s20+$0x650] =	vst.add.f32.msk $0xffff, v2  }
0x7d: {  	[tilespmem:s20+$0x3850] =	vst.add.f32.msk $0xffff, v2  }
0x7e: {  	[tilespmem:s20+$0x660] =	vst.add.f32.msk $0xffff, v3  }
0x7f: {  	s18 =	simm.s32 $0x200;
	s10 =	simm.s32 $0x40;
	[tilespmem:s20+$0x3860] =	vst.add.f32.msk $0xffff, v3  }
.LBB2_7:
0x80: {  	p1 =	sne.s32 s18, $0xC700;
	v1 =	vld [tilespmem:s10+$0x19670]  }
0x81: {  	v2 =	vld [tilespmem:s10+$0x19640]  }
0x82: {  	v3 =	vld [tilespmem:s10+$0x19650]  }
0x83: {  	v4 =	vld [tilespmem:s10+$0x19660]  }
0x84: {  	[tilespmem:s20+$0x670] =	vst.add.f32.msk $0xffff, v0;
	s20 =	smov.u32 s10  }
0x85: {  	[tilespmem:s20+$0x3870] =	vst.add.f32.msk $0xffff, v1;
	v0 =	vmov v1  }
0x86: {  	[tilespmem:s20+$0x640] =	vst.add.f32.msk $0xffff, v2  }
.Ltmp2:
0x87: {  	[tilespmem:s20+$0x3840] =	vst.add.f32.msk $0xffff, v2;
	(pc) =	sbr.rel @p1 .LBB2_7-.Ltmp2, $4  }
0x88: {  	[tilespmem:s20+$0x650] =	vst.add.f32.msk $0xffff, v3  }
0x89: {  	[tilespmem:s20+$0x3850] =	vst.add.f32.msk $0xffff, v3  }
0x8a: {  	[tilespmem:s20+$0x660] =	vst.add.f32.msk $0xffff, v4  }
0x8b: {  	s10 =	sshra.s32 s18, $0x2;
	s18 =	sadd.s32 $0x100, s18;
	[tilespmem:s20+$0x3860] =	vst.add.f32.msk $0xffff, v4  }
0x8c: {  	v1 =	vld [tilespmem:s10+$0x19670]  }
0x8d: {  	v2 =	vld [tilespmem:s10+$0x19640]  }
0x8e: {  	v3 =	vld [tilespmem:s10+$0x19650]  }
0x8f: {  	v4 =	vld [tilespmem:s10+$0x19660]  }
0x90: {  	[tilespmem:s20+$0x670] =	vst.add.f32.msk $0xffff, v0  }
0x91: {  	[tilespmem:s10+$0x3870] =	vst.add.f32.msk $0xffff, v1  }
0x92: {  	[tilespmem:s10+$0x640] =	vst.add.f32.msk $0xffff, v2  }
0x93: {  	[tilespmem:s10+$0x3840] =	vst.add.f32.msk $0xffff, v2  }
0x94: {  	[tilespmem:s10+$0x650] =	vst.add.f32.msk $0xffff, v3  }
0x95: {  	s18 =	sadd.s32 s4, s3;
	[tilespmem:s10+$0x3850] =	vst.add.f32.msk $0xffff, v3  }
0x96: {  	s18 =	smul.u32 $0xC80, s18;
	[tilespmem:s10+$0x660] =	vst.add.f32.msk $0xffff, v4  }
0x97: {  	[tilespmem:s10+$0x3860] =	vst.add.f32.msk $0xffff, v4  }
0x98: {  	s25 =	simm.s32 $0x640;
	s20 =	sadd.s32 s7, s18;
	[tilespmem:s10+$0x670] =	vst.add.f32.msk $0xffff, v1;
	s10 =	simm.s32 @!p0 $0xB  }
0x99: {  	[hbm4b:s20+s12] =	stream.strided.scatter [tilespmem:s25], [sflag:$0x9], $0x6400, s17, s12, $0x38;
	[tilespmem:$0x1C840] =	vst v63  }
0x9a: {  	_ =	swait.ge @!p0 [sflag:s10], $0x6400  }
0x9b: {  	[sflag:s10] =	ssyncset.done @!p0 $0x0  }
0x9c: {  	[sflag:s10] =	ssyncadd.s32 @!p0 $0xFFFF9C00  }
0x9d: {  	_ =	swait.ge [sflag:s13], $0x190  }
0x9e: {  	[sflag:s13] =	ssyncset.done $0x0  }
0x9f: {  	[sflag:s13] =	ssyncadd.s32 $0xFFFFFE70  }
0xa0: {  	[tilespmem:s8], [sflag:$0x7] =	stream.indirect.gather [hbm4b:s5+s17], $0x40, s6, s17, $0xb8;
	[tilespmem:$0x1C840] =	vst v63  }
0xa1: {  	s20 =	simm.s32 $0x3A0;
	s25 =	simm.s32 $0xEE40  }
0xa2: {  	[tilespmem:s25], [sflag:$0x7] =	stream.indirect.gather [hbm4b:s5+s19], $0x40, s20, s19, $0xb8;
	[tilespmem:$0x1C840] =	vst v63  }
0xa3: {  	s18 =	simm.s32 $0x3E8;
	s20 =	simm.s32 $0x10040  }
0xa4: {  	[tilespmem:s20], [sflag:$0x7] =	stream.indirect.gather [hbm4b:s5+s17], $0x40, s18, s17, $0xb8;
	[tilespmem:$0x1C840] =	vst v63  }
0xa5: {  	s20 =	sadd.s32 s3, s4  }
0xa6: {  	s25 =	simm.s32 $0x12040;
	s18 =	simm.s32 $0x468;
	s10 =	smul.u32 $0x19, s20  }
0xa7: {  	[tilespmem:s25], [sflag:$0x7] =	stream.indirect.gather [hbm4b:s5+s19], $0x40, s18, s19, $0xb8;
	[tilespmem:$0x1C840] =	vst v63  }
0xa8: {  	s10 =	sadd.s32 s2, s10  }
0xa9: {  	s25 =	simm.s32 $0x0;
	s10 =	sadd.s32 $0x96, s10  }
0xaa: {  	[tilespmem:s24], [sflag:$0x4] =	stream.linear.gather [hbm4b:s10+s25], $0x190, $0x38;
	[tilespmem:$0x1C840] =	vst v63  }
0xab: {  	_ =	swait.ge [sflag:s29], $0x6400  }
0xac: {  	[sflag:s29] =	ssyncset.done $0x0  }
0xad: {  	s10 =	simm.s32 $0x0;
	[sflag:s29] =	ssyncadd.s32 $0xFFFF9C00  }
0xae: {  	v0 =	vld [tilespmem:s10+$0x19670]  }
0xaf: {  	v1 =	vld [tilespmem:s10+$0x19640];
	_ =	sdelay $0x1  }
0xb0: {  	v2 =	vld [tilespmem:s10+$0x19650]  }
0xb1: {  	v3 =	vld [tilespmem:s10+$0x19660]  }
0xb2: {  	[tilespmem:s10+$0x9C70] =	vst.add.f32.msk $0xffff, v0  }
0xb3: {  	[tilespmem:s10+$0x6A40] =	vst.add.f32.msk $0xffff, v1  }
0xb4: {  	[tilespmem:s10+$0x9C40] =	vst.add.f32.msk $0xffff, v1  }
0xb5: {  	[tilespmem:s10+$0x6A50] =	vst.add.f32.msk $0xffff, v2  }
0xb6: {  	[tilespmem:s10+$0x9C50] =	vst.add.f32.msk $0xffff, v2  }
0xb7: {  	[tilespmem:s10+$0x6A60] =	vst.add.f32.msk $0xffff, v3  }
0xb8: {  	s18 =	simm.s32 $0x40;
	s25 =	simm.s32 $0x200;
	[tilespmem:s10+$0x9C60] =	vst.add.f32.msk $0xffff, v3  }
.LBB2_9:
0xb9: {  	p1 =	sne.s32 s25, $0xC700;
	v1 =	vld [tilespmem:s18+$0x19670]  }
0xba: {  	v2 =	vld [tilespmem:s18+$0x19640]  }
0xbb: {  	v3 =	vld [tilespmem:s18+$0x19650]  }
0xbc: {  	v4 =	vld [tilespmem:s18+$0x19660]  }
0xbd: {  	[tilespmem:s10+$0x6A70] =	vst.add.f32.msk $0xffff, v0;
	s10 =	smov.u32 s18  }
0xbe: {  	[tilespmem:s10+$0x9C70] =	vst.add.f32.msk $0xffff, v1;
	v0 =	vmov v1  }
0xbf: {  	[tilespmem:s10+$0x6A40] =	vst.add.f32.msk $0xffff, v2  }
.Ltmp3:
0xc0: {  	[tilespmem:s10+$0x9C40] =	vst.add.f32.msk $0xffff, v2;
	(pc) =	sbr.rel @p1 .LBB2_9-.Ltmp3, $4  }
0xc1: {  	[tilespmem:s10+$0x6A50] =	vst.add.f32.msk $0xffff, v3  }
0xc2: {  	[tilespmem:s10+$0x9C50] =	vst.add.f32.msk $0xffff, v3  }
0xc3: {  	[tilespmem:s10+$0x6A60] =	vst.add.f32.msk $0xffff, v4  }
0xc4: {  	s18 =	sshra.s32 s25, $0x2;
	s25 =	sadd.s32 $0x100, s25;
	[tilespmem:s10+$0x9C60] =	vst.add.f32.msk $0xffff, v4  }
0xc5: {  	v1 =	vld [tilespmem:s18+$0x19670]  }
0xc6: {  	v2 =	vld [tilespmem:s18+$0x19640]  }
0xc7: {  	v3 =	vld [tilespmem:s18+$0x19650]  }
0xc8: {  	v4 =	vld [tilespmem:s18+$0x19660]  }
0xc9: {  	[tilespmem:s10+$0x6A70] =	vst.add.f32.msk $0xffff, v0  }
0xca: {  	[tilespmem:s18+$0x9C70] =	vst.add.f32.msk $0xffff, v1  }
0xcb: {  	[tilespmem:s18+$0x6A40] =	vst.add.f32.msk $0xffff, v2  }
0xcc: {  	[tilespmem:s18+$0x9C40] =	vst.add.f32.msk $0xffff, v2  }
0xcd: {  	[tilespmem:s18+$0x6A50] =	vst.add.f32.msk $0xffff, v3  }
0xce: {  	s25 =	smul.u32 $0xC80, s20;
	[tilespmem:s18+$0x9C50] =	vst.add.f32.msk $0xffff, v3  }
0xcf: {  	[tilespmem:s18+$0x6A60] =	vst.add.f32.msk $0xffff, v4  }
0xd0: {  	s10 =	sadd.s32 s7, s25;
	[tilespmem:s18+$0x9C60] =	vst.add.f32.msk $0xffff, v4  }
0xd1: {  	s10 =	sadd.s32 $0x1900, s10;
	[tilespmem:s18+$0x6A70] =	vst.add.f32.msk $0xffff, v1  }
0xd2: {  	[hbm4b:s10+s12] =	stream.strided.scatter [tilespmem:s28], [sflag:$0xA], $0x6400, s17, s12, $0x38;
	[tilespmem:$0x1C840] =	vst v63  }
0xd3: {  	s10 =	simm.s32 @!p0 $0xC  }
0xd4: {  	_ =	swait.ge @!p0 [sflag:s10], $0x6400  }
0xd5: {  	[sflag:s10] =	ssyncset.done @!p0 $0x0  }
0xd6: {  	[sflag:s10] =	ssyncadd.s32 @!p0 $0xFFFF9C00  }
0xd7: {  	_ =	swait.ge [sflag:s30], $0x190  }
0xd8: {  	[sflag:s30] =	ssyncset.done $0x0  }
0xd9: {  	[sflag:s30] =	ssyncadd.s32 $0xFFFFFE70  }
0xda: {  	[tilespmem:s31], [sflag:$0x8] =	stream.indirect.gather [hbm4b:s5+s17], $0x40, s24, s17, $0xb8;
	[tilespmem:$0x1C840] =	vst v63  }
0xdb: {  	s20 =	simm.s32 $0x530;
	s25 =	simm.s32 $0x15240;
	p0 =	seq.s32 s15, $0xF  }
0xdc: {  	[tilespmem:s25], [sflag:$0x8] =	stream.indirect.gather [hbm4b:s5+s19], $0x40, s20, s19, $0xb8;
	[tilespmem:$0x1C840] =	vst v63  }
0xdd: {  	s3 =	sadd.s32 @!p0 s3, s11;
	s20 =	simm.s32 $0x578;
	s25 =	simm.s32 $0x16440  }
0xde: {  	[tilespmem:s25], [sflag:$0x8] =	stream.indirect.gather [hbm4b:s5+s17], $0x40, s20, s17, $0xb8;
	[tilespmem:$0x1C840] =	vst v63  }
0xdf: {  	s3 =	smul.u32 @!p0 $0x19, s3;
	s20 =	simm.s32 $0x5F8;
	s25 =	simm.s32 $0x18440  }
0xe0: {  	[tilespmem:s25], [sflag:$0x8] =	stream.indirect.gather [hbm4b:s5+s19], $0x40, s20, s19, $0xb8;
	[tilespmem:$0x1C840] =	vst v63  }
0xe1: {  	s10 =	simm.s32 @!p0 $0x0;
	s3 =	sadd.s32 @!p0 s2, s3  }
0xe2: {  	[tilespmem:s10], [sflag:$0x1] =	stream.linear.gather @!p0 [hbm4b:s3+s10], $0x190, $0x38;
	[tilespmem:$0x1C840] =	vst v63  }
0xe3: {  	_ =	swait.ge [sflag:s21], $0x6400  }
0xe4: {  	[sflag:s21] =	ssyncset.done $0x0  }
0xe5: {  	s3 =	simm.s32 $0x0;
	[sflag:s21] =	ssyncadd.s32 $0xFFFF9C00  }
0xe6: {  	v0 =	vld [tilespmem:s3+$0x19670]  }
0xe7: {  	v1 =	vld [tilespmem:s3+$0x19640];
	_ =	sdelay $0x1  }
0xe8: {  	v2 =	vld [tilespmem:s3+$0x19650]  }
0xe9: {  	v3 =	vld [tilespmem:s3+$0x19660]  }
0xea: {  	[tilespmem:s3+$0x10070] =	vst.add.f32.msk $0xffff, v0  }
0xeb: {  	[tilespmem:s3+$0xCE40] =	vst.add.f32.msk $0xffff, v1  }
0xec: {  	[tilespmem:s3+$0x10040] =	vst.add.f32.msk $0xffff, v1  }
0xed: {  	[tilespmem:s3+$0xCE50] =	vst.add.f32.msk $0xffff, v2  }
0xee: {  	[tilespmem:s3+$0x10050] =	vst.add.f32.msk $0xffff, v2  }
0xef: {  	[tilespmem:s3+$0xCE60] =	vst.add.f32.msk $0xffff, v3  }
0xf0: {  	s18 =	simm.s32 $0x200;
	s10 =	simm.s32 $0x40;
	[tilespmem:s3+$0x10060] =	vst.add.f32.msk $0xffff, v3  }
.LBB2_11:
0xf1: {  	p0 =	sne.s32 s18, $0xC700;
	v1 =	vld [tilespmem:s10+$0x19670]  }
0xf2: {  	v2 =	vld [tilespmem:s10+$0x19640]  }
0xf3: {  	v3 =	vld [tilespmem:s10+$0x19650]  }
0xf4: {  	v4 =	vld [tilespmem:s10+$0x19660]  }
0xf5: {  	[tilespmem:s3+$0xCE70] =	vst.add.f32.msk $0xffff, v0;
	s3 =	smov.u32 s10  }
0xf6: {  	[tilespmem:s3+$0x10070] =	vst.add.f32.msk $0xffff, v1;
	v0 =	vmov v1  }
0xf7: {  	[tilespmem:s3+$0xCE40] =	vst.add.f32.msk $0xffff, v2  }
.Ltmp4:
0xf8: {  	[tilespmem:s3+$0x10040] =	vst.add.f32.msk $0xffff, v2;
	(pc) =	sbr.rel @p0 .LBB2_11-.Ltmp4, $4  }
0xf9: {  	[tilespmem:s3+$0xCE50] =	vst.add.f32.msk $0xffff, v3  }
0xfa: {  	[tilespmem:s3+$0x10050] =	vst.add.f32.msk $0xffff, v3  }
0xfb: {  	[tilespmem:s3+$0xCE60] =	vst.add.f32.msk $0xffff, v4  }
0xfc: {  	s10 =	sshra.s32 s18, $0x2;
	s18 =	sadd.s32 $0x100, s18;
	[tilespmem:s3+$0x10060] =	vst.add.f32.msk $0xffff, v4  }
0xfd: {  	v1 =	vld [tilespmem:s10+$0x19670]  }
0xfe: {  	v2 =	vld [tilespmem:s10+$0x19640]  }
0xff: {  	v3 =	vld [tilespmem:s10+$0x19650]  }
0x100: {  	v4 =	vld [tilespmem:s10+$0x19660]  }
0x101: {  	[tilespmem:s3+$0xCE70] =	vst.add.f32.msk $0xffff, v0  }
0x102: {  	[tilespmem:s10+$0x10070] =	vst.add.f32.msk $0xffff, v1  }
0x103: {  	[tilespmem:s10+$0xCE40] =	vst.add.f32.msk $0xffff, v2  }
0x104: {  	s15 =	sadd.s32 $0x1, s15;
	[tilespmem:s10+$0x10040] =	vst.add.f32.msk $0xffff, v2  }
0x105: {  	p0 =	sne.s32 s15, $0x10;
	[tilespmem:s10+$0xCE50] =	vst.add.f32.msk $0xffff, v3  }
.Ltmp5:
0x106: {  	[tilespmem:s10+$0x10050] =	vst.add.f32.msk $0xffff, v3;
	(pc) =	sbr.rel @p0 .LBB2_2-.Ltmp5, $4  }
0x107: {  	s25 =	smul.u32 $0xC80, s16;
	[tilespmem:s10+$0xCE60] =	vst.add.f32.msk $0xffff, v4  }
0x108: {  	[tilespmem:s10+$0x10060] =	vst.add.f32.msk $0xffff, v4  }
0x109: {  	s3 =	sadd.s32 s7, s25;
	[tilespmem:s10+$0xCE70] =	vst.add.f32.msk $0xffff, v1  }
0x10a: {  	[hbm4b:s3+s12] =	stream.strided.scatter [tilespmem:s8], [sflag:$0xB], $0x6400, s17, s12, $0x38;
	[tilespmem:$0x1C840] =	vst v63  }
0x10b: {  	_ =	swait.ge [sflag:s22], $0x6400  }
0x10c: {  	[sflag:s22] =	ssyncset.done $0x0  }
0x10d: {  	s3 =	simm.s32 $0x0;
	[sflag:s22] =	ssyncadd.s32 $0xFFFF9C00  }
0x10e: {  	v0 =	vld [tilespmem:s3+$0x19670]  }
0x10f: {  	v1 =	vld [tilespmem:s3+$0x19640];
	_ =	sdelay $0x1  }
0x110: {  	v2 =	vld [tilespmem:s3+$0x19650]  }
0x111: {  	v3 =	vld [tilespmem:s3+$0x19660]  }
0x112: {  	[tilespmem:s3+$0x16470] =	vst.add.f32.msk $0xffff, v0  }
0x113: {  	[tilespmem:s3+$0x13240] =	vst.add.f32.msk $0xffff, v1  }
0x114: {  	[tilespmem:s3+$0x16440] =	vst.add.f32.msk $0xffff, v1  }
0x115: {  	[tilespmem:s3+$0x13250] =	vst.add.f32.msk $0xffff, v2  }
0x116: {  	[tilespmem:s3+$0x16450] =	vst.add.f32.msk $0xffff, v2  }
0x117: {  	[tilespmem:s3+$0x13260] =	vst.add.f32.msk $0xffff, v3  }
0x118: {  	s15 =	simm.s32 $0x40;
	s10 =	simm.s32 $0x200;
	[tilespmem:s3+$0x16460] =	vst.add.f32.msk $0xffff, v3  }
.LBB2_14:
0x119: {  	p0 =	sne.s32 s10, $0xC700;
	v1 =	vld [tilespmem:s15+$0x19670]  }
0x11a: {  	v2 =	vld [tilespmem:s15+$0x19640]  }
0x11b: {  	v3 =	vld [tilespmem:s15+$0x19650]  }
0x11c: {  	v4 =	vld [tilespmem:s15+$0x19660]  }
0x11d: {  	[tilespmem:s3+$0x13270] =	vst.add.f32.msk $0xffff, v0;
	s3 =	smov.u32 s15  }
0x11e: {  	[tilespmem:s3+$0x16470] =	vst.add.f32.msk $0xffff, v1;
	v0 =	vmov v1  }
0x11f: {  	[tilespmem:s3+$0x13240] =	vst.add.f32.msk $0xffff, v2  }
.Ltmp6:
0x120: {  	[tilespmem:s3+$0x16440] =	vst.add.f32.msk $0xffff, v2;
	(pc) =	sbr.rel @p0 .LBB2_14-.Ltmp6, $4  }
0x121: {  	[tilespmem:s3+$0x13250] =	vst.add.f32.msk $0xffff, v3  }
0x122: {  	[tilespmem:s3+$0x16450] =	vst.add.f32.msk $0xffff, v3  }
0x123: {  	[tilespmem:s3+$0x13260] =	vst.add.f32.msk $0xffff, v4  }
0x124: {  	s15 =	sshra.s32 s10, $0x2;
	s10 =	sadd.s32 $0x100, s10;
	[tilespmem:s3+$0x16460] =	vst.add.f32.msk $0xffff, v4  }
0x125: {  	v1 =	vld [tilespmem:s15+$0x19670]  }
0x126: {  	v2 =	vld [tilespmem:s15+$0x19640]  }
0x127: {  	v3 =	vld [tilespmem:s15+$0x19650]  }
0x128: {  	v4 =	vld [tilespmem:s15+$0x19660]  }
0x129: {  	[tilespmem:s3+$0x13270] =	vst.add.f32.msk $0xffff, v0  }
0x12a: {  	[tilespmem:s15+$0x16470] =	vst.add.f32.msk $0xffff, v1  }
0x12b: {  	[tilespmem:s15+$0x13240] =	vst.add.f32.msk $0xffff, v2  }
0x12c: {  	[tilespmem:s15+$0x16440] =	vst.add.f32.msk $0xffff, v2  }
0x12d: {  	[tilespmem:s15+$0x13250] =	vst.add.f32.msk $0xffff, v3  }
0x12e: {  	[tilespmem:s15+$0x16450] =	vst.add.f32.msk $0xffff, v3  }
0x12f: {  	[tilespmem:s15+$0x13260] =	vst.add.f32.msk $0xffff, v4  }
0x130: {  	[tilespmem:s15+$0x16460] =	vst.add.f32.msk $0xffff, v4  }
0x131: {  	s16 =	rddreg [dreg:$0x7];
	[tilespmem:s15+$0x13270] =	vst.add.f32.msk $0xffff, v1  }
0x132: {  	[hbm4b:s16+s12] =	stream.strided.scatter [tilespmem:s31], [sflag:$0xC], $0x6400, s17, s12, $0x38;
	[tilespmem:$0x1C840] =	vst v63  }
0x133: {  	_ =	swait.ge [sflag:s23], $0x6400  }
0x134: {  	[sflag:s23] =	ssyncset.done $0x0  }
0x135: {  	[sflag:s23] =	ssyncadd.s32 $0xFFFF9C00  }
0x136: {  	_ =	swait.ge [sflag:s0], $0x6400  }
0x137: {  	[sflag:s0] =	ssyncset.done $0x0  }
0x138: {  	s18 =	simm.s32 $0xB;
	[sflag:s0] =	ssyncadd.s32 $0xFFFF9C00  }
0x139: {  	_ =	swait.ge [sflag:s18], $0x6400  }
0x13a: {  	[sflag:s18] =	ssyncset.done $0x0  }
0x13b: {  	s10 =	simm.s32 $0xC;
	[sflag:s18] =	ssyncadd.s32 $0xFFFF9C00  }
0x13c: {  	_ =	swait.ge [sflag:s10], $0x6400  }
0x13d: {  	s20 =	rddreg [dreg:$0x9]  }
0x13e: {  	s25 =	rddreg [dreg:$0x8];
	s15 =	sadd.s32 $0x1, s20  }
0x13f: {  	p0 =	sne.s32 s15, s25  }
.Ltmp7:
0x140: {  	_ = 	snop;
	(pc) =	sbr.rel @p0 .LBB2_1-.Ltmp7, $3  }
0x141: {  	_ =	sdelay $0x1  }
0x142: {  	[sflag:s10] =	ssyncset.done $0x0  }
0x143: {  	[sflag:s10] =	ssyncadd.s32 $0xFFFF9C00  }
0x144: {  	_ =	sfence.sel $0x180000  }
0x145: {  	[bflag:$0x0] =	sbarrier.arrive $0xFFFF  }
0x146: {  	_ =	strace $0x90000047  }
0x147: {  	s0 =	stileid.u32;
	[bflag:$0x2] =	sbarrier.arrive $0xFFFF  }
0x148: {  	p0 =	sne.s32 s0, $0x0;
	s0 =	rddreg [dreg:$0x2]  }
0x149: {  	s0 =	sadd.s32 @!p0 $0x100000, s0  }
0x14a: {  	[sflag:s0] =	ssyncadd.tile.s32 @!p0 $0x1;
	_ =	shalt  }
.Lfunc_end2:
_tile_overlayer_lowered:
.L_overlay_start_2:
0x14b: {  	(tag) =	ssettag $0x2  }
0x14c: {  	s0 =	rddreg [dreg:$0x0];
	s2 =	stileid.u32  }
0x14d: {  	s1 =	rddreg [dreg:$0x1];
	p0 =	sne.s32 s2, $0x0  }
0x14e: {  	s3 =	rddreg [dreg:$0x2];
	[bflag:$0x3] =	sbarrier.arrive $0xFFFF;
	s2 =	simm.s32 @!p0 $0x1C0D  }
0x14f: {  	[timem:s3], [sflag:s2] =	dma.local @!p0 [hbm:s0], s1  }
0x150: {  	s0 =	simm.s32 @!p0 $0xD  }
0x151: {  	_ =	swait.ge @!p0 [sflag:s0], s1  }
0x152: {  	s1 =	ssub.s32 @!p0 $0x0, s1;
	[sflag:s0] =	ssyncset.done @!p0 $0x0  }
0x153: {  	[sflag:s0] =	ssyncadd.s32 @!p0 s1  }
0x154: {  	[bflag:$0x3] =	sbarrier.arrive $0xFFFF  }
0x155: {  	_ =	shalt  }

// kernel: sparse-core-data-format-call.cloned.1.call-start
scs
called_computation_lowered:
.L_overlay_start_0:
0x0: {  	s2 =	sld [smem:$0x3FD9]  }
0x1: {  	s3 =	sld [smem:$0x3FFE];
	_ =	sdelay $0x1  }
0x2: {  	s1 =	srdreg.scid  }
0x3: {  	s0 =	sand.u32 $0x1, s1  }
0x4: {  	s18 =	sshll.u32 s0, $0xA;
	s2 =	sadd.s32 s3, s2  }
0x5: {  	s2 =	sadd.s32 s2, s18  }
0x6: {  	[smem:$0x3FC5] =	sst s2  }
0x7: {  	_ = 	snop  }
0x8: {  	s2 =	sld [smem:$0x3FD0];
	(tm) =	ssettm $0x1  }
0x9: {  	s19 =	sld [smem:$0x3FFB];
	_ =	sdelay $0x3  }
0xa: {  	_ =	strace s19  }
0xb: {  	s3 =	sld [smem:$0x3FFC];
	_ =	sdelay $0x3  }
0xc: {  	_ =	strace s3  }
0xd: {  	s3 =	sld [smem:$0x3FFD];
	_ =	sdelay $0x3  }
0xe: {  	_ =	strace s3  }
0xf: {  	_ =	strace $0x8FFFFFFF  }
0x10: {  	s20 =	sld [smem:$0x3FDB];
	_ =	sdelay $0x1  }
0x11: {  	s4 =	simm.s32 $_scs_section_size  }
0x12: {  	s5 =	simm.s32 $_size__tile_overlayer_lowered;
	s6 =	simm.s32 $_tile_overlayer_lowered  }
0x13: {  	s23 =	simm.s32 $0x1BFF;
	s22 =	sshll.u32 s6, $0x1;
	s3 =	sadd.s32 s4, s20  }
0x14: {  	s7 =	simm.s32 $0x0;
	s21 =	sshll.u32 s5, $0x1;
	s5 =	sadd.s32 s22, s3  }
0x15: {  	[timem:s7], [sflag:s23] =	dma.local [hbm:s5], s21  }
0x16: {  	_ =	swait.ge [sflag:s23], s21  }
0x17: {  	s4 =	ssub.s32 $0x0, s21;
	[sflag:s23] =	ssyncset.done $0x0  }
0x18: {  	[sflag:s23] =	ssyncadd.s32 s4;
	_ =	sdelay $0x1  }
0x19: {  	s24 =	simm.s32 $0x1B8B  }
0x1a: {  	_ =	swait.ge [sflag:s24], $0x1  }
0x1b: {  	[sflag:s24] =	ssyncset.done $0x0  }
0x1c: {  	s26 =	simm.s32 $0x1B8E;
	s25 =	sld [smem:$0x3FFE];
	[sflag:s24] =	ssyncadd.s32 $0xFFFFFFFF  }
0x1d: {  	s27 =	simm.s32 $execute0_lowered;
	[smem:$0x3FD2] =	sst s26  }
0x1e: {  	s5 =	sshll.u32 s27, $0x1;
	_ =	strace $0x80000049;
	[dreg:$0x1] =	wrdreg $0xFFFFFFFF  }
0x1f: {  	s28 =	simm.s32 $_size_execute0_lowered;
	s3 =	sadd.s32 s3, s5;
	[dreg:$0x0] =	wrdreg $0x0  }
0x20: {  	s5 =	sshll.u32 s28, $0x1;
	[dreg:$0x2] =	wrdreg s3  }
0x21: {  	[dreg:$0x3] =	wrdreg s5  }
0x22: {  	[dreg:$0x4] =	wrdreg $0xC0  }
0x23: {  	_ =	task [dreg:s7], $0x5FFFF  }
0x24: {  	[dreg:$0x1] =	wrdreg $0xFFFFFFFF  }
0x25: {  	[dreg:$0x0] =	wrdreg $0x60  }
0x26: {  	[dreg:$0x2] =	wrdreg s25  }
0x27: {  	[dreg:$0x3] =	wrdreg s2  }
0x28: {  	[dreg:$0x4] =	wrdreg $0x9  }
0x29: {  	_ =	task.clear_ibuf [dreg:s7], $0x5FFFF;
	_ =	strace $0x90000049  }
0x2a: {  	s29 =	simm.s32 $0x9;
	_ =	strace $0x8000004B  }
0x2b: {  	_ =	swait.ge [sflag:s29], $0x1  }
0x2c: {  	[sflag:s29] =	ssyncadd.s32 $0xFFFFFFFF  }
0x2d: {  	_ =	strace $0x9000004B  }
0x2e: {  	_ =	sfence  }
0x2f: {  	s30 =	sld [smem:$0x0];
	_ =	sdelay $0x2  }
0x30: {  	s31 =	sshll.u32 s1, $0xD;
	s1 =	sshrl.u32 s1, $0x2  }
0x31: {  	s3 =	sand.u32 $0x4000, s31;
	s1 =	sadd.s32 s1, s30  }
0x32: {  	s0 =	sor.u32 s3, s0;
	s1 =	sshll.u32 s1, $0x11  }
0x33: {  	s0 =	sor.u32 s1, s0  }
0x34: {  	s0 =	sadd.s32 $0x8F2B, s0  }
0x35: {  	[sflag:s0] =	ssyncadd.remote.s32 $0x1  }
0x36: {  	_ =	sfence.sel $0xFFFF  }
0x37: {  	[dreg:$0x0] =	wrdreg $0xFFFFFFFF;
	(pc) =	sbr.abs _section_cstart, $3  }
0x38: {  	[dreg:$0x1] =	wrdreg $0xFFFFFFFF  }
0x39: {  	_ =	task.clear_ibuf [dreg:s7], $0x2FFFF;
	_ =	strace $0x9FFFFFFF  }
0x3a: {  	(tm) =	ssettm $0x7FFFFFFF  }
0x3b: {  	_ =	shalt  }
tec
execute0_lowered:
.L_overlay_start_1:
0x0: {  	(tag) =	ssettag $0x1  }
0x1: {  	s0 =	srdreg.scid  }
0x2: {  	s1 =	sshll.u32 s0, $0x4  }
0x3: {  	s0 =	stileid.u32;
	s1 =	sand.u32 $0x10, s1  }
0x4: {  	s1 =	sor.u32 s0, s1  }
0x5: {  	s6 =	rddreg [dreg:$0x0];
	s4 =	simm.s32 $0x1;
	s2 =	sshll.u32 s1, $0x7  }
0x6: {  	s7 =	simm.s32 $0x2;
	s12 =	simm.s32 $0x0;
	s1 =	ssub.s32 $0x1000, s2  }
0x7: {  	s8 =	simm.s32 $0x8000;
	s13 =	simm.s32 $0x0;
	s3 =	sand.u32 $0xF80, s1  }
0x8: {  	s9 =	simm.s32 $0x0;
	s5 =	sshrl.u32 s1, $0xC;
	p0 =	sne.s32 s3, $0x0  }
.Ltmp0:
0x9: {  	s1 =	rddreg [dreg:$0x2];
	s4 =	simm.s32 @!p0 $0x0;
	(pc) =	sbr.rel .LBB1_1-.Ltmp0, $4  }
0xa: {  	s11 =	simm.s32 $0x0;
	s3 =	rddreg [dreg:$0x1];
	s5 =	sadd.s32 s4, s5  }
0xb: {  	_ =	strace $0x8000004A;
	s4 =	simm.s32 $0x1;
	s5 =	smul.u32 $0xC8, s5  }
0xc: {  	s6 =	sadd.s32 $0x1400, s6;
	s10 =	smov.u32 s2;
	[sflag:s4] =	ssyncpa.u1 $0x0  }
0xd: {  	p0 =	por $0x0, $0x0;
	[sflag:s7] =	ssyncpa.u1 $0x0;
	s7 =	sor.u32 $0x1, s5  }
.LBB1_4:
0xe: {  	s16 =	sshll.u32 s13, $0x3;
	s17 =	sand.u32 $0x78, s13  }
0xf: {  	s30 =	sand.u32 $0x7E00, s13;
	s12 =	sshll.u32 s12, $0xF;
	s16 =	sand.u32 $0xC00, s16  }
0x10: {  	[tilespmem:s15+$0x810 ss:$0x81] =	vst.msk $0xffff, v2;
	s31 =	sand.u32 $0x7, s13;
	s16 =	sor.u32 s17, s16;
	s17 =	sadd.s32 s3, s30  }
0x11: {  	[tilespmem:s15+$0x1020 ss:$0x81] =	vst.msk $0xffff, v0;
	s13 =	sshll.u32 s31, $0x12;
	s12 =	sadd.s32 s12, s17;
	s16 =	sshrl.u32 s16, $0x3  }
0x12: {  	[tilespmem:s15+$0x0 ss:$0x81] =	vst.msk $0xffff, v1;
	s13 =	sor.u32 $0x400, s13;
	s12 =	sadd.s32 s16, s12  }
0x13: {  	[hbm4b:s12+s13] =	stream.strided.scatter [tilespmem:s14], [sflag:$0x2], $0x2000, s8, s13, $0x20;
	[tilespmem:$0x8080] =	vst v63  }
.LBB1_5:
0x14: {  	s14 =	sadd.s32 $0x1, s9  }
0x15: {  	s12 =	sadd.s32 $0x1000, s10;
	s16 =	smov.u32 s10;
	p2 =	sgt.s32 s14, $0xC7  }
0x16: {  	s16 =	smov.u32 @p2 s12  }
0x17: {  	s14 =	simm.s32 @p2 $0x0;
	p2 =	sgt.s32 s16, $0xFFF  }
0x18: {  	s16 =	smov.u32 @p2 s2;
	p2 =	sne.s32 s11, s7  }
.Ltmp1:
0x19: {  	p1 =	slt.u32 s11, $0x2;
	(pc) =	sbr.rel @!p2 .LBB1_6-.Ltmp1, $4  }
0x1a: {  	s15 =	simm.s32 @!p1 $0x2  }
0x1b: {  	s13 =	smov.u32 s10;
	p0 =	por !p0, !p0;
	_ =	swait.ge @!p1 [sflag:s15], $0x2000  }
0x1c: {  	s12 =	smov.u32 s9;
	[sflag:s15] =	ssyncset.done @!p1 $0x0;
	s9 =	smov.u32 s14  }
0x1d: {  	s11 =	sadd.s32 $0x1, s11;
	[sflag:s15] =	ssyncadd.s32 @!p1 $0xFFFFE000;
	s10 =	smov.u32 s16  }
.LBB1_1:
0x1e: {  	p1 =	sge.u32 s11, s5  }
0x1f: {  	s14 =	sand.u32 @!p1 $0x1FFFFFF, s9  }
0x20: {  	s15 =	smulhi.u32 @!p1 $0x147AE15, s14;
	_ =	sdelay $0x1  }
0x21: {  	s15 =	smul.u32 @!p1 $0xC8, s15  }
0x22: {  	s16 =	sxor.u32 @!p1 $0xFFFFFFFF, s11;
	s17 =	smul.u32 @!p1 $0xC80, s10  }
0x23: {  	s31 =	sadd.s32 $0xFFFFFFFF, s11;
	s16 =	sshll.u32 @!p1 s16, $0xD;
	s14 =	ssub.s32 @!p1 s14, s15  }
0x24: {  	s15 =	sand.u32 @!p1 $0x2000, s16;
	s16 =	sadd.s32 @!p1 s6, s17;
	s14 =	sshll.u32 @!p1 s14, $0x4  }
0x25: {  	s17 =	simm.s32 @!p1 $0x6400;
	s14 =	sadd.s32 @!p1 s14, s16;
	s16 =	simm.s32 @!p1 $0x40  }
0x26: {  	[tilespmem:s15], [sflag:$0x1] =	stream.strided.gather @!p1 [hbm4b:s14+s16], $0x2000, s17, s16, $0x38;
	[tilespmem:$0x8080] =	vst v63  }
0x27: {  	p1 =	sge.u32 s31, s5  }
.Ltmp2:
0x28: {  	_ = 	snop;
	(pc) =	sbr.rel @p1 .LBB1_5-.Ltmp2, $1  }
0x29: {  	_ =	sdelay $0x3  }
0x2a: {  	s14 =	simm.s32 $0x1  }
0x2b: {  	_ =	swait.ge [sflag:s4], $0x2000;
	s14 =	simm.s32 @!p0 $0x0  }
0x2c: {  	[sflag:s4] =	ssyncset.done $0x0;
	s15 =	sshll.u32 s14, $0xD  }
0x2d: {  	[sflag:s4] =	ssyncadd.s32 $0xFFFFE000;
	s18 =	sor.u32 $0x20, s15  }
0x2e: {  	s14 =	smul.u32 $0x8100, s14;
	v3 =	vld [tilespmem:s18+$0x10]  }
0x2f: {  	s30 =	sand.u32 $0x1, s11;
	v2 =	vld [tilespmem:s18+$0xFFFFFFF0]  }
0x30: {  	s15 =	smul.u32 $0x8100, s30;
	s14 =	sshrl.u32 s14, $0x2;
	v0 =	vld [tilespmem:s18+$0x0]  }
0x31: {  	v1 =	vld [tilespmem:s18+$0xFFFFFFE0];
	s16 =	sor.u32 $0x4000, s14  }
0x32: {  	s31 =	sshrl.u32 s15, $0x2;
	s15 =	sadd.s32 $0x0, s16  }
0x33: {  	s17 =	simm.s32 $0x4;
	s18 =	sadd.s32 $0x40, s18;
	s14 =	sor.u32 $0x4000, s31;
	[tilespmem:s15+$0x1830 ss:$0x81] =	vst.msk $0xffff, v3  }
.LBB1_3:
0x34: {  	v3 =	vld [tilespmem:s18+$0x10];
	p1 =	sne.s32 s17, $0x1FC;
	[tilespmem:s15+$0x810 ss:$0x81] =	vst.msk $0xffff, v2;
	s19 =	smov.u32 s17;
	s17 =	sadd.s32 $0x4, s17  }
.Ltmp3:
0x35: {  	v2 =	vld [tilespmem:s18+$0xFFFFFFF0];
	[tilespmem:s15+$0x1020 ss:$0x81] =	vst.msk $0xffff, v0;
	(pc) =	sbr.rel @p1 .LBB1_3-.Ltmp3, $4  }
0x36: {  	v0 =	vld [tilespmem:s18+$0x0];
	[tilespmem:s15+$0x0 ss:$0x81] =	vst.msk $0xffff, v1  }
0x37: {  	s15 =	sshra.s32 s19, $0x2;
	v1 =	vld [tilespmem:s18+$0xFFFFFFE0]  }
0x38: {  	s15 =	sadd.s32 s15, s16  }
0x39: {  	s18 =	sadd.s32 $0x40, s18;
	[tilespmem:s15+$0x1830 ss:$0x81] =	vst.msk $0xffff, v3  }
.Ltmp4:
0x3a: {  	_ = 	snop;
	(pc) =	sbr.rel .LBB1_4-.Ltmp4, $1  }
0x3b: {  	_ =	sdelay $0x3  }
.LBB1_6:
0x3c: {  	_ =	sfence.sel $0x180000  }
0x3d: {  	s2 =	simm.s32 $0x1;
	[bflag:$0x0] =	sbarrier.arrive $0xFFFF  }
0x3e: {  	s31 =	simm.s32 $0x2;
	[sflag:s2] =	ssyncpa.u1 $0x1  }
0x3f: {  	[sflag:s31] =	ssyncpa.u1 $0x1  }
0x40: {  	p0 =	sne.s32 s0, $0x0;
	_ =	strace $0x9000004A  }
0x41: {  	s0 =	sadd.s32 @!p0 $0x100000, s1;
	[bflag:$0x2] =	sbarrier.arrive $0xFFFF  }
0x42: {  	[sflag:s0] =	ssyncadd.tile.s32 @!p0 $0x1;
	_ =	shalt  }
.Lfunc_end1:
_tile_overlayer_lowered:
.L_overlay_start_2:
0x43: {  	(tag) =	ssettag $0x2  }
0x44: {  	s0 =	rddreg [dreg:$0x0];
	s2 =	stileid.u32  }
0x45: {  	s1 =	rddreg [dreg:$0x1];
	p0 =	sne.s32 s2, $0x0  }
0x46: {  	s3 =	rddreg [dreg:$0x2];
	[bflag:$0x3] =	sbarrier.arrive $0xFFFF;
	s2 =	simm.s32 @!p0 $0x1C01  }
0x47: {  	[timem:s3], [sflag:s2] =	dma.local @!p0 [hbm:s0], s1  }
0x48: {  	s0 =	simm.s32 @!p0 $0x1  }
0x49: {  	_ =	swait.ge @!p0 [sflag:s0], s1  }
0x4a: {  	s1 =	ssub.s32 @!p0 $0x0, s1;
	[sflag:s0] =	ssyncset.done @!p0 $0x0  }
0x4b: {  	[sflag:s0] =	ssyncadd.s32 @!p0 s1  }
0x4c: {  	[bflag:$0x3] =	sbarrier.arrive $0xFFFF  }
0x4d: {  	_ =	shalt  }

</sc_bundles>
